<compile_context>
chip_gen: v7x
topology: tpu7x:2x2x1
jax: 0.10.2.dev20260603
libtpu: 0.0.44.dev20260713+nightly
codegen_flags: <defaults>
</compile_context>

<pallas_src>
import functools

import jax
import jax.numpy as jnp
from jax import lax
from jax.experimental import pallas as pl
from jax.experimental.pallas import tpu as pltpu
from jax.experimental.pallas import tpu_sc as plsc

DIM = 1024
ROWS = 1000
BATCH = 16384
NUM_CORES = 2
NUM_SUBCORES = 16
NUM_WORKERS = NUM_CORES * NUM_SUBCORES
B_PER_W = BATCH // NUM_WORKERS
STAGE = 64

SP_ROWS = 256
CHUNK = 32
NSUPER = 4


@jax.jit
def _gather(timestep, pe_matrix):
    mesh = plsc.VectorSubcoreMesh(
        core_axis_name="c", subcore_axis_name="s",
        num_cores=NUM_CORES, num_subcores=NUM_SUBCORES,
    )

    @functools.partial(
        pl.kernel,
        out_type=jax.ShapeDtypeStruct((BATCH, DIM), jnp.float32),
        mesh=mesh,
        scratch_types=[
            pltpu.VMEM((B_PER_W,), jnp.int32),
            pltpu.VMEM((CHUNK, DIM), jnp.float32),
            pltpu.VMEM((CHUNK, DIM), jnp.float32),
            pltpu.VMEM_SHARED((ROWS, DIM), jnp.float32),
            pltpu.SemaphoreType.DMA,
            pltpu.SemaphoreType.DMA,
            pltpu.SemaphoreType.DMA,
            pltpu.SemaphoreType.DMA,
            pltpu.SemaphoreType.DMA,
        ],
    )
    def body(idx_hbm, table_hbm, out_hbm, idx_v, buf0, buf1, table_sh,
             ssem, g0, g1, p0, p1):
        cid = lax.axis_index("c")
        sid = lax.axis_index("s")
        wid = sid * NUM_CORES + cid
        base = wid * B_PER_W

        @pl.when(sid < NUM_SUBCORES - 1)
        def _():
            sl = pl.ds(sid * STAGE, STAGE)
            pltpu.sync_copy(table_hbm.at[sl], table_sh.at[sl])

        @pl.when(sid == NUM_SUBCORES - 1)
        def _():
            sl = pl.ds((NUM_SUBCORES - 1) * STAGE,
                       ROWS - (NUM_SUBCORES - 1) * STAGE)
            pltpu.sync_copy(table_hbm.at[sl], table_sh.at[sl])

        pltpu.sync_copy(idx_hbm.at[pl.ds(base, B_PER_W)], idx_v)
        plsc.subcore_barrier()

        tp_base = base + SP_ROWS

        def gather(c, buf, sem):
            idx_c = idx_v.at[pl.ds(SP_ROWS + c * CHUNK, CHUNK)]
            return pltpu.async_copy(table_hbm.at[idx_c], buf, sem)

        def put(c, buf, sem):
            dst = out_hbm.at[pl.ds(tp_base + c * CHUNK, CHUNK)]
            return pltpu.async_copy(buf, dst, sem)

        def sp_group(g):
            v = idx_v[pl.ds(g * 16, 16)]
            copies = []
            for e in range(16):
                r = v[e]
                copies.append(pltpu.async_copy(
                    table_sh.at[pl.ds(r, 1)],
                    out_hbm.at[pl.ds(base + g * 16 + e, 1)],
                    ssem,
                ))
            return copies

        def super_iter(k, _):
            ga = gather(2 * k, buf0, g0)
            sp = sp_group(4 * k)
            gb = gather(2 * k + 1, buf1, g1)
            sp += sp_group(4 * k + 1)
            ga.wait()
            pa = put(2 * k, buf0, p0)
            sp += sp_group(4 * k + 2)
            gb.wait()
            pb = put(2 * k + 1, buf1, p1)
            sp += sp_group(4 * k + 3)
            for c in sp:
                c.wait()
            pa.wait()
            pb.wait()
            return 0

        lax.fori_loop(0, NSUPER, super_iter, 0)

    return body(timestep, pe_matrix)


def kernel(timestep, pe_matrix):
    return _gather(timestep.astype(jnp.int32), pe_matrix)

# --- scband reference (transcript-rebuilt; emitter-appended) ---
"""Pipeline reference for scband-transformer-positional-embedding-69243462746491 (READ-ONLY COPY).

The authoritative reference and input builder live on the scoring server;
editing this copy changes nothing except your own understanding.
"""

import jax, jax.numpy as jnp
import numpy as np

DIMENSION = 1024
MAX_TIMESTEPS = 1000
BATCH = 16384

def _build_pe_matrix():
    pe = np.zeros((MAX_TIMESTEPS, DIMENSION), dtype=np.float32)
    even_indices = np.arange(0, DIMENSION, 2, dtype=np.float32)
    log_term = np.log(10000.0) / DIMENSION
    div_term = np.exp(even_indices * -log_term)
    timesteps = np.arange(MAX_TIMESTEPS, dtype=np.float32)[:, None]
    pe[:, 0::2] = np.sin(timesteps * div_term)
    pe[:, 1::2] = np.cos(timesteps * div_term)
    return jnp.asarray(pe)

def setup_inputs(seed: int = 0) -> dict:
    key = jax.random.key(seed)
    k1, _ = jax.random.split(key)
    timestep = jax.random.randint(k1, (BATCH,), 0, MAX_TIMESTEPS, dtype=jnp.int64 if jax.config.jax_enable_x64 else jnp.int32)
    pe_matrix = _build_pe_matrix()
    return {"timestep": timestep, "pe_matrix": pe_matrix}

def reference(timestep, pe_matrix):
    # Faithful translation of forward: simple row gather from the
    # precomputed sinusoidal positional-embedding buffer.
    return jnp.take(pe_matrix, timestep, axis=0)

if __name__ == "__main__":
    import jax
    _d = setup_inputs()
    print(jax.jit(kernel)(*tuple(_d.values())))

</pallas_src>

<mosaic_0001>
#map = affine_map<(d0, d1) -> (0)>
#map1 = affine_map<(d0, d1) -> (0, 0)>
module attributes {stable_mosaic.version = 14 : i64} {
  func.func @body(%arg0: i32, %arg1: i32, %arg2: memref<16384xi32, #tpu.memory_space<hbm>>, %arg3: memref<1000x1024xf32, #tpu.memory_space<hbm>>, %arg4: memref<16384x1024xf32, #tpu.memory_space<hbm>>, %arg5: memref<512xi32, #tpu.memory_space<vmem>>, %arg6: memref<32x1024xf32, #tpu.memory_space<vmem>>, %arg7: memref<32x1024xf32, #tpu.memory_space<vmem>>, %arg8: memref<1000x1024xf32, #tpu.memory_space<vmem_shared>>, %arg9: memref<!tpu.dma_semaphore, #tpu.memory_space<semaphore_mem>>, %arg10: memref<!tpu.dma_semaphore, #tpu.memory_space<semaphore_mem>>, %arg11: memref<!tpu.dma_semaphore, #tpu.memory_space<semaphore_mem>>, %arg12: memref<!tpu.dma_semaphore, #tpu.memory_space<semaphore_mem>>, %arg13: memref<!tpu.dma_semaphore, #tpu.memory_space<semaphore_mem>>) attributes {dimension_semantics = [#tpu.dimension_semantics<core_parallel>, #tpu.dimension_semantics<subcore_parallel>], iteration_bounds = array<i64: 2, 16>, scalar_prefetch = 0 : i64, scratch_operands = 9 : i64, tpu.core_type = #tpu.core_type<sc_vector_subcore>, window_params = [{transform_indices = #map}, {transform_indices = #map1}, {transform_indices = #map1}]} {
    %mul3A = arith.constant 2 : i32
    %mul3A_0 = arith.muli %arg1, %mul3A : i32
    %add3A = arith.addi %mul3A_0, %arg0 : i32
    %mul3A_1 = arith.constant 512 : i32
    %mul3A_2 = arith.muli %add3A, %mul3A_1 : i32
    %lt3A = arith.constant 15 : i32
    %lt3A_3 = arith.cmpi slt, %arg1, %lt3A : i32
    %convert_element_type3A = arith.extui %lt3A_3 : i1 to i32
    %cond3A = arith.constant 0 : i32
    %cond3A_4 = arith.cmpi ne, %convert_element_type3A, %cond3A : i32
    scf.if %cond3A_4 {
      %mul3A_17 = arith.constant 64 : i32
      %mul3A_18 = arith.muli %arg1, %mul3A_17 : i32
      "tpu.region"() ({
        %run_scoped3A = tpu.sem_alloc : memref<!tpu.dma_semaphore, #tpu.memory_space<semaphore_mem>>
        %dma_start3A = arith.constant 0 : i32
        %dma_start3A_19 = tpu.memref_slice %arg8[%mul3A_18, %dma_start3A] : memref<1000x1024xf32, #tpu.memory_space<vmem_shared>> -> memref<64x1024xf32, #tpu.memory_space<vmem_shared>>
        %dma_start3A_20 = arith.constant 0 : i32
        %dma_start3A_21 = tpu.memref_slice %arg3[%mul3A_18, %dma_start3A_20] : memref<1000x1024xf32, #tpu.memory_space<hbm>> -> memref<64x1024xf32, #tpu.memory_space<hbm>>
        tpu.enqueue_dma source(%dma_start3A_21 : memref<64x1024xf32, #tpu.memory_space<hbm>>) target(%dma_start3A_19 : memref<64x1024xf32, #tpu.memory_space<vmem_shared>>) target_semaphore(%run_scoped3A : memref<!tpu.dma_semaphore, #tpu.memory_space<semaphore_mem>>)
        %dma_wait3A = arith.constant 0 : i32
        %dma_wait3A_22 = tpu.memref_slice %arg8[%mul3A_18, %dma_wait3A] : memref<1000x1024xf32, #tpu.memory_space<vmem_shared>> -> memref<64x1024xf32, #tpu.memory_space<vmem_shared>>
        %dma_wait3A_23 = arith.constant 0 : i32
        %dma_wait3A_24 = tpu.memref_slice %arg3[%mul3A_18, %dma_wait3A_23] : memref<1000x1024xf32, #tpu.memory_space<hbm>> -> memref<64x1024xf32, #tpu.memory_space<hbm>>
        tpu.wait_dma2 semaphore(%run_scoped3A : memref<!tpu.dma_semaphore, #tpu.memory_space<semaphore_mem>>) src(%dma_wait3A_24 : memref<64x1024xf32, #tpu.memory_space<hbm>>) dst(%dma_wait3A_22 : memref<64x1024xf32, #tpu.memory_space<vmem_shared>>)
        tpu.yield
      }) : () -> ()
    } else {
    }
    %eq3A = arith.constant 15 : i32
    %eq3A_5 = arith.cmpi eq, %arg1, %eq3A : i32
    %convert_element_type3A_6 = arith.extui %eq3A_5 : i1 to i32
    %cond3A_7 = arith.constant 0 : i32
    %cond3A_8 = arith.cmpi ne, %convert_element_type3A_6, %cond3A_7 : i32
    scf.if %cond3A_8 {
      "tpu.region"() ({
        %run_scoped3A = tpu.sem_alloc : memref<!tpu.dma_semaphore, #tpu.memory_space<semaphore_mem>>
        %dma_start3A = arith.constant 960 : i32
        %dma_start3A_17 = arith.constant 0 : i32
        %dma_start3A_18 = tpu.memref_slice %arg8[%dma_start3A, %dma_start3A_17] : memref<1000x1024xf32, #tpu.memory_space<vmem_shared>> -> memref<40x1024xf32, #tpu.memory_space<vmem_shared>>
        %dma_start3A_19 = arith.constant 960 : i32
        %dma_start3A_20 = arith.constant 0 : i32
        %dma_start3A_21 = tpu.memref_slice %arg3[%dma_start3A_19, %dma_start3A_20] : memref<1000x1024xf32, #tpu.memory_space<hbm>> -> memref<40x1024xf32, #tpu.memory_space<hbm>>
        tpu.enqueue_dma source(%dma_start3A_21 : memref<40x1024xf32, #tpu.memory_space<hbm>>) target(%dma_start3A_18 : memref<40x1024xf32, #tpu.memory_space<vmem_shared>>) target_semaphore(%run_scoped3A : memref<!tpu.dma_semaphore, #tpu.memory_space<semaphore_mem>>)
        %dma_wait3A = arith.constant 960 : i32
        %dma_wait3A_22 = arith.constant 0 : i32
        %dma_wait3A_23 = tpu.memref_slice %arg8[%dma_wait3A, %dma_wait3A_22] : memref<1000x1024xf32, #tpu.memory_space<vmem_shared>> -> memref<40x1024xf32, #tpu.memory_space<vmem_shared>>
        %dma_wait3A_24 = arith.constant 960 : i32
        %dma_wait3A_25 = arith.constant 0 : i32
        %dma_wait3A_26 = tpu.memref_slice %arg3[%dma_wait3A_24, %dma_wait3A_25] : memref<1000x1024xf32, #tpu.memory_space<hbm>> -> memref<40x1024xf32, #tpu.memory_space<hbm>>
        tpu.wait_dma2 semaphore(%run_scoped3A : memref<!tpu.dma_semaphore, #tpu.memory_space<semaphore_mem>>) src(%dma_wait3A_26 : memref<40x1024xf32, #tpu.memory_space<hbm>>) dst(%dma_wait3A_23 : memref<40x1024xf32, #tpu.memory_space<vmem_shared>>)
        tpu.yield
      }) : () -> ()
    } else {
    }
    "tpu.region"() ({
      %run_scoped3A = tpu.sem_alloc : memref<!tpu.dma_semaphore, #tpu.memory_space<semaphore_mem>>
      %dma_start3A = tpu.memref_slice %arg2[%mul3A_2] : memref<16384xi32, #tpu.memory_space<hbm>> -> memref<512xi32, #tpu.memory_space<hbm>>
      %dma_start3A_17 = tpu.memref_slice %arg2[%mul3A_2] : memref<16384xi32, #tpu.memory_space<hbm>> -> memref<512xi32, #tpu.memory_space<hbm>>
      tpu.enqueue_dma source(%dma_start3A_17 : memref<512xi32, #tpu.memory_space<hbm>>) target(%arg5 : memref<512xi32, #tpu.memory_space<vmem>>) target_semaphore(%run_scoped3A : memref<!tpu.dma_semaphore, #tpu.memory_space<semaphore_mem>>)
      %dma_wait3A = tpu.memref_slice %arg2[%mul3A_2] : memref<16384xi32, #tpu.memory_space<hbm>> -> memref<512xi32, #tpu.memory_space<hbm>>
      %dma_wait3A_18 = tpu.memref_slice %arg2[%mul3A_2] : memref<16384xi32, #tpu.memory_space<hbm>> -> memref<512xi32, #tpu.memory_space<hbm>>
      tpu.wait_dma2 semaphore(%run_scoped3A : memref<!tpu.dma_semaphore, #tpu.memory_space<semaphore_mem>>) src(%dma_wait3A_18 : memref<512xi32, #tpu.memory_space<hbm>>) dst(%arg5 : memref<512xi32, #tpu.memory_space<vmem>>)
      tpu.yield
    }) : () -> ()
    %barrier3A = arith.constant 0 : index
    tpu.barrier barrier_id(%barrier3A)
    %add3A_9 = arith.constant 256 : i32
    %add3A_10 = arith.addi %mul3A_2, %add3A_9 : i32
    %scan3A = arith.constant 0 : i32
    %scan3A_11 = arith.constant 0 : i32
    %scan3A_12 = arith.constant 4 : i32
    %scan3A_13 = arith.addi %scan3A_11, %scan3A_12 : i32
    %scan3A_14 = arith.constant 1 : i32
    %scan3A_15 = scf.for %scan3A_17 = %scan3A_11 to %scan3A_13 step %scan3A_14 iter_args(%scan3A_18 = %scan3A) -> (i32)  : i32 {
      %mul3A_19 = arith.constant 2 : i32
      %mul3A_20 = arith.muli %mul3A_19, %scan3A_17 : i32
      %mul3A_21 = arith.constant 32 : i32
      %mul3A_22 = arith.muli %mul3A_20, %mul3A_21 : i32
      %add3A_23 = arith.constant 256 : i32
      %add3A_24 = arith.addi %add3A_23, %mul3A_22 : i32
      %dma_start3A = tpu.memref_slice %arg5[%add3A_24] : memref<512xi32, #tpu.memory_space<vmem>> -> memref<32xi32, #tpu.memory_space<vmem>>
      %dma_start3A_25 = arith.constant 0 : i32
      %dma_start3A_26 = arith.constant 0 : i32
      %dma_start3A_27 = tpu.memref_slice %arg3[%dma_start3A_25, %dma_start3A_26] : memref<1000x1024xf32, #tpu.memory_space<hbm>> -> memref<1000x1024xf32, #tpu.memory_space<hbm>>
      tpu.enqueue_indirect_dma source(%dma_start3A_27 : memref<1000x1024xf32, #tpu.memory_space<hbm>>) target(%arg6 : memref<32x1024xf32, #tpu.memory_space<vmem>>) offsets(%dma_start3A : memref<32xi32, #tpu.memory_space<vmem>>) semaphore(%arg10 : memref<!tpu.dma_semaphore, #tpu.memory_space<semaphore_mem>>)
      %mul3A_28 = arith.constant 4 : i32
      %mul3A_29 = arith.muli %mul3A_28, %scan3A_17 : i32
      %mul3A_30 = arith.constant 16 : i32
      %mul3A_31 = arith.muli %mul3A_29, %mul3A_30 : i32
      %get3A = arith.index_cast %mul3A_31 : i32 to index
      %get3A_32 = tpu.vector_load %arg5[%get3A] {strides = array<i32>} : memref<512xi32, #tpu.memory_space<vmem>>, vector<16xi32>,
      %get3A_33 = vector.shape_cast %get3A_32 : vector<16xi32> to vector<16xi32>
      %slice3A = vector.extract_strided_slice %get3A_33 {offsets = [0], sizes = [1], strides = [1]} : vector<16xi32> to vector<1xi32>
      %squeeze3A = vector.extract %slice3A[0] : i32 from vector<1xi32>
      %mul3A_34 = arith.constant 16 : i32
      %mul3A_35 = arith.muli %mul3A_29, %mul3A_34 : i32
      %add3A_36 = arith.addi %mul3A_2, %mul3A_35 : i32
      %add3A_37 = arith.constant 0 : i32
      %add3A_38 = arith.addi %add3A_36, %add3A_37 : i32
      %dma_start3A_39 = arith.constant 0 : i32
      %dma_start3A_40 = tpu.memref_slice %arg4[%add3A_38, %dma_start3A_39] : memref<16384x1024xf32, #tpu.memory_space<hbm>> -> memref<1x1024xf32, #tpu.memory_space<hbm>>
      %dma_start3A_41 = arith.constant 0 : i32
      %dma_start3A_42 = tpu.memref_slice %arg8[%squeeze3A, %dma_start3A_41] : memref<1000x1024xf32, #tpu.memory_space<vmem_shared>> -> memref<1x1024xf32, #tpu.memory_space<vmem_shared>>
      tpu.enqueue_dma source(%dma_start3A_42 : memref<1x1024xf32, #tpu.memory_space<vmem_shared>>) target(%dma_start3A_40 : memref<1x1024xf32, #tpu.memory_space<hbm>>) target_semaphore(%arg9 : memref<!tpu.dma_semaphore, #tpu.memory_space<semaphore_mem>>)
      %slice3A_43 = vector.extract_strided_slice %get3A_33 {offsets = [1], sizes = [1], strides = [1]} : vector<16xi32> to vector<1xi32>
      %squeeze3A_44 = vector.extract %slice3A_43[0] : i32 from vector<1xi32>
      %mul3A_45 = arith.constant 16 : i32
      %mul3A_46 = arith.muli %mul3A_29, %mul3A_45 : i32
      %add3A_47 = arith.addi %mul3A_2, %mul3A_46 : i32
      %add3A_48 = arith.constant 1 : i32
      %add3A_49 = arith.addi %add3A_47, %add3A_48 : i32
      %dma_start3A_50 = arith.constant 0 : i32
      %dma_start3A_51 = tpu.memref_slice %arg4[%add3A_49, %dma_start3A_50] : memref<16384x1024xf32, #tpu.memory_space<hbm>> -> memref<1x1024xf32, #tpu.memory_space<hbm>>
      %dma_start3A_52 = arith.constant 0 : i32
      %dma_start3A_53 = tpu.memref_slice %arg8[%squeeze3A_44, %dma_start3A_52] : memref<1000x1024xf32, #tpu.memory_space<vmem_shared>> -> memref<1x1024xf32, #tpu.memory_space<vmem_shared>>
      tpu.enqueue_dma source(%dma_start3A_53 : memref<1x1024xf32, #tpu.memory_space<vmem_shared>>) target(%dma_start3A_51 : memref<1x1024xf32, #tpu.memory_space<hbm>>) target_semaphore(%arg9 : memref<!tpu.dma_semaphore, #tpu.memory_space<semaphore_mem>>)
      %slice3A_54 = vector.extract_strided_slice %get3A_33 {offsets = [2], sizes = [1], strides = [1]} : vector<16xi32> to vector<1xi32>
      %squeeze3A_55 = vector.extract %slice3A_54[0] : i32 from vector<1xi32>
      %mul3A_56 = arith.constant 16 : i32
      %mul3A_57 = arith.muli %mul3A_29, %mul3A_56 : i32
      %add3A_58 = arith.addi %mul3A_2, %mul3A_57 : i32
      %add3A_59 = arith.constant 2 : i32
      %add3A_60 = arith.addi %add3A_58, %add3A_59 : i32
      %dma_start3A_61 = arith.constant 0 : i32
      %dma_start3A_62 = tpu.memref_slice %arg4[%add3A_60, %dma_start3A_61] : memref<16384x1024xf32, #tpu.memory_space<hbm>> -> memref<1x1024xf32, #tpu.memory_space<hbm>>
      %dma_start3A_63 = arith.constant 0 : i32
      %dma_start3A_64 = tpu.memref_slice %arg8[%squeeze3A_55, %dma_start3A_63] : memref<1000x1024xf32, #tpu.memory_space<vmem_shared>> -> memref<1x1024xf32, #tpu.memory_space<vmem_shared>>
      tpu.enqueue_dma source(%dma_start3A_64 : memref<1x1024xf32, #tpu.memory_space<vmem_shared>>) target(%dma_start3A_62 : memref<1x1024xf32, #tpu.memory_space<hbm>>) target_semaphore(%arg9 : memref<!tpu.dma_semaphore, #tpu.memory_space<semaphore_mem>>)
      %slice3A_65 = vector.extract_strided_slice %get3A_33 {offsets = [3], sizes = [1], strides = [1]} : vector<16xi32> to vector<1xi32>
      %squeeze3A_66 = vector.extract %slice3A_65[0] : i32 from vector<1xi32>
      %mul3A_67 = arith.constant 16 : i32
      %mul3A_68 = arith.muli %mul3A_29, %mul3A_67 : i32
      %add3A_69 = arith.addi %mul3A_2, %mul3A_68 : i32
      %add3A_70 = arith.constant 3 : i32
      %add3A_71 = arith.addi %add3A_69, %add3A_70 : i32
      %dma_start3A_72 = arith.constant 0 : i32
      %dma_start3A_73 = tpu.memref_slice %arg4[%add3A_71, %dma_start3A_72] : memref<16384x1024xf32, #tpu.memory_space<hbm>> -> memref<1x1024xf32, #tpu.memory_space<hbm>>
      %dma_start3A_74 = arith.constant 0 : i32
      %dma_start3A_75 = tpu.memref_slice %arg8[%squeeze3A_66, %dma_start3A_74] : memref<1000x1024xf32, #tpu.memory_space<vmem_shared>> -> memref<1x1024xf32, #tpu.memory_space<vmem_shared>>
      tpu.enqueue_dma source(%dma_start3A_75 : memref<1x1024xf32, #tpu.memory_space<vmem_shared>>) target(%dma_start3A_73 : memref<1x1024xf32, #tpu.memory_space<hbm>>) target_semaphore(%arg9 : memref<!tpu.dma_semaphore, #tpu.memory_space<semaphore_mem>>)
      %slice3A_76 = vector.extract_strided_slice %get3A_33 {offsets = [4], sizes = [1], strides = [1]} : vector<16xi32> to vector<1xi32>
      %squeeze3A_77 = vector.extract %slice3A_76[0] : i32 from vector<1xi32>
      %mul3A_78 = arith.constant 16 : i32
      %mul3A_79 = arith.muli %mul3A_29, %mul3A_78 : i32
      %add3A_80 = arith.addi %mul3A_2, %mul3A_79 : i32
      %add3A_81 = arith.constant 4 : i32
      %add3A_82 = arith.addi %add3A_80, %add3A_81 : i32
      %dma_start3A_83 = arith.constant 0 : i32
      %dma_start3A_84 = tpu.memref_slice %arg4[%add3A_82, %dma_start3A_83] : memref<16384x1024xf32, #tpu.memory_space<hbm>> -> memref<1x1024xf32, #tpu.memory_space<hbm>>
      %dma_start3A_85 = arith.constant 0 : i32
      %dma_start3A_86 = tpu.memref_slice %arg8[%squeeze3A_77, %dma_start3A_85] : memref<1000x1024xf32, #tpu.memory_space<vmem_shared>> -> memref<1x1024xf32, #tpu.memory_space<vmem_shared>>
      tpu.enqueue_dma source(%dma_start3A_86 : memref<1x1024xf32, #tpu.memory_space<vmem_shared>>) target(%dma_start3A_84 : memref<1x1024xf32, #tpu.memory_space<hbm>>) target_semaphore(%arg9 : memref<!tpu.dma_semaphore, #tpu.memory_space<semaphore_mem>>)
      %slice3A_87 = vector.extract_strided_slice %get3A_33 {offsets = [5], sizes = [1], strides = [1]} : vector<16xi32> to vector<1xi32>
      %squeeze3A_88 = vector.extract %slice3A_87[0] : i32 from vector<1xi32>
      %mul3A_89 = arith.constant 16 : i32
      %mul3A_90 = arith.muli %mul3A_29, %mul3A_89 : i32
      %add3A_91 = arith.addi %mul3A_2, %mul3A_90 : i32
      %add3A_92 = arith.constant 5 : i32
      %add3A_93 = arith.addi %add3A_91, %add3A_92 : i32
      %dma_start3A_94 = arith.constant 0 : i32
      %dma_start3A_95 = tpu.memref_slice %arg4[%add3A_93, %dma_start3A_94] : memref<16384x1024xf32, #tpu.memory_space<hbm>> -> memref<1x1024xf32, #tpu.memory_space<hbm>>
      %dma_start3A_96 = arith.constant 0 : i32
      %dma_start3A_97 = tpu.memref_slice %arg8[%squeeze3A_88, %dma_start3A_96] : memref<1000x1024xf32, #tpu.memory_space<vmem_shared>> -> memref<1x1024xf32, #tpu.memory_space<vmem_shared>>
      tpu.enqueue_dma source(%dma_start3A_97 : memref<1x1024xf32, #tpu.memory_space<vmem_shared>>) target(%dma_start3A_95 : memref<1x1024xf32, #tpu.memory_space<hbm>>) target_semaphore(%arg9 : memref<!tpu.dma_semaphore, #tpu.memory_space<semaphore_mem>>)
      %slice3A_98 = vector.extract_strided_slice %get3A_33 {offsets = [6], sizes = [1], strides = [1]} : vector<16xi32> to vector<1xi32>
      %squeeze3A_99 = vector.extract %slice3A_98[0] : i32 from vector<1xi32>
      %mul3A_100 = arith.constant 16 : i32
      %mul3A_101 = arith.muli %mul3A_29, %mul3A_100 : i32
      %add3A_102 = arith.addi %mul3A_2, %mul3A_101 : i32
      %add3A_103 = arith.constant 6 : i32
      %add3A_104 = arith.addi %add3A_102, %add3A_103 : i32
      %dma_start3A_105 = arith.constant 0 : i32
      %dma_start3A_106 = tpu.memref_slice %arg4[%add3A_104, %dma_start3A_105] : memref<16384x1024xf32, #tpu.memory_space<hbm>> -> memref<1x1024xf32, #tpu.memory_space<hbm>>
      %dma_start3A_107 = arith.constant 0 : i32
      %dma_start3A_108 = tpu.memref_slice %arg8[%squeeze3A_99, %dma_start3A_107] : memref<1000x1024xf32, #tpu.memory_space<vmem_shared>> -> memref<1x1024xf32, #tpu.memory_space<vmem_shared>>
      tpu.enqueue_dma source(%dma_start3A_108 : memref<1x1024xf32, #tpu.memory_space<vmem_shared>>) target(%dma_start3A_106 : memref<1x1024xf32, #tpu.memory_space<hbm>>) target_semaphore(%arg9 : memref<!tpu.dma_semaphore, #tpu.memory_space<semaphore_mem>>)
      %slice3A_109 = vector.extract_strided_slice %get3A_33 {offsets = [7], sizes = [1], strides = [1]} : vector<16xi32> to vector<1xi32>
      %squeeze3A_110 = vector.extract %slice3A_109[0] : i32 from vector<1xi32>
      %mul3A_111 = arith.constant 16 : i32
      %mul3A_112 = arith.muli %mul3A_29, %mul3A_111 : i32
      %add3A_113 = arith.addi %mul3A_2, %mul3A_112 : i32
      %add3A_114 = arith.constant 7 : i32
      %add3A_115 = arith.addi %add3A_113, %add3A_114 : i32
      %dma_start3A_116 = arith.constant 0 : i32
      %dma_start3A_117 = tpu.memref_slice %arg4[%add3A_115, %dma_start3A_116] : memref<16384x1024xf32, #tpu.memory_space<hbm>> -> memref<1x1024xf32, #tpu.memory_space<hbm>>
      %dma_start3A_118 = arith.constant 0 : i32
      %dma_start3A_119 = tpu.memref_slice %arg8[%squeeze3A_110, %dma_start3A_118] : memref<1000x1024xf32, #tpu.memory_space<vmem_shared>> -> memref<1x1024xf32, #tpu.memory_space<vmem_shared>>
      tpu.enqueue_dma source(%dma_start3A_119 : memref<1x1024xf32, #tpu.memory_space<vmem_shared>>) target(%dma_start3A_117 : memref<1x1024xf32, #tpu.memory_space<hbm>>) target_semaphore(%arg9 : memref<!tpu.dma_semaphore, #tpu.memory_space<semaphore_mem>>)
      %slice3A_120 = vector.extract_strided_slice %get3A_33 {offsets = [8], sizes = [1], strides = [1]} : vector<16xi32> to vector<1xi32>
      %squeeze3A_121 = vector.extract %slice3A_120[0] : i32 from vector<1xi32>
      %mul3A_122 = arith.constant 16 : i32
      %mul3A_123 = arith.muli %mul3A_29, %mul3A_122 : i32
      %add3A_124 = arith.addi %mul3A_2, %mul3A_123 : i32
      %add3A_125 = arith.constant 8 : i32
      %add3A_126 = arith.addi %add3A_124, %add3A_125 : i32
      %dma_start3A_127 = arith.constant 0 : i32
      %dma_start3A_128 = tpu.memref_slice %arg4[%add3A_126, %dma_start3A_127] : memref<16384x1024xf32, #tpu.memory_space<hbm>> -> memref<1x1024xf32, #tpu.memory_space<hbm>>
      %dma_start3A_129 = arith.constant 0 : i32
      %dma_start3A_130 = tpu.memref_slice %arg8[%squeeze3A_121, %dma_start3A_129] : memref<1000x1024xf32, #tpu.memory_space<vmem_shared>> -> memref<1x1024xf32, #tpu.memory_space<vmem_shared>>
      tpu.enqueue_dma source(%dma_start3A_130 : memref<1x1024xf32, #tpu.memory_space<vmem_shared>>) target(%dma_start3A_128 : memref<1x1024xf32, #tpu.memory_space<hbm>>) target_semaphore(%arg9 : memref<!tpu.dma_semaphore, #tpu.memory_space<semaphore_mem>>)
      %slice3A_131 = vector.extract_strided_slice %get3A_33 {offsets = [9], sizes = [1], strides = [1]} : vector<16xi32> to vector<1xi32>
      %squeeze3A_132 = vector.extract %slice3A_131[0] : i32 from vector<1xi32>
      %mul3A_133 = arith.constant 16 : i32
      %mul3A_134 = arith.muli %mul3A_29, %mul3A_133 : i32
      %add3A_135 = arith.addi %mul3A_2, %mul3A_134 : i32
      %add3A_136 = arith.constant 9 : i32
      %add3A_137 = arith.addi %add3A_135, %add3A_136 : i32
      %dma_start3A_138 = arith.constant 0 : i32
      %dma_start3A_139 = tpu.memref_slice %arg4[%add3A_137, %dma_start3A_138] : memref<16384x1024xf32, #tpu.memory_space<hbm>> -> memref<1x1024xf32, #tpu.memory_space<hbm>>
      %dma_start3A_140 = arith.constant 0 : i32
      %dma_start3A_141 = tpu.memref_slice %arg8[%squeeze3A_132, %dma_start3A_140] : memref<1000x1024xf32, #tpu.memory_space<vmem_shared>> -> memref<1x1024xf32, #tpu.memory_space<vmem_shared>>
      tpu.enqueue_dma source(%dma_start3A_141 : memref<1x1024xf32, #tpu.memory_space<vmem_shared>>) target(%dma_start3A_139 : memref<1x1024xf32, #tpu.memory_space<hbm>>) target_semaphore(%arg9 : memref<!tpu.dma_semaphore, #tpu.memory_space<semaphore_mem>>)
      %slice3A_142 = vector.extract_strided_slice %get3A_33 {offsets = [10], sizes = [1], strides = [1]} : vector<16xi32> to vector<1xi32>
      %squeeze3A_143 = vector.extract %slice3A_142[0] : i32 from vector<1xi32>
      %mul3A_144 = arith.constant 16 : i32
      %mul3A_145 = arith.muli %mul3A_29, %mul3A_144 : i32
      %add3A_146 = arith.addi %mul3A_2, %mul3A_145 : i32
      %add3A_147 = arith.constant 10 : i32
      %add3A_148 = arith.addi %add3A_146, %add3A_147 : i32
      %dma_start3A_149 = arith.constant 0 : i32
      %dma_start3A_150 = tpu.memref_slice %arg4[%add3A_148, %dma_start3A_149] : memref<16384x1024xf32, #tpu.memory_space<hbm>> -> memref<1x1024xf32, #tpu.memory_space<hbm>>
      %dma_start3A_151 = arith.constant 0 : i32
      %dma_start3A_152 = tpu.memref_slice %arg8[%squeeze3A_143, %dma_start3A_151] : memref<1000x1024xf32, #tpu.memory_space<vmem_shared>> -> memref<1x1024xf32, #tpu.memory_space<vmem_shared>>
      tpu.enqueue_dma source(%dma_start3A_152 : memref<1x1024xf32, #tpu.memory_space<vmem_shared>>) target(%dma_start3A_150 : memref<1x1024xf32, #tpu.memory_space<hbm>>) target_semaphore(%arg9 : memref<!tpu.dma_semaphore, #tpu.memory_space<semaphore_mem>>)
      %slice3A_153 = vector.extract_strided_slice %get3A_33 {offsets = [11], sizes = [1], strides = [1]} : vector<16xi32> to vector<1xi32>
      %squeeze3A_154 = vector.extract %slice3A_153[0] : i32 from vector<1xi32>
      %mul3A_155 = arith.constant 16 : i32
      %mul3A_156 = arith.muli %mul3A_29, %mul3A_155 : i32
      %add3A_157 = arith.addi %mul3A_2, %mul3A_156 : i32
      %add3A_158 = arith.constant 11 : i32
      %add3A_159 = arith.addi %add3A_157, %add3A_158 : i32
      %dma_start3A_160 = arith.constant 0 : i32
      %dma_start3A_161 = tpu.memref_slice %arg4[%add3A_159, %dma_start3A_160] : memref<16384x1024xf32, #tpu.memory_space<hbm>> -> memref<1x1024xf32, #tpu.memory_space<hbm>>
      %dma_start3A_162 = arith.constant 0 : i32
      %dma_start3A_163 = tpu.memref_slice %arg8[%squeeze3A_154, %dma_start3A_162] : memref<1000x1024xf32, #tpu.memory_space<vmem_shared>> -> memref<1x1024xf32, #tpu.memory_space<vmem_shared>>
      tpu.enqueue_dma source(%dma_start3A_163 : memref<1x1024xf32, #tpu.memory_space<vmem_shared>>) target(%dma_start3A_161 : memref<1x1024xf32, #tpu.memory_space<hbm>>) target_semaphore(%arg9 : memref<!tpu.dma_semaphore, #tpu.memory_space<semaphore_mem>>)
      %slice3A_164 = vector.extract_strided_slice %get3A_33 {offsets = [12], sizes = [1], strides = [1]} : vector<16xi32> to vector<1xi32>
      %squeeze3A_165 = vector.extract %slice3A_164[0] : i32 from vector<1xi32>
      %mul3A_166 = arith.constant 16 : i32
      %mul3A_167 = arith.muli %mul3A_29, %mul3A_166 : i32
      %add3A_168 = arith.addi %mul3A_2, %mul3A_167 : i32
      %add3A_169 = arith.constant 12 : i32
      %add3A_170 = arith.addi %add3A_168, %add3A_169 : i32
      %dma_start3A_171 = arith.constant 0 : i32
      %dma_start3A_172 = tpu.memref_slice %arg4[%add3A_170, %dma_start3A_171] : memref<16384x1024xf32, #tpu.memory_space<hbm>> -> memref<1x1024xf32, #tpu.memory_space<hbm>>
      %dma_start3A_173 = arith.constant 0 : i32
      %dma_start3A_174 = tpu.memref_slice %arg8[%squeeze3A_165, %dma_start3A_173] : memref<1000x1024xf32, #tpu.memory_space<vmem_shared>> -> memref<1x1024xf32, #tpu.memory_space<vmem_shared>>
      tpu.enqueue_dma source(%dma_start3A_174 : memref<1x1024xf32, #tpu.memory_space<vmem_shared>>) target(%dma_start3A_172 : memref<1x1024xf32, #tpu.memory_space<hbm>>) target_semaphore(%arg9 : memref<!tpu.dma_semaphore, #tpu.memory_space<semaphore_mem>>)
      %slice3A_175 = vector.extract_strided_slice %get3A_33 {offsets = [13], sizes = [1], strides = [1]} : vector<16xi32> to vector<1xi32>
      %squeeze3A_176 = vector.extract %slice3A_175[0] : i32 from vector<1xi32>
      %mul3A_177 = arith.constant 16 : i32
      %mul3A_178 = arith.muli %mul3A_29, %mul3A_177 : i32
      %add3A_179 = arith.addi %mul3A_2, %mul3A_178 : i32
      %add3A_180 = arith.constant 13 : i32
      %add3A_181 = arith.addi %add3A_179, %add3A_180 : i32
      %dma_start3A_182 = arith.constant 0 : i32
      %dma_start3A_183 = tpu.memref_slice %arg4[%add3A_181, %dma_start3A_182] : memref<16384x1024xf32, #tpu.memory_space<hbm>> -> memref<1x1024xf32, #tpu.memory_space<hbm>>
      %dma_start3A_184 = arith.constant 0 : i32
      %dma_start3A_185 = tpu.memref_slice %arg8[%squeeze3A_176, %dma_start3A_184] : memref<1000x1024xf32, #tpu.memory_space<vmem_shared>> -> memref<1x1024xf32, #tpu.memory_space<vmem_shared>>
      tpu.enqueue_dma source(%dma_start3A_185 : memref<1x1024xf32, #tpu.memory_space<vmem_shared>>) target(%dma_start3A_183 : memref<1x1024xf32, #tpu.memory_space<hbm>>) target_semaphore(%arg9 : memref<!tpu.dma_semaphore, #tpu.memory_space<semaphore_mem>>)
      %slice3A_186 = vector.extract_strided_slice %get3A_33 {offsets = [14], sizes = [1], strides = [1]} : vector<16xi32> to vector<1xi32>
      %squeeze3A_187 = vector.extract %slice3A_186[0] : i32 from vector<1xi32>
      %mul3A_188 = arith.constant 16 : i32
      %mul3A_189 = arith.muli %mul3A_29, %mul3A_188 : i32
      %add3A_190 = arith.addi %mul3A_2, %mul3A_189 : i32
      %add3A_191 = arith.constant 14 : i32
      %add3A_192 = arith.addi %add3A_190, %add3A_191 : i32
      %dma_start3A_193 = arith.constant 0 : i32
      %dma_start3A_194 = tpu.memref_slice %arg4[%add3A_192, %dma_start3A_193] : memref<16384x1024xf32, #tpu.memory_space<hbm>> -> memref<1x1024xf32, #tpu.memory_space<hbm>>
      %dma_start3A_195 = arith.constant 0 : i32
      %dma_start3A_196 = tpu.memref_slice %arg8[%squeeze3A_187, %dma_start3A_195] : memref<1000x1024xf32, #tpu.memory_space<vmem_shared>> -> memref<1x1024xf32, #tpu.memory_space<vmem_shared>>
      tpu.enqueue_dma source(%dma_start3A_196 : memref<1x1024xf32, #tpu.memory_space<vmem_shared>>) target(%dma_start3A_194 : memref<1x1024xf32, #tpu.memory_space<hbm>>) target_semaphore(%arg9 : memref<!tpu.dma_semaphore, #tpu.memory_space<semaphore_mem>>)
      %slice3A_197 = vector.extract_strided_slice %get3A_33 {offsets = [15], sizes = [1], strides = [1]} : vector<16xi32> to vector<1xi32>
      %squeeze3A_198 = vector.extract %slice3A_197[0] : i32 from vector<1xi32>
      %mul3A_199 = arith.constant 16 : i32
      %mul3A_200 = arith.muli %mul3A_29, %mul3A_199 : i32
      %add3A_201 = arith.addi %mul3A_2, %mul3A_200 : i32
      %add3A_202 = arith.constant 15 : i32
      %add3A_203 = arith.addi %add3A_201, %add3A_202 : i32
      %dma_start3A_204 = arith.constant 0 : i32
      %dma_start3A_205 = tpu.memref_slice %arg4[%add3A_203, %dma_start3A_204] : memref<16384x1024xf32, #tpu.memory_space<hbm>> -> memref<1x1024xf32, #tpu.memory_space<hbm>>
      %dma_start3A_206 = arith.constant 0 : i32
      %dma_start3A_207 = tpu.memref_slice %arg8[%squeeze3A_198, %dma_start3A_206] : memref<1000x1024xf32, #tpu.memory_space<vmem_shared>> -> memref<1x1024xf32, #tpu.memory_space<vmem_shared>>
      tpu.enqueue_dma source(%dma_start3A_207 : memref<1x1024xf32, #tpu.memory_space<vmem_shared>>) target(%dma_start3A_205 : memref<1x1024xf32, #tpu.memory_space<hbm>>) target_semaphore(%arg9 : memref<!tpu.dma_semaphore, #tpu.memory_space<semaphore_mem>>)
      %mul3A_208 = arith.constant 2 : i32
      %mul3A_209 = arith.muli %mul3A_208, %scan3A_17 : i32
      %add3A_210 = arith.constant 1 : i32
      %add3A_211 = arith.addi %mul3A_209, %add3A_210 : i32
      %mul3A_212 = arith.constant 32 : i32
      %mul3A_213 = arith.muli %add3A_211, %mul3A_212 : i32
      %add3A_214 = arith.constant 256 : i32
      %add3A_215 = arith.addi %add3A_214, %mul3A_213 : i32
      %dma_start3A_216 = tpu.memref_slice %arg5[%add3A_215] : memref<512xi32, #tpu.memory_space<vmem>> -> memref<32xi32, #tpu.memory_space<vmem>>
      %dma_start3A_217 = arith.constant 0 : i32
      %dma_start3A_218 = arith.constant 0 : i32
      %dma_start3A_219 = tpu.memref_slice %arg3[%dma_start3A_217, %dma_start3A_218] : memref<1000x1024xf32, #tpu.memory_space<hbm>> -> memref<1000x1024xf32, #tpu.memory_space<hbm>>
      tpu.enqueue_indirect_dma source(%dma_start3A_219 : memref<1000x1024xf32, #tpu.memory_space<hbm>>) target(%arg7 : memref<32x1024xf32, #tpu.memory_space<vmem>>) offsets(%dma_start3A_216 : memref<32xi32, #tpu.memory_space<vmem>>) semaphore(%arg11 : memref<!tpu.dma_semaphore, #tpu.memory_space<semaphore_mem>>)
      %mul3A_220 = arith.constant 4 : i32
      %mul3A_221 = arith.muli %mul3A_220, %scan3A_17 : i32
      %add3A_222 = arith.constant 1 : i32
      %add3A_223 = arith.addi %mul3A_221, %add3A_222 : i32
      %mul3A_224 = arith.constant 16 : i32
      %mul3A_225 = arith.muli %add3A_223, %mul3A_224 : i32
      %get3A_226 = arith.index_cast %mul3A_225 : i32 to index
      %get3A_227 = tpu.vector_load %arg5[%get3A_226] {strides = array<i32>} : memref<512xi32, #tpu.memory_space<vmem>>, vector<16xi32>,
      %get3A_228 = vector.shape_cast %get3A_227 : vector<16xi32> to vector<16xi32>
      %slice3A_229 = vector.extract_strided_slice %get3A_228 {offsets = [0], sizes = [1], strides = [1]} : vector<16xi32> to vector<1xi32>
      %squeeze3A_230 = vector.extract %slice3A_229[0] : i32 from vector<1xi32>
      %mul3A_231 = arith.constant 16 : i32
      %mul3A_232 = arith.muli %add3A_223, %mul3A_231 : i32
      %add3A_233 = arith.addi %mul3A_2, %mul3A_232 : i32
      %add3A_234 = arith.constant 0 : i32
      %add3A_235 = arith.addi %add3A_233, %add3A_234 : i32
      %dma_start3A_236 = arith.constant 0 : i32
      %dma_start3A_237 = tpu.memref_slice %arg4[%add3A_235, %dma_start3A_236] : memref<16384x1024xf32, #tpu.memory_space<hbm>> -> memref<1x1024xf32, #tpu.memory_space<hbm>>
      %dma_start3A_238 = arith.constant 0 : i32
      %dma_start3A_239 = tpu.memref_slice %arg8[%squeeze3A_230, %dma_start3A_238] : memref<1000x1024xf32, #tpu.memory_space<vmem_shared>> -> memref<1x1024xf32, #tpu.memory_space<vmem_shared>>
      tpu.enqueue_dma source(%dma_start3A_239 : memref<1x1024xf32, #tpu.memory_space<vmem_shared>>) target(%dma_start3A_237 : memref<1x1024xf32, #tpu.memory_space<hbm>>) target_semaphore(%arg9 : memref<!tpu.dma_semaphore, #tpu.memory_space<semaphore_mem>>)
      %slice3A_240 = vector.extract_strided_slice %get3A_228 {offsets = [1], sizes = [1], strides = [1]} : vector<16xi32> to vector<1xi32>
      %squeeze3A_241 = vector.extract %slice3A_240[0] : i32 from vector<1xi32>
      %mul3A_242 = arith.constant 16 : i32
      %mul3A_243 = arith.muli %add3A_223, %mul3A_242 : i32
      %add3A_244 = arith.addi %mul3A_2, %mul3A_243 : i32
      %add3A_245 = arith.constant 1 : i32
      %add3A_246 = arith.addi %add3A_244, %add3A_245 : i32
      %dma_start3A_247 = arith.constant 0 : i32
      %dma_start3A_248 = tpu.memref_slice %arg4[%add3A_246, %dma_start3A_247] : memref<16384x1024xf32, #tpu.memory_space<hbm>> -> memref<1x1024xf32, #tpu.memory_space<hbm>>
      %dma_start3A_249 = arith.constant 0 : i32
      %dma_start3A_250 = tpu.memref_slice %arg8[%squeeze3A_241, %dma_start3A_249] : memref<1000x1024xf32, #tpu.memory_space<vmem_shared>> -> memref<1x1024xf32, #tpu.memory_space<vmem_shared>>
      tpu.enqueue_dma source(%dma_start3A_250 : memref<1x1024xf32, #tpu.memory_space<vmem_shared>>) target(%dma_start3A_248 : memref<1x1024xf32, #tpu.memory_space<hbm>>) target_semaphore(%arg9 : memref<!tpu.dma_semaphore, #tpu.memory_space<semaphore_mem>>)
      %slice3A_251 = vector.extract_strided_slice %get3A_228 {offsets = [2], sizes = [1], strides = [1]} : vector<16xi32> to vector<1xi32>
      %squeeze3A_252 = vector.extract %slice3A_251[0] : i32 from vector<1xi32>
      %mul3A_253 = arith.constant 16 : i32
      %mul3A_254 = arith.muli %add3A_223, %mul3A_253 : i32
      %add3A_255 = arith.addi %mul3A_2, %mul3A_254 : i32
      %add3A_256 = arith.constant 2 : i32
      %add3A_257 = arith.addi %add3A_255, %add3A_256 : i32
      %dma_start3A_258 = arith.constant 0 : i32
      %dma_start3A_259 = tpu.memref_slice %arg4[%add3A_257, %dma_start3A_258] : memref<16384x1024xf32, #tpu.memory_space<hbm>> -> memref<1x1024xf32, #tpu.memory_space<hbm>>
      %dma_start3A_260 = arith.constant 0 : i32
      %dma_start3A_261 = tpu.memref_slice %arg8[%squeeze3A_252, %dma_start3A_260] : memref<1000x1024xf32, #tpu.memory_space<vmem_shared>> -> memref<1x1024xf32, #tpu.memory_space<vmem_shared>>
      tpu.enqueue_dma source(%dma_start3A_261 : memref<1x1024xf32, #tpu.memory_space<vmem_shared>>) target(%dma_start3A_259 : memref<1x1024xf32, #tpu.memory_space<hbm>>) target_semaphore(%arg9 : memref<!tpu.dma_semaphore, #tpu.memory_space<semaphore_mem>>)
      %slice3A_262 = vector.extract_strided_slice %get3A_228 {offsets = [3], sizes = [1], strides = [1]} : vector<16xi32> to vector<1xi32>
      %squeeze3A_263 = vector.extract %slice3A_262[0] : i32 from vector<1xi32>
      %mul3A_264 = arith.constant 16 : i32
      %mul3A_265 = arith.muli %add3A_223, %mul3A_264 : i32
      %add3A_266 = arith.addi %mul3A_2, %mul3A_265 : i32
      %add3A_267 = arith.constant 3 : i32
      %add3A_268 = arith.addi %add3A_266, %add3A_267 : i32
      %dma_start3A_269 = arith.constant 0 : i32
      %dma_start3A_270 = tpu.memref_slice %arg4[%add3A_268, %dma_start3A_269] : memref<16384x1024xf32, #tpu.memory_space<hbm>> -> memref<1x1024xf32, #tpu.memory_space<hbm>>
      %dma_start3A_271 = arith.constant 0 : i32
      %dma_start3A_272 = tpu.memref_slice %arg8[%squeeze3A_263, %dma_start3A_271] : memref<1000x1024xf32, #tpu.memory_space<vmem_shared>> -> memref<1x1024xf32, #tpu.memory_space<vmem_shared>>
      tpu.enqueue_dma source(%dma_start3A_272 : memref<1x1024xf32, #tpu.memory_space<vmem_shared>>) target(%dma_start3A_270 : memref<1x1024xf32, #tpu.memory_space<hbm>>) target_semaphore(%arg9 : memref<!tpu.dma_semaphore, #tpu.memory_space<semaphore_mem>>)
      %slice3A_273 = vector.extract_strided_slice %get3A_228 {offsets = [4], sizes = [1], strides = [1]} : vector<16xi32> to vector<1xi32>
      %squeeze3A_274 = vector.extract %slice3A_273[0] : i32 from vector<1xi32>
      %mul3A_275 = arith.constant 16 : i32
      %mul3A_276 = arith.muli %add3A_223, %mul3A_275 : i32
      %add3A_277 = arith.addi %mul3A_2, %mul3A_276 : i32
      %add3A_278 = arith.constant 4 : i32
      %add3A_279 = arith.addi %add3A_277, %add3A_278 : i32
      %dma_start3A_280 = arith.constant 0 : i32
      %dma_start3A_281 = tpu.memref_slice %arg4[%add3A_279, %dma_start3A_280] : memref<16384x1024xf32, #tpu.memory_space<hbm>> -> memref<1x1024xf32, #tpu.memory_space<hbm>>
      %dma_start3A_282 = arith.constant 0 : i32
      %dma_start3A_283 = tpu.memref_slice %arg8[%squeeze3A_274, %dma_start3A_282] : memref<1000x1024xf32, #tpu.memory_space<vmem_shared>> -> memref<1x1024xf32, #tpu.memory_space<vmem_shared>>
      tpu.enqueue_dma source(%dma_start3A_283 : memref<1x1024xf32, #tpu.memory_space<vmem_shared>>) target(%dma_start3A_281 : memref<1x1024xf32, #tpu.memory_space<hbm>>) target_semaphore(%arg9 : memref<!tpu.dma_semaphore, #tpu.memory_space<semaphore_mem>>)
      %slice3A_284 = vector.extract_strided_slice %get3A_228 {offsets = [5], sizes = [1], strides = [1]} : vector<16xi32> to vector<1xi32>
      %squeeze3A_285 = vector.extract %slice3A_284[0] : i32 from vector<1xi32>
      %mul3A_286 = arith.constant 16 : i32
      %mul3A_287 = arith.muli %add3A_223, %mul3A_286 : i32
      %add3A_288 = arith.addi %mul3A_2, %mul3A_287 : i32
      %add3A_289 = arith.constant 5 : i32
      %add3A_290 = arith.addi %add3A_288, %add3A_289 : i32
      %dma_start3A_291 = arith.constant 0 : i32
      %dma_start3A_292 = tpu.memref_slice %arg4[%add3A_290, %dma_start3A_291] : memref<16384x1024xf32, #tpu.memory_space<hbm>> -> memref<1x1024xf32, #tpu.memory_space<hbm>>
      %dma_start3A_293 = arith.constant 0 : i32
      %dma_start3A_294 = tpu.memref_slice %arg8[%squeeze3A_285, %dma_start3A_293] : memref<1000x1024xf32, #tpu.memory_space<vmem_shared>> -> memref<1x1024xf32, #tpu.memory_space<vmem_shared>>
      tpu.enqueue_dma source(%dma_start3A_294 : memref<1x1024xf32, #tpu.memory_space<vmem_shared>>) target(%dma_start3A_292 : memref<1x1024xf32, #tpu.memory_space<hbm>>) target_semaphore(%arg9 : memref<!tpu.dma_semaphore, #tpu.memory_space<semaphore_mem>>)
      %slice3A_295 = vector.extract_strided_slice %get3A_228 {offsets = [6], sizes = [1], strides = [1]} : vector<16xi32> to vector<1xi32>
      %squeeze3A_296 = vector.extract %slice3A_295[0] : i32 from vector<1xi32>
      %mul3A_297 = arith.constant 16 : i32
      %mul3A_298 = arith.muli %add3A_223, %mul3A_297 : i32
      %add3A_299 = arith.addi %mul3A_2, %mul3A_298 : i32
      %add3A_300 = arith.constant 6 : i32
      %add3A_301 = arith.addi %add3A_299, %add3A_300 : i32
      %dma_start3A_302 = arith.constant 0 : i32
      %dma_start3A_303 = tpu.memref_slice %arg4[%add3A_301, %dma_start3A_302] : memref<16384x1024xf32, #tpu.memory_space<hbm>> -> memref<1x1024xf32, #tpu.memory_space<hbm>>
      %dma_start3A_304 = arith.constant 0 : i32
      %dma_start3A_305 = tpu.memref_slice %arg8[%squeeze3A_296, %dma_start3A_304] : memref<1000x1024xf32, #tpu.memory_space<vmem_shared>> -> memref<1x1024xf32, #tpu.memory_space<vmem_shared>>
      tpu.enqueue_dma source(%dma_start3A_305 : memref<1x1024xf32, #tpu.memory_space<vmem_shared>>) target(%dma_start3A_303 : memref<1x1024xf32, #tpu.memory_space<hbm>>) target_semaphore(%arg9 : memref<!tpu.dma_semaphore, #tpu.memory_space<semaphore_mem>>)
      %slice3A_306 = vector.extract_strided_slice %get3A_228 {offsets = [7], sizes = [1], strides = [1]} : vector<16xi32> to vector<1xi32>
      %squeeze3A_307 = vector.extract %slice3A_306[0] : i32 from vector<1xi32>
      %mul3A_308 = arith.constant 16 : i32
      %mul3A_309 = arith.muli %add3A_223, %mul3A_308 : i32
      %add3A_310 = arith.addi %mul3A_2, %mul3A_309 : i32
      %add3A_311 = arith.constant 7 : i32
      %add3A_312 = arith.addi %add3A_310, %add3A_311 : i32
      %dma_start3A_313 = arith.constant 0 : i32
      %dma_start3A_314 = tpu.memref_slice %arg4[%add3A_312, %dma_start3A_313] : memref<16384x1024xf32, #tpu.memory_space<hbm>> -> memref<1x1024xf32, #tpu.memory_space<hbm>>
      %dma_start3A_315 = arith.constant 0 : i32
      %dma_start3A_316 = tpu.memref_slice %arg8[%squeeze3A_307, %dma_start3A_315] : memref<1000x1024xf32, #tpu.memory_space<vmem_shared>> -> memref<1x1024xf32, #tpu.memory_space<vmem_shared>>
      tpu.enqueue_dma source(%dma_start3A_316 : memref<1x1024xf32, #tpu.memory_space<vmem_shared>>) target(%dma_start3A_314 : memref<1x1024xf32, #tpu.memory_space<hbm>>) target_semaphore(%arg9 : memref<!tpu.dma_semaphore, #tpu.memory_space<semaphore_mem>>)
      %slice3A_317 = vector.extract_strided_slice %get3A_228 {offsets = [8], sizes = [1], strides = [1]} : vector<16xi32> to vector<1xi32>
      %squeeze3A_318 = vector.extract %slice3A_317[0] : i32 from vector<1xi32>
      %mul3A_319 = arith.constant 16 : i32
      %mul3A_320 = arith.muli %add3A_223, %mul3A_319 : i32
      %add3A_321 = arith.addi %mul3A_2, %mul3A_320 : i32
      %add3A_322 = arith.constant 8 : i32
      %add3A_323 = arith.addi %add3A_321, %add3A_322 : i32
      %dma_start3A_324 = arith.constant 0 : i32
      %dma_start3A_325 = tpu.memref_slice %arg4[%add3A_323, %dma_start3A_324] : memref<16384x1024xf32, #tpu.memory_space<hbm>> -> memref<1x1024xf32, #tpu.memory_space<hbm>>
      %dma_start3A_326 = arith.constant 0 : i32
      %dma_start3A_327 = tpu.memref_slice %arg8[%squeeze3A_318, %dma_start3A_326] : memref<1000x1024xf32, #tpu.memory_space<vmem_shared>> -> memref<1x1024xf32, #tpu.memory_space<vmem_shared>>
      tpu.enqueue_dma source(%dma_start3A_327 : memref<1x1024xf32, #tpu.memory_space<vmem_shared>>) target(%dma_start3A_325 : memref<1x1024xf32, #tpu.memory_space<hbm>>) target_semaphore(%arg9 : memref<!tpu.dma_semaphore, #tpu.memory_space<semaphore_mem>>)
      %slice3A_328 = vector.extract_strided_slice %get3A_228 {offsets = [9], sizes = [1], strides = [1]} : vector<16xi32> to vector<1xi32>
      %squeeze3A_329 = vector.extract %slice3A_328[0] : i32 from vector<1xi32>
      %mul3A_330 = arith.constant 16 : i32
      %mul3A_331 = arith.muli %add3A_223, %mul3A_330 : i32
      %add3A_332 = arith.addi %mul3A_2, %mul3A_331 : i32
      %add3A_333 = arith.constant 9 : i32
      %add3A_334 = arith.addi %add3A_332, %add3A_333 : i32
      %dma_start3A_335 = arith.constant 0 : i32
      %dma_start3A_336 = tpu.memref_slice %arg4[%add3A_334, %dma_start3A_335] : memref<16384x1024xf32, #tpu.memory_space<hbm>> -> memref<1x1024xf32, #tpu.memory_space<hbm>>
      %dma_start3A_337 = arith.constant 0 : i32
      %dma_start3A_338 = tpu.memref_slice %arg8[%squeeze3A_329, %dma_start3A_337] : memref<1000x1024xf32, #tpu.memory_space<vmem_shared>> -> memref<1x1024xf32, #tpu.memory_space<vmem_shared>>
      tpu.enqueue_dma source(%dma_start3A_338 : memref<1x1024xf32, #tpu.memory_space<vmem_shared>>) target(%dma_start3A_336 : memref<1x1024xf32, #tpu.memory_space<hbm>>) target_semaphore(%arg9 : memref<!tpu.dma_semaphore, #tpu.memory_space<semaphore_mem>>)
      %slice3A_339 = vector.extract_strided_slice %get3A_228 {offsets = [10], sizes = [1], strides = [1]} : vector<16xi32> to vector<1xi32>
      %squeeze3A_340 = vector.extract %slice3A_339[0] : i32 from vector<1xi32>
      %mul3A_341 = arith.constant 16 : i32
      %mul3A_342 = arith.muli %add3A_223, %mul3A_341 : i32
      %add3A_343 = arith.addi %mul3A_2, %mul3A_342 : i32
      %add3A_344 = arith.constant 10 : i32
      %add3A_345 = arith.addi %add3A_343, %add3A_344 : i32
      %dma_start3A_346 = arith.constant 0 : i32
      %dma_start3A_347 = tpu.memref_slice %arg4[%add3A_345, %dma_start3A_346] : memref<16384x1024xf32, #tpu.memory_space<hbm>> -> memref<1x1024xf32, #tpu.memory_space<hbm>>
      %dma_start3A_348 = arith.constant 0 : i32
      %dma_start3A_349 = tpu.memref_slice %arg8[%squeeze3A_340, %dma_start3A_348] : memref<1000x1024xf32, #tpu.memory_space<vmem_shared>> -> memref<1x1024xf32, #tpu.memory_space<vmem_shared>>
      tpu.enqueue_dma source(%dma_start3A_349 : memref<1x1024xf32, #tpu.memory_space<vmem_shared>>) target(%dma_start3A_347 : memref<1x1024xf32, #tpu.memory_space<hbm>>) target_semaphore(%arg9 : memref<!tpu.dma_semaphore, #tpu.memory_space<semaphore_mem>>)
      %slice3A_350 = vector.extract_strided_slice %get3A_228 {offsets = [11], sizes = [1], strides = [1]} : vector<16xi32> to vector<1xi32>
      %squeeze3A_351 = vector.extract %slice3A_350[0] : i32 from vector<1xi32>
      %mul3A_352 = arith.constant 16 : i32
      %mul3A_353 = arith.muli %add3A_223, %mul3A_352 : i32
      %add3A_354 = arith.addi %mul3A_2, %mul3A_353 : i32
      %add3A_355 = arith.constant 11 : i32
      %add3A_356 = arith.addi %add3A_354, %add3A_355 : i32
      %dma_start3A_357 = arith.constant 0 : i32
      %dma_start3A_358 = tpu.memref_slice %arg4[%add3A_356, %dma_start3A_357] : memref<16384x1024xf32, #tpu.memory_space<hbm>> -> memref<1x1024xf32, #tpu.memory_space<hbm>>
      %dma_start3A_359 = arith.constant 0 : i32
      %dma_start3A_360 = tpu.memref_slice %arg8[%squeeze3A_351, %dma_start3A_359] : memref<1000x1024xf32, #tpu.memory_space<vmem_shared>> -> memref<1x1024xf32, #tpu.memory_space<vmem_shared>>
      tpu.enqueue_dma source(%dma_start3A_360 : memref<1x1024xf32, #tpu.memory_space<vmem_shared>>) target(%dma_start3A_358 : memref<1x1024xf32, #tpu.memory_space<hbm>>) target_semaphore(%arg9 : memref<!tpu.dma_semaphore, #tpu.memory_space<semaphore_mem>>)
      %slice3A_361 = vector.extract_strided_slice %get3A_228 {offsets = [12], sizes = [1], strides = [1]} : vector<16xi32> to vector<1xi32>
      %squeeze3A_362 = vector.extract %slice3A_361[0] : i32 from vector<1xi32>
      %mul3A_363 = arith.constant 16 : i32
      %mul3A_364 = arith.muli %add3A_223, %mul3A_363 : i32
      %add3A_365 = arith.addi %mul3A_2, %mul3A_364 : i32
      %add3A_366 = arith.constant 12 : i32
      %add3A_367 = arith.addi %add3A_365, %add3A_366 : i32
      %dma_start3A_368 = arith.constant 0 : i32
      %dma_start3A_369 = tpu.memref_slice %arg4[%add3A_367, %dma_start3A_368] : memref<16384x1024xf32, #tpu.memory_space<hbm>> -> memref<1x1024xf32, #tpu.memory_space<hbm>>
      %dma_start3A_370 = arith.constant 0 : i32
      %dma_start3A_371 = tpu.memref_slice %arg8[%squeeze3A_362, %dma_start3A_370] : memref<1000x1024xf32, #tpu.memory_space<vmem_shared>> -> memref<1x1024xf32, #tpu.memory_space<vmem_shared>>
      tpu.enqueue_dma source(%dma_start3A_371 : memref<1x1024xf32, #tpu.memory_space<vmem_shared>>) target(%dma_start3A_369 : memref<1x1024xf32, #tpu.memory_space<hbm>>) target_semaphore(%arg9 : memref<!tpu.dma_semaphore, #tpu.memory_space<semaphore_mem>>)
      %slice3A_372 = vector.extract_strided_slice %get3A_228 {offsets = [13], sizes = [1], strides = [1]} : vector<16xi32> to vector<1xi32>
      %squeeze3A_373 = vector.extract %slice3A_372[0] : i32 from vector<1xi32>
      %mul3A_374 = arith.constant 16 : i32
      %mul3A_375 = arith.muli %add3A_223, %mul3A_374 : i32
      %add3A_376 = arith.addi %mul3A_2, %mul3A_375 : i32
      %add3A_377 = arith.constant 13 : i32
      %add3A_378 = arith.addi %add3A_376, %add3A_377 : i32
      %dma_start3A_379 = arith.constant 0 : i32
      %dma_start3A_380 = tpu.memref_slice %arg4[%add3A_378, %dma_start3A_379] : memref<16384x1024xf32, #tpu.memory_space<hbm>> -> memref<1x1024xf32, #tpu.memory_space<hbm>>
      %dma_start3A_381 = arith.constant 0 : i32
      %dma_start3A_382 = tpu.memref_slice %arg8[%squeeze3A_373, %dma_start3A_381] : memref<1000x1024xf32, #tpu.memory_space<vmem_shared>> -> memref<1x1024xf32, #tpu.memory_space<vmem_shared>>
      tpu.enqueue_dma source(%dma_start3A_382 : memref<1x1024xf32, #tpu.memory_space<vmem_shared>>) target(%dma_start3A_380 : memref<1x1024xf32, #tpu.memory_space<hbm>>) target_semaphore(%arg9 : memref<!tpu.dma_semaphore, #tpu.memory_space<semaphore_mem>>)
      %slice3A_383 = vector.extract_strided_slice %get3A_228 {offsets = [14], sizes = [1], strides = [1]} : vector<16xi32> to vector<1xi32>
      %squeeze3A_384 = vector.extract %slice3A_383[0] : i32 from vector<1xi32>
      %mul3A_385 = arith.constant 16 : i32
      %mul3A_386 = arith.muli %add3A_223, %mul3A_385 : i32
      %add3A_387 = arith.addi %mul3A_2, %mul3A_386 : i32
      %add3A_388 = arith.constant 14 : i32
      %add3A_389 = arith.addi %add3A_387, %add3A_388 : i32
      %dma_start3A_390 = arith.constant 0 : i32
      %dma_start3A_391 = tpu.memref_slice %arg4[%add3A_389, %dma_start3A_390] : memref<16384x1024xf32, #tpu.memory_space<hbm>> -> memref<1x1024xf32, #tpu.memory_space<hbm>>
      %dma_start3A_392 = arith.constant 0 : i32
      %dma_start3A_393 = tpu.memref_slice %arg8[%squeeze3A_384, %dma_start3A_392] : memref<1000x1024xf32, #tpu.memory_space<vmem_shared>> -> memref<1x1024xf32, #tpu.memory_space<vmem_shared>>
      tpu.enqueue_dma source(%dma_start3A_393 : memref<1x1024xf32, #tpu.memory_space<vmem_shared>>) target(%dma_start3A_391 : memref<1x1024xf32, #tpu.memory_space<hbm>>) target_semaphore(%arg9 : memref<!tpu.dma_semaphore, #tpu.memory_space<semaphore_mem>>)
      %slice3A_394 = vector.extract_strided_slice %get3A_228 {offsets = [15], sizes = [1], strides = [1]} : vector<16xi32> to vector<1xi32>
      %squeeze3A_395 = vector.extract %slice3A_394[0] : i32 from vector<1xi32>
      %mul3A_396 = arith.constant 16 : i32
      %mul3A_397 = arith.muli %add3A_223, %mul3A_396 : i32
      %add3A_398 = arith.addi %mul3A_2, %mul3A_397 : i32
      %add3A_399 = arith.constant 15 : i32
      %add3A_400 = arith.addi %add3A_398, %add3A_399 : i32
      %dma_start3A_401 = arith.constant 0 : i32
      %dma_start3A_402 = tpu.memref_slice %arg4[%add3A_400, %dma_start3A_401] : memref<16384x1024xf32, #tpu.memory_space<hbm>> -> memref<1x1024xf32, #tpu.memory_space<hbm>>
      %dma_start3A_403 = arith.constant 0 : i32
      %dma_start3A_404 = tpu.memref_slice %arg8[%squeeze3A_395, %dma_start3A_403] : memref<1000x1024xf32, #tpu.memory_space<vmem_shared>> -> memref<1x1024xf32, #tpu.memory_space<vmem_shared>>
      tpu.enqueue_dma source(%dma_start3A_404 : memref<1x1024xf32, #tpu.memory_space<vmem_shared>>) target(%dma_start3A_402 : memref<1x1024xf32, #tpu.memory_space<hbm>>) target_semaphore(%arg9 : memref<!tpu.dma_semaphore, #tpu.memory_space<semaphore_mem>>)
      %dma_wait3A = tpu.memref_slice %arg5[%add3A_24] : memref<512xi32, #tpu.memory_space<vmem>> -> memref<32xi32, #tpu.memory_space<vmem>>
      %dma_wait3A_405 = arith.constant 0 : i32
      %dma_wait3A_406 = arith.constant 0 : i32
      %dma_wait3A_407 = tpu.memref_slice %arg3[%dma_wait3A_405, %dma_wait3A_406] : memref<1000x1024xf32, #tpu.memory_space<hbm>> -> memref<1000x1024xf32, #tpu.memory_space<hbm>>
      tpu.wait_indirect_dma semaphore(%arg10 : memref<!tpu.dma_semaphore, #tpu.memory_space<semaphore_mem>>) src(%dma_wait3A_407 : memref<1000x1024xf32, #tpu.memory_space<hbm>>) dst(%arg6 : memref<32x1024xf32, #tpu.memory_space<vmem>>)
      %mul3A_408 = arith.constant 2 : i32
      %mul3A_409 = arith.muli %mul3A_408, %scan3A_17 : i32
      %mul3A_410 = arith.constant 32 : i32
      %mul3A_411 = arith.muli %mul3A_409, %mul3A_410 : i32
      %add3A_412 = arith.addi %add3A_10, %mul3A_411 : i32
      %dma_start3A_413 = arith.constant 0 : i32
      %dma_start3A_414 = tpu.memref_slice %arg4[%add3A_412, %dma_start3A_413] : memref<16384x1024xf32, #tpu.memory_space<hbm>> -> memref<32x1024xf32, #tpu.memory_space<hbm>>
      %dma_start3A_415 = arith.constant 0 : i32
      %dma_start3A_416 = tpu.memref_slice %arg4[%add3A_412, %dma_start3A_415] : memref<16384x1024xf32, #tpu.memory_space<hbm>> -> memref<32x1024xf32, #tpu.memory_space<hbm>>
      tpu.enqueue_dma source(%arg6 : memref<32x1024xf32, #tpu.memory_space<vmem>>) target(%dma_start3A_416 : memref<32x1024xf32, #tpu.memory_space<hbm>>) target_semaphore(%arg12 : memref<!tpu.dma_semaphore, #tpu.memory_space<semaphore_mem>>)
      %mul3A_417 = arith.constant 4 : i32
      %mul3A_418 = arith.muli %mul3A_417, %scan3A_17 : i32
      %add3A_419 = arith.constant 2 : i32
      %add3A_420 = arith.addi %mul3A_418, %add3A_419 : i32
      %mul3A_421 = arith.constant 16 : i32
      %mul3A_422 = arith.muli %add3A_420, %mul3A_421 : i32
      %get3A_423 = arith.index_cast %mul3A_422 : i32 to index
      %get3A_424 = tpu.vector_load %arg5[%get3A_423] {strides = array<i32>} : memref<512xi32, #tpu.memory_space<vmem>>, vector<16xi32>,
      %get3A_425 = vector.shape_cast %get3A_424 : vector<16xi32> to vector<16xi32>
      %slice3A_426 = vector.extract_strided_slice %get3A_425 {offsets = [0], sizes = [1], strides = [1]} : vector<16xi32> to vector<1xi32>
      %squeeze3A_427 = vector.extract %slice3A_426[0] : i32 from vector<1xi32>
      %mul3A_428 = arith.constant 16 : i32
      %mul3A_429 = arith.muli %add3A_420, %mul3A_428 : i32
      %add3A_430 = arith.addi %mul3A_2, %mul3A_429 : i32
      %add3A_431 = arith.constant 0 : i32
      %add3A_432 = arith.addi %add3A_430, %add3A_431 : i32
      %dma_start3A_433 = arith.constant 0 : i32
      %dma_start3A_434 = tpu.memref_slice %arg4[%add3A_432, %dma_start3A_433] : memref<16384x1024xf32, #tpu.memory_space<hbm>> -> memref<1x1024xf32, #tpu.memory_space<hbm>>
      %dma_start3A_435 = arith.constant 0 : i32
      %dma_start3A_436 = tpu.memref_slice %arg8[%squeeze3A_427, %dma_start3A_435] : memref<1000x1024xf32, #tpu.memory_space<vmem_shared>> -> memref<1x1024xf32, #tpu.memory_space<vmem_shared>>
      tpu.enqueue_dma source(%dma_start3A_436 : memref<1x1024xf32, #tpu.memory_space<vmem_shared>>) target(%dma_start3A_434 : memref<1x1024xf32, #tpu.memory_space<hbm>>) target_semaphore(%arg9 : memref<!tpu.dma_semaphore, #tpu.memory_space<semaphore_mem>>)
      %slice3A_437 = vector.extract_strided_slice %get3A_425 {offsets = [1], sizes = [1], strides = [1]} : vector<16xi32> to vector<1xi32>
      %squeeze3A_438 = vector.extract %slice3A_437[0] : i32 from vector<1xi32>
      %mul3A_439 = arith.constant 16 : i32
      %mul3A_440 = arith.muli %add3A_420, %mul3A_439 : i32
      %add3A_441 = arith.addi %mul3A_2, %mul3A_440 : i32
      %add3A_442 = arith.constant 1 : i32
      %add3A_443 = arith.addi %add3A_441, %add3A_442 : i32
      %dma_start3A_444 = arith.constant 0 : i32
      %dma_start3A_445 = tpu.memref_slice %arg4[%add3A_443, %dma_start3A_444] : memref<16384x1024xf32, #tpu.memory_space<hbm>> -> memref<1x1024xf32, #tpu.memory_space<hbm>>
      %dma_start3A_446 = arith.constant 0 : i32
      %dma_start3A_447 = tpu.memref_slice %arg8[%squeeze3A_438, %dma_start3A_446] : memref<1000x1024xf32, #tpu.memory_space<vmem_shared>> -> memref<1x1024xf32, #tpu.memory_space<vmem_shared>>
      tpu.enqueue_dma source(%dma_start3A_447 : memref<1x1024xf32, #tpu.memory_space<vmem_shared>>) target(%dma_start3A_445 : memref<1x1024xf32, #tpu.memory_space<hbm>>) target_semaphore(%arg9 : memref<!tpu.dma_semaphore, #tpu.memory_space<semaphore_mem>>)
      %slice3A_448 = vector.extract_strided_slice %get3A_425 {offsets = [2], sizes = [1], strides = [1]} : vector<16xi32> to vector<1xi32>
      %squeeze3A_449 = vector.extract %slice3A_448[0] : i32 from vector<1xi32>
      %mul3A_450 = arith.constant 16 : i32
      %mul3A_451 = arith.muli %add3A_420, %mul3A_450 : i32
      %add3A_452 = arith.addi %mul3A_2, %mul3A_451 : i32
      %add3A_453 = arith.constant 2 : i32
      %add3A_454 = arith.addi %add3A_452, %add3A_453 : i32
      %dma_start3A_455 = arith.constant 0 : i32
      %dma_start3A_456 = tpu.memref_slice %arg4[%add3A_454, %dma_start3A_455] : memref<16384x1024xf32, #tpu.memory_space<hbm>> -> memref<1x1024xf32, #tpu.memory_space<hbm>>
      %dma_start3A_457 = arith.constant 0 : i32
      %dma_start3A_458 = tpu.memref_slice %arg8[%squeeze3A_449, %dma_start3A_457] : memref<1000x1024xf32, #tpu.memory_space<vmem_shared>> -> memref<1x1024xf32, #tpu.memory_space<vmem_shared>>
      tpu.enqueue_dma source(%dma_start3A_458 : memref<1x1024xf32, #tpu.memory_space<vmem_shared>>) target(%dma_start3A_456 : memref<1x1024xf32, #tpu.memory_space<hbm>>) target_semaphore(%arg9 : memref<!tpu.dma_semaphore, #tpu.memory_space<semaphore_mem>>)
      %slice3A_459 = vector.extract_strided_slice %get3A_425 {offsets = [3], sizes = [1], strides = [1]} : vector<16xi32> to vector<1xi32>
      %squeeze3A_460 = vector.extract %slice3A_459[0] : i32 from vector<1xi32>
      %mul3A_461 = arith.constant 16 : i32
      %mul3A_462 = arith.muli %add3A_420, %mul3A_461 : i32
      %add3A_463 = arith.addi %mul3A_2, %mul3A_462 : i32
      %add3A_464 = arith.constant 3 : i32
      %add3A_465 = arith.addi %add3A_463, %add3A_464 : i32
      %dma_start3A_466 = arith.constant 0 : i32
      %dma_start3A_467 = tpu.memref_slice %arg4[%add3A_465, %dma_start3A_466] : memref<16384x1024xf32, #tpu.memory_space<hbm>> -> memref<1x1024xf32, #tpu.memory_space<hbm>>
      %dma_start3A_468 = arith.constant 0 : i32
      %dma_start3A_469 = tpu.memref_slice %arg8[%squeeze3A_460, %dma_start3A_468] : memref<1000x1024xf32, #tpu.memory_space<vmem_shared>> -> memref<1x1024xf32, #tpu.memory_space<vmem_shared>>
      tpu.enqueue_dma source(%dma_start3A_469 : memref<1x1024xf32, #tpu.memory_space<vmem_shared>>) target(%dma_start3A_467 : memref<1x1024xf32, #tpu.memory_space<hbm>>) target_semaphore(%arg9 : memref<!tpu.dma_semaphore, #tpu.memory_space<semaphore_mem>>)
      %slice3A_470 = vector.extract_strided_slice %get3A_425 {offsets = [4], sizes = [1], strides = [1]} : vector<16xi32> to vector<1xi32>
      %squeeze3A_471 = vector.extract %slice3A_470[0] : i32 from vector<1xi32>
      %mul3A_472 = arith.constant 16 : i32
      %mul3A_473 = arith.muli %add3A_420, %mul3A_472 : i32
      %add3A_474 = arith.addi %mul3A_2, %mul3A_473 : i32
      %add3A_475 = arith.constant 4 : i32
      %add3A_476 = arith.addi %add3A_474, %add3A_475 : i32
      %dma_start3A_477 = arith.constant 0 : i32
      %dma_start3A_478 = tpu.memref_slice %arg4[%add3A_476, %dma_start3A_477] : memref<16384x1024xf32, #tpu.memory_space<hbm>> -> memref<1x1024xf32, #tpu.memory_space<hbm>>
      %dma_start3A_479 = arith.constant 0 : i32
      %dma_start3A_480 = tpu.memref_slice %arg8[%squeeze3A_471, %dma_start3A_479] : memref<1000x1024xf32, #tpu.memory_space<vmem_shared>> -> memref<1x1024xf32, #tpu.memory_space<vmem_shared>>
      tpu.enqueue_dma source(%dma_start3A_480 : memref<1x1024xf32, #tpu.memory_space<vmem_shared>>) target(%dma_start3A_478 : memref<1x1024xf32, #tpu.memory_space<hbm>>) target_semaphore(%arg9 : memref<!tpu.dma_semaphore, #tpu.memory_space<semaphore_mem>>)
      %slice3A_481 = vector.extract_strided_slice %get3A_425 {offsets = [5], sizes = [1], strides = [1]} : vector<16xi32> to vector<1xi32>
      %squeeze3A_482 = vector.extract %slice3A_481[0] : i32 from vector<1xi32>
      %mul3A_483 = arith.constant 16 : i32
      %mul3A_484 = arith.muli %add3A_420, %mul3A_483 : i32
      %add3A_485 = arith.addi %mul3A_2, %mul3A_484 : i32
      %add3A_486 = arith.constant 5 : i32
      %add3A_487 = arith.addi %add3A_485, %add3A_486 : i32
      %dma_start3A_488 = arith.constant 0 : i32
      %dma_start3A_489 = tpu.memref_slice %arg4[%add3A_487, %dma_start3A_488] : memref<16384x1024xf32, #tpu.memory_space<hbm>> -> memref<1x1024xf32, #tpu.memory_space<hbm>>
      %dma_start3A_490 = arith.constant 0 : i32
      %dma_start3A_491 = tpu.memref_slice %arg8[%squeeze3A_482, %dma_start3A_490] : memref<1000x1024xf32, #tpu.memory_space<vmem_shared>> -> memref<1x1024xf32, #tpu.memory_space<vmem_shared>>
      tpu.enqueue_dma source(%dma_start3A_491 : memref<1x1024xf32, #tpu.memory_space<vmem_shared>>) target(%dma_start3A_489 : memref<1x1024xf32, #tpu.memory_space<hbm>>) target_semaphore(%arg9 : memref<!tpu.dma_semaphore, #tpu.memory_space<semaphore_mem>>)
      %slice3A_492 = vector.extract_strided_slice %get3A_425 {offsets = [6], sizes = [1], strides = [1]} : vector<16xi32> to vector<1xi32>
      %squeeze3A_493 = vector.extract %slice3A_492[0] : i32 from vector<1xi32>
      %mul3A_494 = arith.constant 16 : i32
      %mul3A_495 = arith.muli %add3A_420, %mul3A_494 : i32
      %add3A_496 = arith.addi %mul3A_2, %mul3A_495 : i32
      %add3A_497 = arith.constant 6 : i32
      %add3A_498 = arith.addi %add3A_496, %add3A_497 : i32
      %dma_start3A_499 = arith.constant 0 : i32
      %dma_start3A_500 = tpu.memref_slice %arg4[%add3A_498, %dma_start3A_499] : memref<16384x1024xf32, #tpu.memory_space<hbm>> -> memref<1x1024xf32, #tpu.memory_space<hbm>>
      %dma_start3A_501 = arith.constant 0 : i32
      %dma_start3A_502 = tpu.memref_slice %arg8[%squeeze3A_493, %dma_start3A_501] : memref<1000x1024xf32, #tpu.memory_space<vmem_shared>> -> memref<1x1024xf32, #tpu.memory_space<vmem_shared>>
      tpu.enqueue_dma source(%dma_start3A_502 : memref<1x1024xf32, #tpu.memory_space<vmem_shared>>) target(%dma_start3A_500 : memref<1x1024xf32, #tpu.memory_space<hbm>>) target_semaphore(%arg9 : memref<!tpu.dma_semaphore, #tpu.memory_space<semaphore_mem>>)
      %slice3A_503 = vector.extract_strided_slice %get3A_425 {offsets = [7], sizes = [1], strides = [1]} : vector<16xi32> to vector<1xi32>
      %squeeze3A_504 = vector.extract %slice3A_503[0] : i32 from vector<1xi32>
      %mul3A_505 = arith.constant 16 : i32
      %mul3A_506 = arith.muli %add3A_420, %mul3A_505 : i32
      %add3A_507 = arith.addi %mul3A_2, %mul3A_506 : i32
      %add3A_508 = arith.constant 7 : i32
      %add3A_509 = arith.addi %add3A_507, %add3A_508 : i32
      %dma_start3A_510 = arith.constant 0 : i32
      %dma_start3A_511 = tpu.memref_slice %arg4[%add3A_509, %dma_start3A_510] : memref<16384x1024xf32, #tpu.memory_space<hbm>> -> memref<1x1024xf32, #tpu.memory_space<hbm>>
      %dma_start3A_512 = arith.constant 0 : i32
      %dma_start3A_513 = tpu.memref_slice %arg8[%squeeze3A_504, %dma_start3A_512] : memref<1000x1024xf32, #tpu.memory_space<vmem_shared>> -> memref<1x1024xf32, #tpu.memory_space<vmem_shared>>
      tpu.enqueue_dma source(%dma_start3A_513 : memref<1x1024xf32, #tpu.memory_space<vmem_shared>>) target(%dma_start3A_511 : memref<1x1024xf32, #tpu.memory_space<hbm>>) target_semaphore(%arg9 : memref<!tpu.dma_semaphore, #tpu.memory_space<semaphore_mem>>)
      %slice3A_514 = vector.extract_strided_slice %get3A_425 {offsets = [8], sizes = [1], strides = [1]} : vector<16xi32> to vector<1xi32>
      %squeeze3A_515 = vector.extract %slice3A_514[0] : i32 from vector<1xi32>
      %mul3A_516 = arith.constant 16 : i32
      %mul3A_517 = arith.muli %add3A_420, %mul3A_516 : i32
      %add3A_518 = arith.addi %mul3A_2, %mul3A_517 : i32
      %add3A_519 = arith.constant 8 : i32
      %add3A_520 = arith.addi %add3A_518, %add3A_519 : i32
      %dma_start3A_521 = arith.constant 0 : i32
      %dma_start3A_522 = tpu.memref_slice %arg4[%add3A_520, %dma_start3A_521] : memref<16384x1024xf32, #tpu.memory_space<hbm>> -> memref<1x1024xf32, #tpu.memory_space<hbm>>
      %dma_start3A_523 = arith.constant 0 : i32
      %dma_start3A_524 = tpu.memref_slice %arg8[%squeeze3A_515, %dma_start3A_523] : memref<1000x1024xf32, #tpu.memory_space<vmem_shared>> -> memref<1x1024xf32, #tpu.memory_space<vmem_shared>>
      tpu.enqueue_dma source(%dma_start3A_524 : memref<1x1024xf32, #tpu.memory_space<vmem_shared>>) target(%dma_start3A_522 : memref<1x1024xf32, #tpu.memory_space<hbm>>) target_semaphore(%arg9 : memref<!tpu.dma_semaphore, #tpu.memory_space<semaphore_mem>>)
      %slice3A_525 = vector.extract_strided_slice %get3A_425 {offsets = [9], sizes = [1], strides = [1]} : vector<16xi32> to vector<1xi32>
      %squeeze3A_526 = vector.extract %slice3A_525[0] : i32 from vector<1xi32>
      %mul3A_527 = arith.constant 16 : i32
      %mul3A_528 = arith.muli %add3A_420, %mul3A_527 : i32
      %add3A_529 = arith.addi %mul3A_2, %mul3A_528 : i32
      %add3A_530 = arith.constant 9 : i32
      %add3A_531 = arith.addi %add3A_529, %add3A_530 : i32
      %dma_start3A_532 = arith.constant 0 : i32
      %dma_start3A_533 = tpu.memref_slice %arg4[%add3A_531, %dma_start3A_532] : memref<16384x1024xf32, #tpu.memory_space<hbm>> -> memref<1x1024xf32, #tpu.memory_space<hbm>>
      %dma_start3A_534 = arith.constant 0 : i32
      %dma_start3A_535 = tpu.memref_slice %arg8[%squeeze3A_526, %dma_start3A_534] : memref<1000x1024xf32, #tpu.memory_space<vmem_shared>> -> memref<1x1024xf32, #tpu.memory_space<vmem_shared>>
      tpu.enqueue_dma source(%dma_start3A_535 : memref<1x1024xf32, #tpu.memory_space<vmem_shared>>) target(%dma_start3A_533 : memref<1x1024xf32, #tpu.memory_space<hbm>>) target_semaphore(%arg9 : memref<!tpu.dma_semaphore, #tpu.memory_space<semaphore_mem>>)
      %slice3A_536 = vector.extract_strided_slice %get3A_425 {offsets = [10], sizes = [1], strides = [1]} : vector<16xi32> to vector<1xi32>
      %squeeze3A_537 = vector.extract %slice3A_536[0] : i32 from vector<1xi32>
      %mul3A_538 = arith.constant 16 : i32
      %mul3A_539 = arith.muli %add3A_420, %mul3A_538 : i32
      %add3A_540 = arith.addi %mul3A_2, %mul3A_539 : i32
      %add3A_541 = arith.constant 10 : i32
      %add3A_542 = arith.addi %add3A_540, %add3A_541 : i32
      %dma_start3A_543 = arith.constant 0 : i32
      %dma_start3A_544 = tpu.memref_slice %arg4[%add3A_542, %dma_start3A_543] : memref<16384x1024xf32, #tpu.memory_space<hbm>> -> memref<1x1024xf32, #tpu.memory_space<hbm>>
      %dma_start3A_545 = arith.constant 0 : i32
      %dma_start3A_546 = tpu.memref_slice %arg8[%squeeze3A_537, %dma_start3A_545] : memref<1000x1024xf32, #tpu.memory_space<vmem_shared>> -> memref<1x1024xf32, #tpu.memory_space<vmem_shared>>
      tpu.enqueue_dma source(%dma_start3A_546 : memref<1x1024xf32, #tpu.memory_space<vmem_shared>>) target(%dma_start3A_544 : memref<1x1024xf32, #tpu.memory_space<hbm>>) target_semaphore(%arg9 : memref<!tpu.dma_semaphore, #tpu.memory_space<semaphore_mem>>)
      %slice3A_547 = vector.extract_strided_slice %get3A_425 {offsets = [11], sizes = [1], strides = [1]} : vector<16xi32> to vector<1xi32>
      %squeeze3A_548 = vector.extract %slice3A_547[0] : i32 from vector<1xi32>
      %mul3A_549 = arith.constant 16 : i32
      %mul3A_550 = arith.muli %add3A_420, %mul3A_549 : i32
      %add3A_551 = arith.addi %mul3A_2, %mul3A_550 : i32
      %add3A_552 = arith.constant 11 : i32
      %add3A_553 = arith.addi %add3A_551, %add3A_552 : i32
      %dma_start3A_554 = arith.constant 0 : i32
      %dma_start3A_555 = tpu.memref_slice %arg4[%add3A_553, %dma_start3A_554] : memref<16384x1024xf32, #tpu.memory_space<hbm>> -> memref<1x1024xf32, #tpu.memory_space<hbm>>
      %dma_start3A_556 = arith.constant 0 : i32
      %dma_start3A_557 = tpu.memref_slice %arg8[%squeeze3A_548, %dma_start3A_556] : memref<1000x1024xf32, #tpu.memory_space<vmem_shared>> -> memref<1x1024xf32, #tpu.memory_space<vmem_shared>>
      tpu.enqueue_dma source(%dma_start3A_557 : memref<1x1024xf32, #tpu.memory_space<vmem_shared>>) target(%dma_start3A_555 : memref<1x1024xf32, #tpu.memory_space<hbm>>) target_semaphore(%arg9 : memref<!tpu.dma_semaphore, #tpu.memory_space<semaphore_mem>>)
      %slice3A_558 = vector.extract_strided_slice %get3A_425 {offsets = [12], sizes = [1], strides = [1]} : vector<16xi32> to vector<1xi32>
      %squeeze3A_559 = vector.extract %slice3A_558[0] : i32 from vector<1xi32>
      %mul3A_560 = arith.constant 16 : i32
      %mul3A_561 = arith.muli %add3A_420, %mul3A_560 : i32
      %add3A_562 = arith.addi %mul3A_2, %mul3A_561 : i32
      %add3A_563 = arith.constant 12 : i32
      %add3A_564 = arith.addi %add3A_562, %add3A_563 : i32
      %dma_start3A_565 = arith.constant 0 : i32
      %dma_start3A_566 = tpu.memref_slice %arg4[%add3A_564, %dma_start3A_565] : memref<16384x1024xf32, #tpu.memory_space<hbm>> -> memref<1x1024xf32, #tpu.memory_space<hbm>>
      %dma_start3A_567 = arith.constant 0 : i32
      %dma_start3A_568 = tpu.memref_slice %arg8[%squeeze3A_559, %dma_start3A_567] : memref<1000x1024xf32, #tpu.memory_space<vmem_shared>> -> memref<1x1024xf32, #tpu.memory_space<vmem_shared>>
      tpu.enqueue_dma source(%dma_start3A_568 : memref<1x1024xf32, #tpu.memory_space<vmem_shared>>) target(%dma_start3A_566 : memref<1x1024xf32, #tpu.memory_space<hbm>>) target_semaphore(%arg9 : memref<!tpu.dma_semaphore, #tpu.memory_space<semaphore_mem>>)
      %slice3A_569 = vector.extract_strided_slice %get3A_425 {offsets = [13], sizes = [1], strides = [1]} : vector<16xi32> to vector<1xi32>
      %squeeze3A_570 = vector.extract %slice3A_569[0] : i32 from vector<1xi32>
      %mul3A_571 = arith.constant 16 : i32
      %mul3A_572 = arith.muli %add3A_420, %mul3A_571 : i32
      %add3A_573 = arith.addi %mul3A_2, %mul3A_572 : i32
      %add3A_574 = arith.constant 13 : i32
      %add3A_575 = arith.addi %add3A_573, %add3A_574 : i32
      %dma_start3A_576 = arith.constant 0 : i32
      %dma_start3A_577 = tpu.memref_slice %arg4[%add3A_575, %dma_start3A_576] : memref<16384x1024xf32, #tpu.memory_space<hbm>> -> memref<1x1024xf32, #tpu.memory_space<hbm>>
      %dma_start3A_578 = arith.constant 0 : i32
      %dma_start3A_579 = tpu.memref_slice %arg8[%squeeze3A_570, %dma_start3A_578] : memref<1000x1024xf32, #tpu.memory_space<vmem_shared>> -> memref<1x1024xf32, #tpu.memory_space<vmem_shared>>
      tpu.enqueue_dma source(%dma_start3A_579 : memref<1x1024xf32, #tpu.memory_space<vmem_shared>>) target(%dma_start3A_577 : memref<1x1024xf32, #tpu.memory_space<hbm>>) target_semaphore(%arg9 : memref<!tpu.dma_semaphore, #tpu.memory_space<semaphore_mem>>)
      %slice3A_580 = vector.extract_strided_slice %get3A_425 {offsets = [14], sizes = [1], strides = [1]} : vector<16xi32> to vector<1xi32>
      %squeeze3A_581 = vector.extract %slice3A_580[0] : i32 from vector<1xi32>
      %mul3A_582 = arith.constant 16 : i32
      %mul3A_583 = arith.muli %add3A_420, %mul3A_582 : i32
      %add3A_584 = arith.addi %mul3A_2, %mul3A_583 : i32
      %add3A_585 = arith.constant 14 : i32
      %add3A_586 = arith.addi %add3A_584, %add3A_585 : i32
      %dma_start3A_587 = arith.constant 0 : i32
      %dma_start3A_588 = tpu.memref_slice %arg4[%add3A_586, %dma_start3A_587] : memref<16384x1024xf32, #tpu.memory_space<hbm>> -> memref<1x1024xf32, #tpu.memory_space<hbm>>
      %dma_start3A_589 = arith.constant 0 : i32
      %dma_start3A_590 = tpu.memref_slice %arg8[%squeeze3A_581, %dma_start3A_589] : memref<1000x1024xf32, #tpu.memory_space<vmem_shared>> -> memref<1x1024xf32, #tpu.memory_space<vmem_shared>>
      tpu.enqueue_dma source(%dma_start3A_590 : memref<1x1024xf32, #tpu.memory_space<vmem_shared>>) target(%dma_start3A_588 : memref<1x1024xf32, #tpu.memory_space<hbm>>) target_semaphore(%arg9 : memref<!tpu.dma_semaphore, #tpu.memory_space<semaphore_mem>>)
      %slice3A_591 = vector.extract_strided_slice %get3A_425 {offsets = [15], sizes = [1], strides = [1]} : vector<16xi32> to vector<1xi32>
      %squeeze3A_592 = vector.extract %slice3A_591[0] : i32 from vector<1xi32>
      %mul3A_593 = arith.constant 16 : i32
      %mul3A_594 = arith.muli %add3A_420, %mul3A_593 : i32
      %add3A_595 = arith.addi %mul3A_2, %mul3A_594 : i32
      %add3A_596 = arith.constant 15 : i32
      %add3A_597 = arith.addi %add3A_595, %add3A_596 : i32
      %dma_start3A_598 = arith.constant 0 : i32
      %dma_start3A_599 = tpu.memref_slice %arg4[%add3A_597, %dma_start3A_598] : memref<16384x1024xf32, #tpu.memory_space<hbm>> -> memref<1x1024xf32, #tpu.memory_space<hbm>>
      %dma_start3A_600 = arith.constant 0 : i32
      %dma_start3A_601 = tpu.memref_slice %arg8[%squeeze3A_592, %dma_start3A_600] : memref<1000x1024xf32, #tpu.memory_space<vmem_shared>> -> memref<1x1024xf32, #tpu.memory_space<vmem_shared>>
      tpu.enqueue_dma source(%dma_start3A_601 : memref<1x1024xf32, #tpu.memory_space<vmem_shared>>) target(%dma_start3A_599 : memref<1x1024xf32, #tpu.memory_space<hbm>>) target_semaphore(%arg9 : memref<!tpu.dma_semaphore, #tpu.memory_space<semaphore_mem>>)
      %dma_wait3A_602 = tpu.memref_slice %arg5[%add3A_215] : memref<512xi32, #tpu.memory_space<vmem>> -> memref<32xi32, #tpu.memory_space<vmem>>
      %dma_wait3A_603 = arith.constant 0 : i32
      %dma_wait3A_604 = arith.constant 0 : i32
      %dma_wait3A_605 = tpu.memref_slice %arg3[%dma_wait3A_603, %dma_wait3A_604] : memref<1000x1024xf32, #tpu.memory_space<hbm>> -> memref<1000x1024xf32, #tpu.memory_space<hbm>>
      tpu.wait_indirect_dma semaphore(%arg11 : memref<!tpu.dma_semaphore, #tpu.memory_space<semaphore_mem>>) src(%dma_wait3A_605 : memref<1000x1024xf32, #tpu.memory_space<hbm>>) dst(%arg7 : memref<32x1024xf32, #tpu.memory_space<vmem>>)
      %mul3A_606 = arith.constant 2 : i32
      %mul3A_607 = arith.muli %mul3A_606, %scan3A_17 : i32
      %add3A_608 = arith.constant 1 : i32
      %add3A_609 = arith.addi %mul3A_607, %add3A_608 : i32
      %mul3A_610 = arith.constant 32 : i32
      %mul3A_611 = arith.muli %add3A_609, %mul3A_610 : i32
      %add3A_612 = arith.addi %add3A_10, %mul3A_611 : i32
      %dma_start3A_613 = arith.constant 0 : i32
      %dma_start3A_614 = tpu.memref_slice %arg4[%add3A_612, %dma_start3A_613] : memref<16384x1024xf32, #tpu.memory_space<hbm>> -> memref<32x1024xf32, #tpu.memory_space<hbm>>
      %dma_start3A_615 = arith.constant 0 : i32
      %dma_start3A_616 = tpu.memref_slice %arg4[%add3A_612, %dma_start3A_615] : memref<16384x1024xf32, #tpu.memory_space<hbm>> -> memref<32x1024xf32, #tpu.memory_space<hbm>>
      tpu.enqueue_dma source(%arg7 : memref<32x1024xf32, #tpu.memory_space<vmem>>) target(%dma_start3A_616 : memref<32x1024xf32, #tpu.memory_space<hbm>>) target_semaphore(%arg13 : memref<!tpu.dma_semaphore, #tpu.memory_space<semaphore_mem>>)
      %mul3A_617 = arith.constant 4 : i32
      %mul3A_618 = arith.muli %mul3A_617, %scan3A_17 : i32
      %add3A_619 = arith.constant 3 : i32
      %add3A_620 = arith.addi %mul3A_618, %add3A_619 : i32
      %mul3A_621 = arith.constant 16 : i32
      %mul3A_622 = arith.muli %add3A_620, %mul3A_621 : i32
      %get3A_623 = arith.index_cast %mul3A_622 : i32 to index
      %get3A_624 = tpu.vector_load %arg5[%get3A_623] {strides = array<i32>} : memref<512xi32, #tpu.memory_space<vmem>>, vector<16xi32>,
      %get3A_625 = vector.shape_cast %get3A_624 : vector<16xi32> to vector<16xi32>
      %slice3A_626 = vector.extract_strided_slice %get3A_625 {offsets = [0], sizes = [1], strides = [1]} : vector<16xi32> to vector<1xi32>
      %squeeze3A_627 = vector.extract %slice3A_626[0] : i32 from vector<1xi32>
      %mul3A_628 = arith.constant 16 : i32
      %mul3A_629 = arith.muli %add3A_620, %mul3A_628 : i32
      %add3A_630 = arith.addi %mul3A_2, %mul3A_629 : i32
      %add3A_631 = arith.constant 0 : i32
      %add3A_632 = arith.addi %add3A_630, %add3A_631 : i32
      %dma_start3A_633 = arith.constant 0 : i32
      %dma_start3A_634 = tpu.memref_slice %arg4[%add3A_632, %dma_start3A_633] : memref<16384x1024xf32, #tpu.memory_space<hbm>> -> memref<1x1024xf32, #tpu.memory_space<hbm>>
      %dma_start3A_635 = arith.constant 0 : i32
      %dma_start3A_636 = tpu.memref_slice %arg8[%squeeze3A_627, %dma_start3A_635] : memref<1000x1024xf32, #tpu.memory_space<vmem_shared>> -> memref<1x1024xf32, #tpu.memory_space<vmem_shared>>
      tpu.enqueue_dma source(%dma_start3A_636 : memref<1x1024xf32, #tpu.memory_space<vmem_shared>>) target(%dma_start3A_634 : memref<1x1024xf32, #tpu.memory_space<hbm>>) target_semaphore(%arg9 : memref<!tpu.dma_semaphore, #tpu.memory_space<semaphore_mem>>)
      %slice3A_637 = vector.extract_strided_slice %get3A_625 {offsets = [1], sizes = [1], strides = [1]} : vector<16xi32> to vector<1xi32>
      %squeeze3A_638 = vector.extract %slice3A_637[0] : i32 from vector<1xi32>
      %mul3A_639 = arith.constant 16 : i32
      %mul3A_640 = arith.muli %add3A_620, %mul3A_639 : i32
      %add3A_641 = arith.addi %mul3A_2, %mul3A_640 : i32
      %add3A_642 = arith.constant 1 : i32
      %add3A_643 = arith.addi %add3A_641, %add3A_642 : i32
      %dma_start3A_644 = arith.constant 0 : i32
      %dma_start3A_645 = tpu.memref_slice %arg4[%add3A_643, %dma_start3A_644] : memref<16384x1024xf32, #tpu.memory_space<hbm>> -> memref<1x1024xf32, #tpu.memory_space<hbm>>
      %dma_start3A_646 = arith.constant 0 : i32
      %dma_start3A_647 = tpu.memref_slice %arg8[%squeeze3A_638, %dma_start3A_646] : memref<1000x1024xf32, #tpu.memory_space<vmem_shared>> -> memref<1x1024xf32, #tpu.memory_space<vmem_shared>>
      tpu.enqueue_dma source(%dma_start3A_647 : memref<1x1024xf32, #tpu.memory_space<vmem_shared>>) target(%dma_start3A_645 : memref<1x1024xf32, #tpu.memory_space<hbm>>) target_semaphore(%arg9 : memref<!tpu.dma_semaphore, #tpu.memory_space<semaphore_mem>>)
      %slice3A_648 = vector.extract_strided_slice %get3A_625 {offsets = [2], sizes = [1], strides = [1]} : vector<16xi32> to vector<1xi32>
      %squeeze3A_649 = vector.extract %slice3A_648[0] : i32 from vector<1xi32>
      %mul3A_650 = arith.constant 16 : i32
      %mul3A_651 = arith.muli %add3A_620, %mul3A_650 : i32
      %add3A_652 = arith.addi %mul3A_2, %mul3A_651 : i32
      %add3A_653 = arith.constant 2 : i32
      %add3A_654 = arith.addi %add3A_652, %add3A_653 : i32
      %dma_start3A_655 = arith.constant 0 : i32
      %dma_start3A_656 = tpu.memref_slice %arg4[%add3A_654, %dma_start3A_655] : memref<16384x1024xf32, #tpu.memory_space<hbm>> -> memref<1x1024xf32, #tpu.memory_space<hbm>>
      %dma_start3A_657 = arith.constant 0 : i32
      %dma_start3A_658 = tpu.memref_slice %arg8[%squeeze3A_649, %dma_start3A_657] : memref<1000x1024xf32, #tpu.memory_space<vmem_shared>> -> memref<1x1024xf32, #tpu.memory_space<vmem_shared>>
      tpu.enqueue_dma source(%dma_start3A_658 : memref<1x1024xf32, #tpu.memory_space<vmem_shared>>) target(%dma_start3A_656 : memref<1x1024xf32, #tpu.memory_space<hbm>>) target_semaphore(%arg9 : memref<!tpu.dma_semaphore, #tpu.memory_space<semaphore_mem>>)
      %slice3A_659 = vector.extract_strided_slice %get3A_625 {offsets = [3], sizes = [1], strides = [1]} : vector<16xi32> to vector<1xi32>
      %squeeze3A_660 = vector.extract %slice3A_659[0] : i32 from vector<1xi32>
      %mul3A_661 = arith.constant 16 : i32
      %mul3A_662 = arith.muli %add3A_620, %mul3A_661 : i32
      %add3A_663 = arith.addi %mul3A_2, %mul3A_662 : i32
      %add3A_664 = arith.constant 3 : i32
      %add3A_665 = arith.addi %add3A_663, %add3A_664 : i32
      %dma_start3A_666 = arith.constant 0 : i32
      %dma_start3A_667 = tpu.memref_slice %arg4[%add3A_665, %dma_start3A_666] : memref<16384x1024xf32, #tpu.memory_space<hbm>> -> memref<1x1024xf32, #tpu.memory_space<hbm>>
      %dma_start3A_668 = arith.constant 0 : i32
      %dma_start3A_669 = tpu.memref_slice %arg8[%squeeze3A_660, %dma_start3A_668] : memref<1000x1024xf32, #tpu.memory_space<vmem_shared>> -> memref<1x1024xf32, #tpu.memory_space<vmem_shared>>
      tpu.enqueue_dma source(%dma_start3A_669 : memref<1x1024xf32, #tpu.memory_space<vmem_shared>>) target(%dma_start3A_667 : memref<1x1024xf32, #tpu.memory_space<hbm>>) target_semaphore(%arg9 : memref<!tpu.dma_semaphore, #tpu.memory_space<semaphore_mem>>)
      %slice3A_670 = vector.extract_strided_slice %get3A_625 {offsets = [4], sizes = [1], strides = [1]} : vector<16xi32> to vector<1xi32>
      %squeeze3A_671 = vector.extract %slice3A_670[0] : i32 from vector<1xi32>
      %mul3A_672 = arith.constant 16 : i32
      %mul3A_673 = arith.muli %add3A_620, %mul3A_672 : i32
      %add3A_674 = arith.addi %mul3A_2, %mul3A_673 : i32
      %add3A_675 = arith.constant 4 : i32
      %add3A_676 = arith.addi %add3A_674, %add3A_675 : i32
      %dma_start3A_677 = arith.constant 0 : i32
      %dma_start3A_678 = tpu.memref_slice %arg4[%add3A_676, %dma_start3A_677] : memref<16384x1024xf32, #tpu.memory_space<hbm>> -> memref<1x1024xf32, #tpu.memory_space<hbm>>
      %dma_start3A_679 = arith.constant 0 : i32
      %dma_start3A_680 = tpu.memref_slice %arg8[%squeeze3A_671, %dma_start3A_679] : memref<1000x1024xf32, #tpu.memory_space<vmem_shared>> -> memref<1x1024xf32, #tpu.memory_space<vmem_shared>>
      tpu.enqueue_dma source(%dma_start3A_680 : memref<1x1024xf32, #tpu.memory_space<vmem_shared>>) target(%dma_start3A_678 : memref<1x1024xf32, #tpu.memory_space<hbm>>) target_semaphore(%arg9 : memref<!tpu.dma_semaphore, #tpu.memory_space<semaphore_mem>>)
      %slice3A_681 = vector.extract_strided_slice %get3A_625 {offsets = [5], sizes = [1], strides = [1]} : vector<16xi32> to vector<1xi32>
      %squeeze3A_682 = vector.extract %slice3A_681[0] : i32 from vector<1xi32>
      %mul3A_683 = arith.constant 16 : i32
      %mul3A_684 = arith.muli %add3A_620, %mul3A_683 : i32
      %add3A_685 = arith.addi %mul3A_2, %mul3A_684 : i32
      %add3A_686 = arith.constant 5 : i32
      %add3A_687 = arith.addi %add3A_685, %add3A_686 : i32
      %dma_start3A_688 = arith.constant 0 : i32
      %dma_start3A_689 = tpu.memref_slice %arg4[%add3A_687, %dma_start3A_688] : memref<16384x1024xf32, #tpu.memory_space<hbm>> -> memref<1x1024xf32, #tpu.memory_space<hbm>>
      %dma_start3A_690 = arith.constant 0 : i32
      %dma_start3A_691 = tpu.memref_slice %arg8[%squeeze3A_682, %dma_start3A_690] : memref<1000x1024xf32, #tpu.memory_space<vmem_shared>> -> memref<1x1024xf32, #tpu.memory_space<vmem_shared>>
      tpu.enqueue_dma source(%dma_start3A_691 : memref<1x1024xf32, #tpu.memory_space<vmem_shared>>) target(%dma_start3A_689 : memref<1x1024xf32, #tpu.memory_space<hbm>>) target_semaphore(%arg9 : memref<!tpu.dma_semaphore, #tpu.memory_space<semaphore_mem>>)
      %slice3A_692 = vector.extract_strided_slice %get3A_625 {offsets = [6], sizes = [1], strides = [1]} : vector<16xi32> to vector<1xi32>
      %squeeze3A_693 = vector.extract %slice3A_692[0] : i32 from vector<1xi32>
      %mul3A_694 = arith.constant 16 : i32
      %mul3A_695 = arith.muli %add3A_620, %mul3A_694 : i32
      %add3A_696 = arith.addi %mul3A_2, %mul3A_695 : i32
      %add3A_697 = arith.constant 6 : i32
      %add3A_698 = arith.addi %add3A_696, %add3A_697 : i32
      %dma_start3A_699 = arith.constant 0 : i32
      %dma_start3A_700 = tpu.memref_slice %arg4[%add3A_698, %dma_start3A_699] : memref<16384x1024xf32, #tpu.memory_space<hbm>> -> memref<1x1024xf32, #tpu.memory_space<hbm>>
      %dma_start3A_701 = arith.constant 0 : i32
      %dma_start3A_702 = tpu.memref_slice %arg8[%squeeze3A_693, %dma_start3A_701] : memref<1000x1024xf32, #tpu.memory_space<vmem_shared>> -> memref<1x1024xf32, #tpu.memory_space<vmem_shared>>
      tpu.enqueue_dma source(%dma_start3A_702 : memref<1x1024xf32, #tpu.memory_space<vmem_shared>>) target(%dma_start3A_700 : memref<1x1024xf32, #tpu.memory_space<hbm>>) target_semaphore(%arg9 : memref<!tpu.dma_semaphore, #tpu.memory_space<semaphore_mem>>)
      %slice3A_703 = vector.extract_strided_slice %get3A_625 {offsets = [7], sizes = [1], strides = [1]} : vector<16xi32> to vector<1xi32>
      %squeeze3A_704 = vector.extract %slice3A_703[0] : i32 from vector<1xi32>
      %mul3A_705 = arith.constant 16 : i32
      %mul3A_706 = arith.muli %add3A_620, %mul3A_705 : i32
      %add3A_707 = arith.addi %mul3A_2, %mul3A_706 : i32
      %add3A_708 = arith.constant 7 : i32
      %add3A_709 = arith.addi %add3A_707, %add3A_708 : i32
      %dma_start3A_710 = arith.constant 0 : i32
      %dma_start3A_711 = tpu.memref_slice %arg4[%add3A_709, %dma_start3A_710] : memref<16384x1024xf32, #tpu.memory_space<hbm>> -> memref<1x1024xf32, #tpu.memory_space<hbm>>
      %dma_start3A_712 = arith.constant 0 : i32
      %dma_start3A_713 = tpu.memref_slice %arg8[%squeeze3A_704, %dma_start3A_712] : memref<1000x1024xf32, #tpu.memory_space<vmem_shared>> -> memref<1x1024xf32, #tpu.memory_space<vmem_shared>>
      tpu.enqueue_dma source(%dma_start3A_713 : memref<1x1024xf32, #tpu.memory_space<vmem_shared>>) target(%dma_start3A_711 : memref<1x1024xf32, #tpu.memory_space<hbm>>) target_semaphore(%arg9 : memref<!tpu.dma_semaphore, #tpu.memory_space<semaphore_mem>>)
      %slice3A_714 = vector.extract_strided_slice %get3A_625 {offsets = [8], sizes = [1], strides = [1]} : vector<16xi32> to vector<1xi32>
      %squeeze3A_715 = vector.extract %slice3A_714[0] : i32 from vector<1xi32>
      %mul3A_716 = arith.constant 16 : i32
      %mul3A_717 = arith.muli %add3A_620, %mul3A_716 : i32
      %add3A_718 = arith.addi %mul3A_2, %mul3A_717 : i32
      %add3A_719 = arith.constant 8 : i32
      %add3A_720 = arith.addi %add3A_718, %add3A_719 : i32
      %dma_start3A_721 = arith.constant 0 : i32
      %dma_start3A_722 = tpu.memref_slice %arg4[%add3A_720, %dma_start3A_721] : memref<16384x1024xf32, #tpu.memory_space<hbm>> -> memref<1x1024xf32, #tpu.memory_space<hbm>>
      %dma_start3A_723 = arith.constant 0 : i32
      %dma_start3A_724 = tpu.memref_slice %arg8[%squeeze3A_715, %dma_start3A_723] : memref<1000x1024xf32, #tpu.memory_space<vmem_shared>> -> memref<1x1024xf32, #tpu.memory_space<vmem_shared>>
      tpu.enqueue_dma source(%dma_start3A_724 : memref<1x1024xf32, #tpu.memory_space<vmem_shared>>) target(%dma_start3A_722 : memref<1x1024xf32, #tpu.memory_space<hbm>>) target_semaphore(%arg9 : memref<!tpu.dma_semaphore, #tpu.memory_space<semaphore_mem>>)
      %slice3A_725 = vector.extract_strided_slice %get3A_625 {offsets = [9], sizes = [1], strides = [1]} : vector<16xi32> to vector<1xi32>
      %squeeze3A_726 = vector.extract %slice3A_725[0] : i32 from vector<1xi32>
      %mul3A_727 = arith.constant 16 : i32
      %mul3A_728 = arith.muli %add3A_620, %mul3A_727 : i32
      %add3A_729 = arith.addi %mul3A_2, %mul3A_728 : i32
      %add3A_730 = arith.constant 9 : i32
      %add3A_731 = arith.addi %add3A_729, %add3A_730 : i32
      %dma_start3A_732 = arith.constant 0 : i32
      %dma_start3A_733 = tpu.memref_slice %arg4[%add3A_731, %dma_start3A_732] : memref<16384x1024xf32, #tpu.memory_space<hbm>> -> memref<1x1024xf32, #tpu.memory_space<hbm>>
      %dma_start3A_734 = arith.constant 0 : i32
      %dma_start3A_735 = tpu.memref_slice %arg8[%squeeze3A_726, %dma_start3A_734] : memref<1000x1024xf32, #tpu.memory_space<vmem_shared>> -> memref<1x1024xf32, #tpu.memory_space<vmem_shared>>
      tpu.enqueue_dma source(%dma_start3A_735 : memref<1x1024xf32, #tpu.memory_space<vmem_shared>>) target(%dma_start3A_733 : memref<1x1024xf32, #tpu.memory_space<hbm>>) target_semaphore(%arg9 : memref<!tpu.dma_semaphore, #tpu.memory_space<semaphore_mem>>)
      %slice3A_736 = vector.extract_strided_slice %get3A_625 {offsets = [10], sizes = [1], strides = [1]} : vector<16xi32> to vector<1xi32>
      %squeeze3A_737 = vector.extract %slice3A_736[0] : i32 from vector<1xi32>
      %mul3A_738 = arith.constant 16 : i32
      %mul3A_739 = arith.muli %add3A_620, %mul3A_738 : i32
      %add3A_740 = arith.addi %mul3A_2, %mul3A_739 : i32
      %add3A_741 = arith.constant 10 : i32
      %add3A_742 = arith.addi %add3A_740, %add3A_741 : i32
      %dma_start3A_743 = arith.constant 0 : i32
      %dma_start3A_744 = tpu.memref_slice %arg4[%add3A_742, %dma_start3A_743] : memref<16384x1024xf32, #tpu.memory_space<hbm>> -> memref<1x1024xf32, #tpu.memory_space<hbm>>
      %dma_start3A_745 = arith.constant 0 : i32
      %dma_start3A_746 = tpu.memref_slice %arg8[%squeeze3A_737, %dma_start3A_745] : memref<1000x1024xf32, #tpu.memory_space<vmem_shared>> -> memref<1x1024xf32, #tpu.memory_space<vmem_shared>>
      tpu.enqueue_dma source(%dma_start3A_746 : memref<1x1024xf32, #tpu.memory_space<vmem_shared>>) target(%dma_start3A_744 : memref<1x1024xf32, #tpu.memory_space<hbm>>) target_semaphore(%arg9 : memref<!tpu.dma_semaphore, #tpu.memory_space<semaphore_mem>>)
      %slice3A_747 = vector.extract_strided_slice %get3A_625 {offsets = [11], sizes = [1], strides = [1]} : vector<16xi32> to vector<1xi32>
      %squeeze3A_748 = vector.extract %slice3A_747[0] : i32 from vector<1xi32>
      %mul3A_749 = arith.constant 16 : i32
      %mul3A_750 = arith.muli %add3A_620, %mul3A_749 : i32
      %add3A_751 = arith.addi %mul3A_2, %mul3A_750 : i32
      %add3A_752 = arith.constant 11 : i32
      %add3A_753 = arith.addi %add3A_751, %add3A_752 : i32
      %dma_start3A_754 = arith.constant 0 : i32
      %dma_start3A_755 = tpu.memref_slice %arg4[%add3A_753, %dma_start3A_754] : memref<16384x1024xf32, #tpu.memory_space<hbm>> -> memref<1x1024xf32, #tpu.memory_space<hbm>>
      %dma_start3A_756 = arith.constant 0 : i32
      %dma_start3A_757 = tpu.memref_slice %arg8[%squeeze3A_748, %dma_start3A_756] : memref<1000x1024xf32, #tpu.memory_space<vmem_shared>> -> memref<1x1024xf32, #tpu.memory_space<vmem_shared>>
      tpu.enqueue_dma source(%dma_start3A_757 : memref<1x1024xf32, #tpu.memory_space<vmem_shared>>) target(%dma_start3A_755 : memref<1x1024xf32, #tpu.memory_space<hbm>>) target_semaphore(%arg9 : memref<!tpu.dma_semaphore, #tpu.memory_space<semaphore_mem>>)
      %slice3A_758 = vector.extract_strided_slice %get3A_625 {offsets = [12], sizes = [1], strides = [1]} : vector<16xi32> to vector<1xi32>
      %squeeze3A_759 = vector.extract %slice3A_758[0] : i32 from vector<1xi32>
      %mul3A_760 = arith.constant 16 : i32
      %mul3A_761 = arith.muli %add3A_620, %mul3A_760 : i32
      %add3A_762 = arith.addi %mul3A_2, %mul3A_761 : i32
      %add3A_763 = arith.constant 12 : i32
      %add3A_764 = arith.addi %add3A_762, %add3A_763 : i32
      %dma_start3A_765 = arith.constant 0 : i32
      %dma_start3A_766 = tpu.memref_slice %arg4[%add3A_764, %dma_start3A_765] : memref<16384x1024xf32, #tpu.memory_space<hbm>> -> memref<1x1024xf32, #tpu.memory_space<hbm>>
      %dma_start3A_767 = arith.constant 0 : i32
      %dma_start3A_768 = tpu.memref_slice %arg8[%squeeze3A_759, %dma_start3A_767] : memref<1000x1024xf32, #tpu.memory_space<vmem_shared>> -> memref<1x1024xf32, #tpu.memory_space<vmem_shared>>
      tpu.enqueue_dma source(%dma_start3A_768 : memref<1x1024xf32, #tpu.memory_space<vmem_shared>>) target(%dma_start3A_766 : memref<1x1024xf32, #tpu.memory_space<hbm>>) target_semaphore(%arg9 : memref<!tpu.dma_semaphore, #tpu.memory_space<semaphore_mem>>)
      %slice3A_769 = vector.extract_strided_slice %get3A_625 {offsets = [13], sizes = [1], strides = [1]} : vector<16xi32> to vector<1xi32>
      %squeeze3A_770 = vector.extract %slice3A_769[0] : i32 from vector<1xi32>
      %mul3A_771 = arith.constant 16 : i32
      %mul3A_772 = arith.muli %add3A_620, %mul3A_771 : i32
      %add3A_773 = arith.addi %mul3A_2, %mul3A_772 : i32
      %add3A_774 = arith.constant 13 : i32
      %add3A_775 = arith.addi %add3A_773, %add3A_774 : i32
      %dma_start3A_776 = arith.constant 0 : i32
      %dma_start3A_777 = tpu.memref_slice %arg4[%add3A_775, %dma_start3A_776] : memref<16384x1024xf32, #tpu.memory_space<hbm>> -> memref<1x1024xf32, #tpu.memory_space<hbm>>
      %dma_start3A_778 = arith.constant 0 : i32
      %dma_start3A_779 = tpu.memref_slice %arg8[%squeeze3A_770, %dma_start3A_778] : memref<1000x1024xf32, #tpu.memory_space<vmem_shared>> -> memref<1x1024xf32, #tpu.memory_space<vmem_shared>>
      tpu.enqueue_dma source(%dma_start3A_779 : memref<1x1024xf32, #tpu.memory_space<vmem_shared>>) target(%dma_start3A_777 : memref<1x1024xf32, #tpu.memory_space<hbm>>) target_semaphore(%arg9 : memref<!tpu.dma_semaphore, #tpu.memory_space<semaphore_mem>>)
      %slice3A_780 = vector.extract_strided_slice %get3A_625 {offsets = [14], sizes = [1], strides = [1]} : vector<16xi32> to vector<1xi32>
      %squeeze3A_781 = vector.extract %slice3A_780[0] : i32 from vector<1xi32>
      %mul3A_782 = arith.constant 16 : i32
      %mul3A_783 = arith.muli %add3A_620, %mul3A_782 : i32
      %add3A_784 = arith.addi %mul3A_2, %mul3A_783 : i32
      %add3A_785 = arith.constant 14 : i32
      %add3A_786 = arith.addi %add3A_784, %add3A_785 : i32
      %dma_start3A_787 = arith.constant 0 : i32
      %dma_start3A_788 = tpu.memref_slice %arg4[%add3A_786, %dma_start3A_787] : memref<16384x1024xf32, #tpu.memory_space<hbm>> -> memref<1x1024xf32, #tpu.memory_space<hbm>>
      %dma_start3A_789 = arith.constant 0 : i32
      %dma_start3A_790 = tpu.memref_slice %arg8[%squeeze3A_781, %dma_start3A_789] : memref<1000x1024xf32, #tpu.memory_space<vmem_shared>> -> memref<1x1024xf32, #tpu.memory_space<vmem_shared>>
      tpu.enqueue_dma source(%dma_start3A_790 : memref<1x1024xf32, #tpu.memory_space<vmem_shared>>) target(%dma_start3A_788 : memref<1x1024xf32, #tpu.memory_space<hbm>>) target_semaphore(%arg9 : memref<!tpu.dma_semaphore, #tpu.memory_space<semaphore_mem>>)
      %slice3A_791 = vector.extract_strided_slice %get3A_625 {offsets = [15], sizes = [1], strides = [1]} : vector<16xi32> to vector<1xi32>
      %squeeze3A_792 = vector.extract %slice3A_791[0] : i32 from vector<1xi32>
      %mul3A_793 = arith.constant 16 : i32
      %mul3A_794 = arith.muli %add3A_620, %mul3A_793 : i32
      %add3A_795 = arith.addi %mul3A_2, %mul3A_794 : i32
      %add3A_796 = arith.constant 15 : i32
      %add3A_797 = arith.addi %add3A_795, %add3A_796 : i32
      %dma_start3A_798 = arith.constant 0 : i32
      %dma_start3A_799 = tpu.memref_slice %arg4[%add3A_797, %dma_start3A_798] : memref<16384x1024xf32, #tpu.memory_space<hbm>> -> memref<1x1024xf32, #tpu.memory_space<hbm>>
      %dma_start3A_800 = arith.constant 0 : i32
      %dma_start3A_801 = tpu.memref_slice %arg8[%squeeze3A_792, %dma_start3A_800] : memref<1000x1024xf32, #tpu.memory_space<vmem_shared>> -> memref<1x1024xf32, #tpu.memory_space<vmem_shared>>
      tpu.enqueue_dma source(%dma_start3A_801 : memref<1x1024xf32, #tpu.memory_space<vmem_shared>>) target(%dma_start3A_799 : memref<1x1024xf32, #tpu.memory_space<hbm>>) target_semaphore(%arg9 : memref<!tpu.dma_semaphore, #tpu.memory_space<semaphore_mem>>)
      %dma_wait3A_802 = arith.constant 0 : i32
      %dma_wait3A_803 = tpu.memref_slice %arg4[%add3A_38, %dma_wait3A_802] : memref<16384x1024xf32, #tpu.memory_space<hbm>> -> memref<1x1024xf32, #tpu.memory_space<hbm>>
      %dma_wait3A_804 = arith.constant 0 : i32
      %dma_wait3A_805 = tpu.memref_slice %arg8[%squeeze3A, %dma_wait3A_804] : memref<1000x1024xf32, #tpu.memory_space<vmem_shared>> -> memref<1x1024xf32, #tpu.memory_space<vmem_shared>>
      tpu.wait_dma2 semaphore(%arg9 : memref<!tpu.dma_semaphore, #tpu.memory_space<semaphore_mem>>) src(%dma_wait3A_805 : memref<1x1024xf32, #tpu.memory_space<vmem_shared>>) dst(%dma_wait3A_803 : memref<1x1024xf32, #tpu.memory_space<hbm>>)
      %dma_wait3A_806 = arith.constant 0 : i32
      %dma_wait3A_807 = tpu.memref_slice %arg4[%add3A_49, %dma_wait3A_806] : memref<16384x1024xf32, #tpu.memory_space<hbm>> -> memref<1x1024xf32, #tpu.memory_space<hbm>>
      %dma_wait3A_808 = arith.constant 0 : i32
      %dma_wait3A_809 = tpu.memref_slice %arg8[%squeeze3A_44, %dma_wait3A_808] : memref<1000x1024xf32, #tpu.memory_space<vmem_shared>> -> memref<1x1024xf32, #tpu.memory_space<vmem_shared>>
      tpu.wait_dma2 semaphore(%arg9 : memref<!tpu.dma_semaphore, #tpu.memory_space<semaphore_mem>>) src(%dma_wait3A_809 : memref<1x1024xf32, #tpu.memory_space<vmem_shared>>) dst(%dma_wait3A_807 : memref<1x1024xf32, #tpu.memory_space<hbm>>)
      %dma_wait3A_810 = arith.constant 0 : i32
      %dma_wait3A_811 = tpu.memref_slice %arg4[%add3A_60, %dma_wait3A_810] : memref<16384x1024xf32, #tpu.memory_space<hbm>> -> memref<1x1024xf32, #tpu.memory_space<hbm>>
      %dma_wait3A_812 = arith.constant 0 : i32
      %dma_wait3A_813 = tpu.memref_slice %arg8[%squeeze3A_55, %dma_wait3A_812] : memref<1000x1024xf32, #tpu.memory_space<vmem_shared>> -> memref<1x1024xf32, #tpu.memory_space<vmem_shared>>
      tpu.wait_dma2 semaphore(%arg9 : memref<!tpu.dma_semaphore, #tpu.memory_space<semaphore_mem>>) src(%dma_wait3A_813 : memref<1x1024xf32, #tpu.memory_space<vmem_shared>>) dst(%dma_wait3A_811 : memref<1x1024xf32, #tpu.memory_space<hbm>>)
      %dma_wait3A_814 = arith.constant 0 : i32
      %dma_wait3A_815 = tpu.memref_slice %arg4[%add3A_71, %dma_wait3A_814] : memref<16384x1024xf32, #tpu.memory_space<hbm>> -> memref<1x1024xf32, #tpu.memory_space<hbm>>
      %dma_wait3A_816 = arith.constant 0 : i32
      %dma_wait3A_817 = tpu.memref_slice %arg8[%squeeze3A_66, %dma_wait3A_816] : memref<1000x1024xf32, #tpu.memory_space<vmem_shared>> -> memref<1x1024xf32, #tpu.memory_space<vmem_shared>>
      tpu.wait_dma2 semaphore(%arg9 : memref<!tpu.dma_semaphore, #tpu.memory_space<semaphore_mem>>) src(%dma_wait3A_817 : memref<1x1024xf32, #tpu.memory_space<vmem_shared>>) dst(%dma_wait3A_815 : memref<1x1024xf32, #tpu.memory_space<hbm>>)
      %dma_wait3A_818 = arith.constant 0 : i32
      %dma_wait3A_819 = tpu.memref_slice %arg4[%add3A_82, %dma_wait3A_818] : memref<16384x1024xf32, #tpu.memory_space<hbm>> -> memref<1x1024xf32, #tpu.memory_space<hbm>>
      %dma_wait3A_820 = arith.constant 0 : i32
      %dma_wait3A_821 = tpu.memref_slice %arg8[%squeeze3A_77, %dma_wait3A_820] : memref<1000x1024xf32, #tpu.memory_space<vmem_shared>> -> memref<1x1024xf32, #tpu.memory_space<vmem_shared>>
      tpu.wait_dma2 semaphore(%arg9 : memref<!tpu.dma_semaphore, #tpu.memory_space<semaphore_mem>>) src(%dma_wait3A_821 : memref<1x1024xf32, #tpu.memory_space<vmem_shared>>) dst(%dma_wait3A_819 : memref<1x1024xf32, #tpu.memory_space<hbm>>)
      %dma_wait3A_822 = arith.constant 0 : i32
      %dma_wait3A_823 = tpu.memref_slice %arg4[%add3A_93, %dma_wait3A_822] : memref<16384x1024xf32, #tpu.memory_space<hbm>> -> memref<1x1024xf32, #tpu.memory_space<hbm>>
      %dma_wait3A_824 = arith.constant 0 : i32
      %dma_wait3A_825 = tpu.memref_slice %arg8[%squeeze3A_88, %dma_wait3A_824] : memref<1000x1024xf32, #tpu.memory_space<vmem_shared>> -> memref<1x1024xf32, #tpu.memory_space<vmem_shared>>
      tpu.wait_dma2 semaphore(%arg9 : memref<!tpu.dma_semaphore, #tpu.memory_space<semaphore_mem>>) src(%dma_wait3A_825 : memref<1x1024xf32, #tpu.memory_space<vmem_shared>>) dst(%dma_wait3A_823 : memref<1x1024xf32, #tpu.memory_space<hbm>>)
      %dma_wait3A_826 = arith.constant 0 : i32
      %dma_wait3A_827 = tpu.memref_slice %arg4[%add3A_104, %dma_wait3A_826] : memref<16384x1024xf32, #tpu.memory_space<hbm>> -> memref<1x1024xf32, #tpu.memory_space<hbm>>
      %dma_wait3A_828 = arith.constant 0 : i32
      %dma_wait3A_829 = tpu.memref_slice %arg8[%squeeze3A_99, %dma_wait3A_828] : memref<1000x1024xf32, #tpu.memory_space<vmem_shared>> -> memref<1x1024xf32, #tpu.memory_space<vmem_shared>>
      tpu.wait_dma2 semaphore(%arg9 : memref<!tpu.dma_semaphore, #tpu.memory_space<semaphore_mem>>) src(%dma_wait3A_829 : memref<1x1024xf32, #tpu.memory_space<vmem_shared>>) dst(%dma_wait3A_827 : memref<1x1024xf32, #tpu.memory_space<hbm>>)
      %dma_wait3A_830 = arith.constant 0 : i32
      %dma_wait3A_831 = tpu.memref_slice %arg4[%add3A_115, %dma_wait3A_830] : memref<16384x1024xf32, #tpu.memory_space<hbm>> -> memref<1x1024xf32, #tpu.memory_space<hbm>>
      %dma_wait3A_832 = arith.constant 0 : i32
      %dma_wait3A_833 = tpu.memref_slice %arg8[%squeeze3A_110, %dma_wait3A_832] : memref<1000x1024xf32, #tpu.memory_space<vmem_shared>> -> memref<1x1024xf32, #tpu.memory_space<vmem_shared>>
      tpu.wait_dma2 semaphore(%arg9 : memref<!tpu.dma_semaphore, #tpu.memory_space<semaphore_mem>>) src(%dma_wait3A_833 : memref<1x1024xf32, #tpu.memory_space<vmem_shared>>) dst(%dma_wait3A_831 : memref<1x1024xf32, #tpu.memory_space<hbm>>)
      %dma_wait3A_834 = arith.constant 0 : i32
      %dma_wait3A_835 = tpu.memref_slice %arg4[%add3A_126, %dma_wait3A_834] : memref<16384x1024xf32, #tpu.memory_space<hbm>> -> memref<1x1024xf32, #tpu.memory_space<hbm>>
      %dma_wait3A_836 = arith.constant 0 : i32
      %dma_wait3A_837 = tpu.memref_slice %arg8[%squeeze3A_121, %dma_wait3A_836] : memref<1000x1024xf32, #tpu.memory_space<vmem_shared>> -> memref<1x1024xf32, #tpu.memory_space<vmem_shared>>
      tpu.wait_dma2 semaphore(%arg9 : memref<!tpu.dma_semaphore, #tpu.memory_space<semaphore_mem>>) src(%dma_wait3A_837 : memref<1x1024xf32, #tpu.memory_space<vmem_shared>>) dst(%dma_wait3A_835 : memref<1x1024xf32, #tpu.memory_space<hbm>>)
      %dma_wait3A_838 = arith.constant 0 : i32
      %dma_wait3A_839 = tpu.memref_slice %arg4[%add3A_137, %dma_wait3A_838] : memref<16384x1024xf32, #tpu.memory_space<hbm>> -> memref<1x1024xf32, #tpu.memory_space<hbm>>
      %dma_wait3A_840 = arith.constant 0 : i32
      %dma_wait3A_841 = tpu.memref_slice %arg8[%squeeze3A_132, %dma_wait3A_840] : memref<1000x1024xf32, #tpu.memory_space<vmem_shared>> -> memref<1x1024xf32, #tpu.memory_space<vmem_shared>>
      tpu.wait_dma2 semaphore(%arg9 : memref<!tpu.dma_semaphore, #tpu.memory_space<semaphore_mem>>) src(%dma_wait3A_841 : memref<1x1024xf32, #tpu.memory_space<vmem_shared>>) dst(%dma_wait3A_839 : memref<1x1024xf32, #tpu.memory_space<hbm>>)
      %dma_wait3A_842 = arith.constant 0 : i32
      %dma_wait3A_843 = tpu.memref_slice %arg4[%add3A_148, %dma_wait3A_842] : memref<16384x1024xf32, #tpu.memory_space<hbm>> -> memref<1x1024xf32, #tpu.memory_space<hbm>>
      %dma_wait3A_844 = arith.constant 0 : i32
      %dma_wait3A_845 = tpu.memref_slice %arg8[%squeeze3A_143, %dma_wait3A_844] : memref<1000x1024xf32, #tpu.memory_space<vmem_shared>> -> memref<1x1024xf32, #tpu.memory_space<vmem_shared>>
      tpu.wait_dma2 semaphore(%arg9 : memref<!tpu.dma_semaphore, #tpu.memory_space<semaphore_mem>>) src(%dma_wait3A_845 : memref<1x1024xf32, #tpu.memory_space<vmem_shared>>) dst(%dma_wait3A_843 : memref<1x1024xf32, #tpu.memory_space<hbm>>)
      %dma_wait3A_846 = arith.constant 0 : i32
      %dma_wait3A_847 = tpu.memref_slice %arg4[%add3A_159, %dma_wait3A_846] : memref<16384x1024xf32, #tpu.memory_space<hbm>> -> memref<1x1024xf32, #tpu.memory_space<hbm>>
      %dma_wait3A_848 = arith.constant 0 : i32
      %dma_wait3A_849 = tpu.memref_slice %arg8[%squeeze3A_154, %dma_wait3A_848] : memref<1000x1024xf32, #tpu.memory_space<vmem_shared>> -> memref<1x1024xf32, #tpu.memory_space<vmem_shared>>
      tpu.wait_dma2 semaphore(%arg9 : memref<!tpu.dma_semaphore, #tpu.memory_space<semaphore_mem>>) src(%dma_wait3A_849 : memref<1x1024xf32, #tpu.memory_space<vmem_shared>>) dst(%dma_wait3A_847 : memref<1x1024xf32, #tpu.memory_space<hbm>>)
      %dma_wait3A_850 = arith.constant 0 : i32
      %dma_wait3A_851 = tpu.memref_slice %arg4[%add3A_170, %dma_wait3A_850] : memref<16384x1024xf32, #tpu.memory_space<hbm>> -> memref<1x1024xf32, #tpu.memory_space<hbm>>
      %dma_wait3A_852 = arith.constant 0 : i32
      %dma_wait3A_853 = tpu.memref_slice %arg8[%squeeze3A_165, %dma_wait3A_852] : memref<1000x1024xf32, #tpu.memory_space<vmem_shared>> -> memref<1x1024xf32, #tpu.memory_space<vmem_shared>>
      tpu.wait_dma2 semaphore(%arg9 : memref<!tpu.dma_semaphore, #tpu.memory_space<semaphore_mem>>) src(%dma_wait3A_853 : memref<1x1024xf32, #tpu.memory_space<vmem_shared>>) dst(%dma_wait3A_851 : memref<1x1024xf32, #tpu.memory_space<hbm>>)
      %dma_wait3A_854 = arith.constant 0 : i32
      %dma_wait3A_855 = tpu.memref_slice %arg4[%add3A_181, %dma_wait3A_854] : memref<16384x1024xf32, #tpu.memory_space<hbm>> -> memref<1x1024xf32, #tpu.memory_space<hbm>>
      %dma_wait3A_856 = arith.constant 0 : i32
      %dma_wait3A_857 = tpu.memref_slice %arg8[%squeeze3A_176, %dma_wait3A_856] : memref<1000x1024xf32, #tpu.memory_space<vmem_shared>> -> memref<1x1024xf32, #tpu.memory_space<vmem_shared>>
      tpu.wait_dma2 semaphore(%arg9 : memref<!tpu.dma_semaphore, #tpu.memory_space<semaphore_mem>>) src(%dma_wait3A_857 : memref<1x1024xf32, #tpu.memory_space<vmem_shared>>) dst(%dma_wait3A_855 : memref<1x1024xf32, #tpu.memory_space<hbm>>)
      %dma_wait3A_858 = arith.constant 0 : i32
      %dma_wait3A_859 = tpu.memref_slice %arg4[%add3A_192, %dma_wait3A_858] : memref<16384x1024xf32, #tpu.memory_space<hbm>> -> memref<1x1024xf32, #tpu.memory_space<hbm>>
      %dma_wait3A_860 = arith.constant 0 : i32
      %dma_wait3A_861 = tpu.memref_slice %arg8[%squeeze3A_187, %dma_wait3A_860] : memref<1000x1024xf32, #tpu.memory_space<vmem_shared>> -> memref<1x1024xf32, #tpu.memory_space<vmem_shared>>
      tpu.wait_dma2 semaphore(%arg9 : memref<!tpu.dma_semaphore, #tpu.memory_space<semaphore_mem>>) src(%dma_wait3A_861 : memref<1x1024xf32, #tpu.memory_space<vmem_shared>>) dst(%dma_wait3A_859 : memref<1x1024xf32, #tpu.memory_space<hbm>>)
      %dma_wait3A_862 = arith.constant 0 : i32
      %dma_wait3A_863 = tpu.memref_slice %arg4[%add3A_203, %dma_wait3A_862] : memref<16384x1024xf32, #tpu.memory_space<hbm>> -> memref<1x1024xf32, #tpu.memory_space<hbm>>
      %dma_wait3A_864 = arith.constant 0 : i32
      %dma_wait3A_865 = tpu.memref_slice %arg8[%squeeze3A_198, %dma_wait3A_864] : memref<1000x1024xf32, #tpu.memory_space<vmem_shared>> -> memref<1x1024xf32, #tpu.memory_space<vmem_shared>>
      tpu.wait_dma2 semaphore(%arg9 : memref<!tpu.dma_semaphore, #tpu.memory_space<semaphore_mem>>) src(%dma_wait3A_865 : memref<1x1024xf32, #tpu.memory_space<vmem_shared>>) dst(%dma_wait3A_863 : memref<1x1024xf32, #tpu.memory_space<hbm>>)
      %dma_wait3A_866 = arith.constant 0 : i32
      %dma_wait3A_867 = tpu.memref_slice %arg4[%add3A_235, %dma_wait3A_866] : memref<16384x1024xf32, #tpu.memory_space<hbm>> -> memref<1x1024xf32, #tpu.memory_space<hbm>>
      %dma_wait3A_868 = arith.constant 0 : i32
      %dma_wait3A_869 = tpu.memref_slice %arg8[%squeeze3A_230, %dma_wait3A_868] : memref<1000x1024xf32, #tpu.memory_space<vmem_shared>> -> memref<1x1024xf32, #tpu.memory_space<vmem_shared>>
      tpu.wait_dma2 semaphore(%arg9 : memref<!tpu.dma_semaphore, #tpu.memory_space<semaphore_mem>>) src(%dma_wait3A_869 : memref<1x1024xf32, #tpu.memory_space<vmem_shared>>) dst(%dma_wait3A_867 : memref<1x1024xf32, #tpu.memory_space<hbm>>)
      %dma_wait3A_870 = arith.constant 0 : i32
      %dma_wait3A_871 = tpu.memref_slice %arg4[%add3A_246, %dma_wait3A_870] : memref<16384x1024xf32, #tpu.memory_space<hbm>> -> memref<1x1024xf32, #tpu.memory_space<hbm>>
      %dma_wait3A_872 = arith.constant 0 : i32
      %dma_wait3A_873 = tpu.memref_slice %arg8[%squeeze3A_241, %dma_wait3A_872] : memref<1000x1024xf32, #tpu.memory_space<vmem_shared>> -> memref<1x1024xf32, #tpu.memory_space<vmem_shared>>
      tpu.wait_dma2 semaphore(%arg9 : memref<!tpu.dma_semaphore, #tpu.memory_space<semaphore_mem>>) src(%dma_wait3A_873 : memref<1x1024xf32, #tpu.memory_space<vmem_shared>>) dst(%dma_wait3A_871 : memref<1x1024xf32, #tpu.memory_space<hbm>>)
      %dma_wait3A_874 = arith.constant 0 : i32
      %dma_wait3A_875 = tpu.memref_slice %arg4[%add3A_257, %dma_wait3A_874] : memref<16384x1024xf32, #tpu.memory_space<hbm>> -> memref<1x1024xf32, #tpu.memory_space<hbm>>
      %dma_wait3A_876 = arith.constant 0 : i32
      %dma_wait3A_877 = tpu.memref_slice %arg8[%squeeze3A_252, %dma_wait3A_876] : memref<1000x1024xf32, #tpu.memory_space<vmem_shared>> -> memref<1x1024xf32, #tpu.memory_space<vmem_shared>>
      tpu.wait_dma2 semaphore(%arg9 : memref<!tpu.dma_semaphore, #tpu.memory_space<semaphore_mem>>) src(%dma_wait3A_877 : memref<1x1024xf32, #tpu.memory_space<vmem_shared>>) dst(%dma_wait3A_875 : memref<1x1024xf32, #tpu.memory_space<hbm>>)
      %dma_wait3A_878 = arith.constant 0 : i32
      %dma_wait3A_879 = tpu.memref_slice %arg4[%add3A_268, %dma_wait3A_878] : memref<16384x1024xf32, #tpu.memory_space<hbm>> -> memref<1x1024xf32, #tpu.memory_space<hbm>>
      %dma_wait3A_880 = arith.constant 0 : i32
      %dma_wait3A_881 = tpu.memref_slice %arg8[%squeeze3A_263, %dma_wait3A_880] : memref<1000x1024xf32, #tpu.memory_space<vmem_shared>> -> memref<1x1024xf32, #tpu.memory_space<vmem_shared>>
      tpu.wait_dma2 semaphore(%arg9 : memref<!tpu.dma_semaphore, #tpu.memory_space<semaphore_mem>>) src(%dma_wait3A_881 : memref<1x1024xf32, #tpu.memory_space<vmem_shared>>) dst(%dma_wait3A_879 : memref<1x1024xf32, #tpu.memory_space<hbm>>)
      %dma_wait3A_882 = arith.constant 0 : i32
      %dma_wait3A_883 = tpu.memref_slice %arg4[%add3A_279, %dma_wait3A_882] : memref<16384x1024xf32, #tpu.memory_space<hbm>> -> memref<1x1024xf32, #tpu.memory_space<hbm>>
      %dma_wait3A_884 = arith.constant 0 : i32
      %dma_wait3A_885 = tpu.memref_slice %arg8[%squeeze3A_274, %dma_wait3A_884] : memref<1000x1024xf32, #tpu.memory_space<vmem_shared>> -> memref<1x1024xf32, #tpu.memory_space<vmem_shared>>
      tpu.wait_dma2 semaphore(%arg9 : memref<!tpu.dma_semaphore, #tpu.memory_space<semaphore_mem>>) src(%dma_wait3A_885 : memref<1x1024xf32, #tpu.memory_space<vmem_shared>>) dst(%dma_wait3A_883 : memref<1x1024xf32, #tpu.memory_space<hbm>>)
      %dma_wait3A_886 = arith.constant 0 : i32
      %dma_wait3A_887 = tpu.memref_slice %arg4[%add3A_290, %dma_wait3A_886] : memref<16384x1024xf32, #tpu.memory_space<hbm>> -> memref<1x1024xf32, #tpu.memory_space<hbm>>
      %dma_wait3A_888 = arith.constant 0 : i32
      %dma_wait3A_889 = tpu.memref_slice %arg8[%squeeze3A_285, %dma_wait3A_888] : memref<1000x1024xf32, #tpu.memory_space<vmem_shared>> -> memref<1x1024xf32, #tpu.memory_space<vmem_shared>>
      tpu.wait_dma2 semaphore(%arg9 : memref<!tpu.dma_semaphore, #tpu.memory_space<semaphore_mem>>) src(%dma_wait3A_889 : memref<1x1024xf32, #tpu.memory_space<vmem_shared>>) dst(%dma_wait3A_887 : memref<1x1024xf32, #tpu.memory_space<hbm>>)
      %dma_wait3A_890 = arith.constant 0 : i32
      %dma_wait3A_891 = tpu.memref_slice %arg4[%add3A_301, %dma_wait3A_890] : memref<16384x1024xf32, #tpu.memory_space<hbm>> -> memref<1x1024xf32, #tpu.memory_space<hbm>>
      %dma_wait3A_892 = arith.constant 0 : i32
      %dma_wait3A_893 = tpu.memref_slice %arg8[%squeeze3A_296, %dma_wait3A_892] : memref<1000x1024xf32, #tpu.memory_space<vmem_shared>> -> memref<1x1024xf32, #tpu.memory_space<vmem_shared>>
      tpu.wait_dma2 semaphore(%arg9 : memref<!tpu.dma_semaphore, #tpu.memory_space<semaphore_mem>>) src(%dma_wait3A_893 : memref<1x1024xf32, #tpu.memory_space<vmem_shared>>) dst(%dma_wait3A_891 : memref<1x1024xf32, #tpu.memory_space<hbm>>)
      %dma_wait3A_894 = arith.constant 0 : i32
      %dma_wait3A_895 = tpu.memref_slice %arg4[%add3A_312, %dma_wait3A_894] : memref<16384x1024xf32, #tpu.memory_space<hbm>> -> memref<1x1024xf32, #tpu.memory_space<hbm>>
      %dma_wait3A_896 = arith.constant 0 : i32
      %dma_wait3A_897 = tpu.memref_slice %arg8[%squeeze3A_307, %dma_wait3A_896] : memref<1000x1024xf32, #tpu.memory_space<vmem_shared>> -> memref<1x1024xf32, #tpu.memory_space<vmem_shared>>
      tpu.wait_dma2 semaphore(%arg9 : memref<!tpu.dma_semaphore, #tpu.memory_space<semaphore_mem>>) src(%dma_wait3A_897 : memref<1x1024xf32, #tpu.memory_space<vmem_shared>>) dst(%dma_wait3A_895 : memref<1x1024xf32, #tpu.memory_space<hbm>>)
      %dma_wait3A_898 = arith.constant 0 : i32
      %dma_wait3A_899 = tpu.memref_slice %arg4[%add3A_323, %dma_wait3A_898] : memref<16384x1024xf32, #tpu.memory_space<hbm>> -> memref<1x1024xf32, #tpu.memory_space<hbm>>
      %dma_wait3A_900 = arith.constant 0 : i32
      %dma_wait3A_901 = tpu.memref_slice %arg8[%squeeze3A_318, %dma_wait3A_900] : memref<1000x1024xf32, #tpu.memory_space<vmem_shared>> -> memref<1x1024xf32, #tpu.memory_space<vmem_shared>>
      tpu.wait_dma2 semaphore(%arg9 : memref<!tpu.dma_semaphore, #tpu.memory_space<semaphore_mem>>) src(%dma_wait3A_901 : memref<1x1024xf32, #tpu.memory_space<vmem_shared>>) dst(%dma_wait3A_899 : memref<1x1024xf32, #tpu.memory_space<hbm>>)
      %dma_wait3A_902 = arith.constant 0 : i32
      %dma_wait3A_903 = tpu.memref_slice %arg4[%add3A_334, %dma_wait3A_902] : memref<16384x1024xf32, #tpu.memory_space<hbm>> -> memref<1x1024xf32, #tpu.memory_space<hbm>>
      %dma_wait3A_904 = arith.constant 0 : i32
      %dma_wait3A_905 = tpu.memref_slice %arg8[%squeeze3A_329, %dma_wait3A_904] : memref<1000x1024xf32, #tpu.memory_space<vmem_shared>> -> memref<1x1024xf32, #tpu.memory_space<vmem_shared>>
      tpu.wait_dma2 semaphore(%arg9 : memref<!tpu.dma_semaphore, #tpu.memory_space<semaphore_mem>>) src(%dma_wait3A_905 : memref<1x1024xf32, #tpu.memory_space<vmem_shared>>) dst(%dma_wait3A_903 : memref<1x1024xf32, #tpu.memory_space<hbm>>)
      %dma_wait3A_906 = arith.constant 0 : i32
      %dma_wait3A_907 = tpu.memref_slice %arg4[%add3A_345, %dma_wait3A_906] : memref<16384x1024xf32, #tpu.memory_space<hbm>> -> memref<1x1024xf32, #tpu.memory_space<hbm>>
      %dma_wait3A_908 = arith.constant 0 : i32
      %dma_wait3A_909 = tpu.memref_slice %arg8[%squeeze3A_340, %dma_wait3A_908] : memref<1000x1024xf32, #tpu.memory_space<vmem_shared>> -> memref<1x1024xf32, #tpu.memory_space<vmem_shared>>
      tpu.wait_dma2 semaphore(%arg9 : memref<!tpu.dma_semaphore, #tpu.memory_space<semaphore_mem>>) src(%dma_wait3A_909 : memref<1x1024xf32, #tpu.memory_space<vmem_shared>>) dst(%dma_wait3A_907 : memref<1x1024xf32, #tpu.memory_space<hbm>>)
      %dma_wait3A_910 = arith.constant 0 : i32
      %dma_wait3A_911 = tpu.memref_slice %arg4[%add3A_356, %dma_wait3A_910] : memref<16384x1024xf32, #tpu.memory_space<hbm>> -> memref<1x1024xf32, #tpu.memory_space<hbm>>
      %dma_wait3A_912 = arith.constant 0 : i32
      %dma_wait3A_913 = tpu.memref_slice %arg8[%squeeze3A_351, %dma_wait3A_912] : memref<1000x1024xf32, #tpu.memory_space<vmem_shared>> -> memref<1x1024xf32, #tpu.memory_space<vmem_shared>>
      tpu.wait_dma2 semaphore(%arg9 : memref<!tpu.dma_semaphore, #tpu.memory_space<semaphore_mem>>) src(%dma_wait3A_913 : memref<1x1024xf32, #tpu.memory_space<vmem_shared>>) dst(%dma_wait3A_911 : memref<1x1024xf32, #tpu.memory_space<hbm>>)
      %dma_wait3A_914 = arith.constant 0 : i32
      %dma_wait3A_915 = tpu.memref_slice %arg4[%add3A_367, %dma_wait3A_914] : memref<16384x1024xf32, #tpu.memory_space<hbm>> -> memref<1x1024xf32, #tpu.memory_space<hbm>>
      %dma_wait3A_916 = arith.constant 0 : i32
      %dma_wait3A_917 = tpu.memref_slice %arg8[%squeeze3A_362, %dma_wait3A_916] : memref<1000x1024xf32, #tpu.memory_space<vmem_shared>> -> memref<1x1024xf32, #tpu.memory_space<vmem_shared>>
      tpu.wait_dma2 semaphore(%arg9 : memref<!tpu.dma_semaphore, #tpu.memory_space<semaphore_mem>>) src(%dma_wait3A_917 : memref<1x1024xf32, #tpu.memory_space<vmem_shared>>) dst(%dma_wait3A_915 : memref<1x1024xf32, #tpu.memory_space<hbm>>)
      %dma_wait3A_918 = arith.constant 0 : i32
      %dma_wait3A_919 = tpu.memref_slice %arg4[%add3A_378, %dma_wait3A_918] : memref<16384x1024xf32, #tpu.memory_space<hbm>> -> memref<1x1024xf32, #tpu.memory_space<hbm>>
      %dma_wait3A_920 = arith.constant 0 : i32
      %dma_wait3A_921 = tpu.memref_slice %arg8[%squeeze3A_373, %dma_wait3A_920] : memref<1000x1024xf32, #tpu.memory_space<vmem_shared>> -> memref<1x1024xf32, #tpu.memory_space<vmem_shared>>
      tpu.wait_dma2 semaphore(%arg9 : memref<!tpu.dma_semaphore, #tpu.memory_space<semaphore_mem>>) src(%dma_wait3A_921 : memref<1x1024xf32, #tpu.memory_space<vmem_shared>>) dst(%dma_wait3A_919 : memref<1x1024xf32, #tpu.memory_space<hbm>>)
      %dma_wait3A_922 = arith.constant 0 : i32
      %dma_wait3A_923 = tpu.memref_slice %arg4[%add3A_389, %dma_wait3A_922] : memref<16384x1024xf32, #tpu.memory_space<hbm>> -> memref<1x1024xf32, #tpu.memory_space<hbm>>
      %dma_wait3A_924 = arith.constant 0 : i32
      %dma_wait3A_925 = tpu.memref_slice %arg8[%squeeze3A_384, %dma_wait3A_924] : memref<1000x1024xf32, #tpu.memory_space<vmem_shared>> -> memref<1x1024xf32, #tpu.memory_space<vmem_shared>>
      tpu.wait_dma2 semaphore(%arg9 : memref<!tpu.dma_semaphore, #tpu.memory_space<semaphore_mem>>) src(%dma_wait3A_925 : memref<1x1024xf32, #tpu.memory_space<vmem_shared>>) dst(%dma_wait3A_923 : memref<1x1024xf32, #tpu.memory_space<hbm>>)
      %dma_wait3A_926 = arith.constant 0 : i32
      %dma_wait3A_927 = tpu.memref_slice %arg4[%add3A_400, %dma_wait3A_926] : memref<16384x1024xf32, #tpu.memory_space<hbm>> -> memref<1x1024xf32, #tpu.memory_space<hbm>>
      %dma_wait3A_928 = arith.constant 0 : i32
      %dma_wait3A_929 = tpu.memref_slice %arg8[%squeeze3A_395, %dma_wait3A_928] : memref<1000x1024xf32, #tpu.memory_space<vmem_shared>> -> memref<1x1024xf32, #tpu.memory_space<vmem_shared>>
      tpu.wait_dma2 semaphore(%arg9 : memref<!tpu.dma_semaphore, #tpu.memory_space<semaphore_mem>>) src(%dma_wait3A_929 : memref<1x1024xf32, #tpu.memory_space<vmem_shared>>) dst(%dma_wait3A_927 : memref<1x1024xf32, #tpu.memory_space<hbm>>)
      %dma_wait3A_930 = arith.constant 0 : i32
      %dma_wait3A_931 = tpu.memref_slice %arg4[%add3A_432, %dma_wait3A_930] : memref<16384x1024xf32, #tpu.memory_space<hbm>> -> memref<1x1024xf32, #tpu.memory_space<hbm>>
      %dma_wait3A_932 = arith.constant 0 : i32
      %dma_wait3A_933 = tpu.memref_slice %arg8[%squeeze3A_427, %dma_wait3A_932] : memref<1000x1024xf32, #tpu.memory_space<vmem_shared>> -> memref<1x1024xf32, #tpu.memory_space<vmem_shared>>
      tpu.wait_dma2 semaphore(%arg9 : memref<!tpu.dma_semaphore, #tpu.memory_space<semaphore_mem>>) src(%dma_wait3A_933 : memref<1x1024xf32, #tpu.memory_space<vmem_shared>>) dst(%dma_wait3A_931 : memref<1x1024xf32, #tpu.memory_space<hbm>>)
      %dma_wait3A_934 = arith.constant 0 : i32
      %dma_wait3A_935 = tpu.memref_slice %arg4[%add3A_443, %dma_wait3A_934] : memref<16384x1024xf32, #tpu.memory_space<hbm>> -> memref<1x1024xf32, #tpu.memory_space<hbm>>
      %dma_wait3A_936 = arith.constant 0 : i32
      %dma_wait3A_937 = tpu.memref_slice %arg8[%squeeze3A_438, %dma_wait3A_936] : memref<1000x1024xf32, #tpu.memory_space<vmem_shared>> -> memref<1x1024xf32, #tpu.memory_space<vmem_shared>>
      tpu.wait_dma2 semaphore(%arg9 : memref<!tpu.dma_semaphore, #tpu.memory_space<semaphore_mem>>) src(%dma_wait3A_937 : memref<1x1024xf32, #tpu.memory_space<vmem_shared>>) dst(%dma_wait3A_935 : memref<1x1024xf32, #tpu.memory_space<hbm>>)
      %dma_wait3A_938 = arith.constant 0 : i32
      %dma_wait3A_939 = tpu.memref_slice %arg4[%add3A_454, %dma_wait3A_938] : memref<16384x1024xf32, #tpu.memory_space<hbm>> -> memref<1x1024xf32, #tpu.memory_space<hbm>>
      %dma_wait3A_940 = arith.constant 0 : i32
      %dma_wait3A_941 = tpu.memref_slice %arg8[%squeeze3A_449, %dma_wait3A_940] : memref<1000x1024xf32, #tpu.memory_space<vmem_shared>> -> memref<1x1024xf32, #tpu.memory_space<vmem_shared>>
      tpu.wait_dma2 semaphore(%arg9 : memref<!tpu.dma_semaphore, #tpu.memory_space<semaphore_mem>>) src(%dma_wait3A_941 : memref<1x1024xf32, #tpu.memory_space<vmem_shared>>) dst(%dma_wait3A_939 : memref<1x1024xf32, #tpu.memory_space<hbm>>)
      %dma_wait3A_942 = arith.constant 0 : i32
      %dma_wait3A_943 = tpu.memref_slice %arg4[%add3A_465, %dma_wait3A_942] : memref<16384x1024xf32, #tpu.memory_space<hbm>> -> memref<1x1024xf32, #tpu.memory_space<hbm>>
      %dma_wait3A_944 = arith.constant 0 : i32
      %dma_wait3A_945 = tpu.memref_slice %arg8[%squeeze3A_460, %dma_wait3A_944] : memref<1000x1024xf32, #tpu.memory_space<vmem_shared>> -> memref<1x1024xf32, #tpu.memory_space<vmem_shared>>
      tpu.wait_dma2 semaphore(%arg9 : memref<!tpu.dma_semaphore, #tpu.memory_space<semaphore_mem>>) src(%dma_wait3A_945 : memref<1x1024xf32, #tpu.memory_space<vmem_shared>>) dst(%dma_wait3A_943 : memref<1x1024xf32, #tpu.memory_space<hbm>>)
      %dma_wait3A_946 = arith.constant 0 : i32
      %dma_wait3A_947 = tpu.memref_slice %arg4[%add3A_476, %dma_wait3A_946] : memref<16384x1024xf32, #tpu.memory_space<hbm>> -> memref<1x1024xf32, #tpu.memory_space<hbm>>
      %dma_wait3A_948 = arith.constant 0 : i32
      %dma_wait3A_949 = tpu.memref_slice %arg8[%squeeze3A_471, %dma_wait3A_948] : memref<1000x1024xf32, #tpu.memory_space<vmem_shared>> -> memref<1x1024xf32, #tpu.memory_space<vmem_shared>>
      tpu.wait_dma2 semaphore(%arg9 : memref<!tpu.dma_semaphore, #tpu.memory_space<semaphore_mem>>) src(%dma_wait3A_949 : memref<1x1024xf32, #tpu.memory_space<vmem_shared>>) dst(%dma_wait3A_947 : memref<1x1024xf32, #tpu.memory_space<hbm>>)
      %dma_wait3A_950 = arith.constant 0 : i32
      %dma_wait3A_951 = tpu.memref_slice %arg4[%add3A_487, %dma_wait3A_950] : memref<16384x1024xf32, #tpu.memory_space<hbm>> -> memref<1x1024xf32, #tpu.memory_space<hbm>>
      %dma_wait3A_952 = arith.constant 0 : i32
      %dma_wait3A_953 = tpu.memref_slice %arg8[%squeeze3A_482, %dma_wait3A_952] : memref<1000x1024xf32, #tpu.memory_space<vmem_shared>> -> memref<1x1024xf32, #tpu.memory_space<vmem_shared>>
      tpu.wait_dma2 semaphore(%arg9 : memref<!tpu.dma_semaphore, #tpu.memory_space<semaphore_mem>>) src(%dma_wait3A_953 : memref<1x1024xf32, #tpu.memory_space<vmem_shared>>) dst(%dma_wait3A_951 : memref<1x1024xf32, #tpu.memory_space<hbm>>)
      %dma_wait3A_954 = arith.constant 0 : i32
      %dma_wait3A_955 = tpu.memref_slice %arg4[%add3A_498, %dma_wait3A_954] : memref<16384x1024xf32, #tpu.memory_space<hbm>> -> memref<1x1024xf32, #tpu.memory_space<hbm>>
      %dma_wait3A_956 = arith.constant 0 : i32
      %dma_wait3A_957 = tpu.memref_slice %arg8[%squeeze3A_493, %dma_wait3A_956] : memref<1000x1024xf32, #tpu.memory_space<vmem_shared>> -> memref<1x1024xf32, #tpu.memory_space<vmem_shared>>
      tpu.wait_dma2 semaphore(%arg9 : memref<!tpu.dma_semaphore, #tpu.memory_space<semaphore_mem>>) src(%dma_wait3A_957 : memref<1x1024xf32, #tpu.memory_space<vmem_shared>>) dst(%dma_wait3A_955 : memref<1x1024xf32, #tpu.memory_space<hbm>>)
      %dma_wait3A_958 = arith.constant 0 : i32
      %dma_wait3A_959 = tpu.memref_slice %arg4[%add3A_509, %dma_wait3A_958] : memref<16384x1024xf32, #tpu.memory_space<hbm>> -> memref<1x1024xf32, #tpu.memory_space<hbm>>
      %dma_wait3A_960 = arith.constant 0 : i32
      %dma_wait3A_961 = tpu.memref_slice %arg8[%squeeze3A_504, %dma_wait3A_960] : memref<1000x1024xf32, #tpu.memory_space<vmem_shared>> -> memref<1x1024xf32, #tpu.memory_space<vmem_shared>>
      tpu.wait_dma2 semaphore(%arg9 : memref<!tpu.dma_semaphore, #tpu.memory_space<semaphore_mem>>) src(%dma_wait3A_961 : memref<1x1024xf32, #tpu.memory_space<vmem_shared>>) dst(%dma_wait3A_959 : memref<1x1024xf32, #tpu.memory_space<hbm>>)
      %dma_wait3A_962 = arith.constant 0 : i32
      %dma_wait3A_963 = tpu.memref_slice %arg4[%add3A_520, %dma_wait3A_962] : memref<16384x1024xf32, #tpu.memory_space<hbm>> -> memref<1x1024xf32, #tpu.memory_space<hbm>>
      %dma_wait3A_964 = arith.constant 0 : i32
      %dma_wait3A_965 = tpu.memref_slice %arg8[%squeeze3A_515, %dma_wait3A_964] : memref<1000x1024xf32, #tpu.memory_space<vmem_shared>> -> memref<1x1024xf32, #tpu.memory_space<vmem_shared>>
      tpu.wait_dma2 semaphore(%arg9 : memref<!tpu.dma_semaphore, #tpu.memory_space<semaphore_mem>>) src(%dma_wait3A_965 : memref<1x1024xf32, #tpu.memory_space<vmem_shared>>) dst(%dma_wait3A_963 : memref<1x1024xf32, #tpu.memory_space<hbm>>)
      %dma_wait3A_966 = arith.constant 0 : i32
      %dma_wait3A_967 = tpu.memref_slice %arg4[%add3A_531, %dma_wait3A_966] : memref<16384x1024xf32, #tpu.memory_space<hbm>> -> memref<1x1024xf32, #tpu.memory_space<hbm>>
      %dma_wait3A_968 = arith.constant 0 : i32
      %dma_wait3A_969 = tpu.memref_slice %arg8[%squeeze3A_526, %dma_wait3A_968] : memref<1000x1024xf32, #tpu.memory_space<vmem_shared>> -> memref<1x1024xf32, #tpu.memory_space<vmem_shared>>
      tpu.wait_dma2 semaphore(%arg9 : memref<!tpu.dma_semaphore, #tpu.memory_space<semaphore_mem>>) src(%dma_wait3A_969 : memref<1x1024xf32, #tpu.memory_space<vmem_shared>>) dst(%dma_wait3A_967 : memref<1x1024xf32, #tpu.memory_space<hbm>>)
      %dma_wait3A_970 = arith.constant 0 : i32
      %dma_wait3A_971 = tpu.memref_slice %arg4[%add3A_542, %dma_wait3A_970] : memref<16384x1024xf32, #tpu.memory_space<hbm>> -> memref<1x1024xf32, #tpu.memory_space<hbm>>
      %dma_wait3A_972 = arith.constant 0 : i32
      %dma_wait3A_973 = tpu.memref_slice %arg8[%squeeze3A_537, %dma_wait3A_972] : memref<1000x1024xf32, #tpu.memory_space<vmem_shared>> -> memref<1x1024xf32, #tpu.memory_space<vmem_shared>>
      tpu.wait_dma2 semaphore(%arg9 : memref<!tpu.dma_semaphore, #tpu.memory_space<semaphore_mem>>) src(%dma_wait3A_973 : memref<1x1024xf32, #tpu.memory_space<vmem_shared>>) dst(%dma_wait3A_971 : memref<1x1024xf32, #tpu.memory_space<hbm>>)
      %dma_wait3A_974 = arith.constant 0 : i32
      %dma_wait3A_975 = tpu.memref_slice %arg4[%add3A_553, %dma_wait3A_974] : memref<16384x1024xf32, #tpu.memory_space<hbm>> -> memref<1x1024xf32, #tpu.memory_space<hbm>>
      %dma_wait3A_976 = arith.constant 0 : i32
      %dma_wait3A_977 = tpu.memref_slice %arg8[%squeeze3A_548, %dma_wait3A_976] : memref<1000x1024xf32, #tpu.memory_space<vmem_shared>> -> memref<1x1024xf32, #tpu.memory_space<vmem_shared>>
      tpu.wait_dma2 semaphore(%arg9 : memref<!tpu.dma_semaphore, #tpu.memory_space<semaphore_mem>>) src(%dma_wait3A_977 : memref<1x1024xf32, #tpu.memory_space<vmem_shared>>) dst(%dma_wait3A_975 : memref<1x1024xf32, #tpu.memory_space<hbm>>)
      %dma_wait3A_978 = arith.constant 0 : i32
      %dma_wait3A_979 = tpu.memref_slice %arg4[%add3A_564, %dma_wait3A_978] : memref<16384x1024xf32, #tpu.memory_space<hbm>> -> memref<1x1024xf32, #tpu.memory_space<hbm>>
      %dma_wait3A_980 = arith.constant 0 : i32
      %dma_wait3A_981 = tpu.memref_slice %arg8[%squeeze3A_559, %dma_wait3A_980] : memref<1000x1024xf32, #tpu.memory_space<vmem_shared>> -> memref<1x1024xf32, #tpu.memory_space<vmem_shared>>
      tpu.wait_dma2 semaphore(%arg9 : memref<!tpu.dma_semaphore, #tpu.memory_space<semaphore_mem>>) src(%dma_wait3A_981 : memref<1x1024xf32, #tpu.memory_space<vmem_shared>>) dst(%dma_wait3A_979 : memref<1x1024xf32, #tpu.memory_space<hbm>>)
      %dma_wait3A_982 = arith.constant 0 : i32
      %dma_wait3A_983 = tpu.memref_slice %arg4[%add3A_575, %dma_wait3A_982] : memref<16384x1024xf32, #tpu.memory_space<hbm>> -> memref<1x1024xf32, #tpu.memory_space<hbm>>
      %dma_wait3A_984 = arith.constant 0 : i32
      %dma_wait3A_985 = tpu.memref_slice %arg8[%squeeze3A_570, %dma_wait3A_984] : memref<1000x1024xf32, #tpu.memory_space<vmem_shared>> -> memref<1x1024xf32, #tpu.memory_space<vmem_shared>>
      tpu.wait_dma2 semaphore(%arg9 : memref<!tpu.dma_semaphore, #tpu.memory_space<semaphore_mem>>) src(%dma_wait3A_985 : memref<1x1024xf32, #tpu.memory_space<vmem_shared>>) dst(%dma_wait3A_983 : memref<1x1024xf32, #tpu.memory_space<hbm>>)
      %dma_wait3A_986 = arith.constant 0 : i32
      %dma_wait3A_987 = tpu.memref_slice %arg4[%add3A_586, %dma_wait3A_986] : memref<16384x1024xf32, #tpu.memory_space<hbm>> -> memref<1x1024xf32, #tpu.memory_space<hbm>>
      %dma_wait3A_988 = arith.constant 0 : i32
      %dma_wait3A_989 = tpu.memref_slice %arg8[%squeeze3A_581, %dma_wait3A_988] : memref<1000x1024xf32, #tpu.memory_space<vmem_shared>> -> memref<1x1024xf32, #tpu.memory_space<vmem_shared>>
      tpu.wait_dma2 semaphore(%arg9 : memref<!tpu.dma_semaphore, #tpu.memory_space<semaphore_mem>>) src(%dma_wait3A_989 : memref<1x1024xf32, #tpu.memory_space<vmem_shared>>) dst(%dma_wait3A_987 : memref<1x1024xf32, #tpu.memory_space<hbm>>)
      %dma_wait3A_990 = arith.constant 0 : i32
      %dma_wait3A_991 = tpu.memref_slice %arg4[%add3A_597, %dma_wait3A_990] : memref<16384x1024xf32, #tpu.memory_space<hbm>> -> memref<1x1024xf32, #tpu.memory_space<hbm>>
      %dma_wait3A_992 = arith.constant 0 : i32
      %dma_wait3A_993 = tpu.memref_slice %arg8[%squeeze3A_592, %dma_wait3A_992] : memref<1000x1024xf32, #tpu.memory_space<vmem_shared>> -> memref<1x1024xf32, #tpu.memory_space<vmem_shared>>
      tpu.wait_dma2 semaphore(%arg9 : memref<!tpu.dma_semaphore, #tpu.memory_space<semaphore_mem>>) src(%dma_wait3A_993 : memref<1x1024xf32, #tpu.memory_space<vmem_shared>>) dst(%dma_wait3A_991 : memref<1x1024xf32, #tpu.memory_space<hbm>>)
      %dma_wait3A_994 = arith.constant 0 : i32
      %dma_wait3A_995 = tpu.memref_slice %arg4[%add3A_632, %dma_wait3A_994] : memref<16384x1024xf32, #tpu.memory_space<hbm>> -> memref<1x1024xf32, #tpu.memory_space<hbm>>
      %dma_wait3A_996 = arith.constant 0 : i32
      %dma_wait3A_997 = tpu.memref_slice %arg8[%squeeze3A_627, %dma_wait3A_996] : memref<1000x1024xf32, #tpu.memory_space<vmem_shared>> -> memref<1x1024xf32, #tpu.memory_space<vmem_shared>>
      tpu.wait_dma2 semaphore(%arg9 : memref<!tpu.dma_semaphore, #tpu.memory_space<semaphore_mem>>) src(%dma_wait3A_997 : memref<1x1024xf32, #tpu.memory_space<vmem_shared>>) dst(%dma_wait3A_995 : memref<1x1024xf32, #tpu.memory_space<hbm>>)
      %dma_wait3A_998 = arith.constant 0 : i32
      %dma_wait3A_999 = tpu.memref_slice %arg4[%add3A_643, %dma_wait3A_998] : memref<16384x1024xf32, #tpu.memory_space<hbm>> -> memref<1x1024xf32, #tpu.memory_space<hbm>>
      %dma_wait3A_1000 = arith.constant 0 : i32
      %dma_wait3A_1001 = tpu.memref_slice %arg8[%squeeze3A_638, %dma_wait3A_1000] : memref<1000x1024xf32, #tpu.memory_space<vmem_shared>> -> memref<1x1024xf32, #tpu.memory_space<vmem_shared>>
      tpu.wait_dma2 semaphore(%arg9 : memref<!tpu.dma_semaphore, #tpu.memory_space<semaphore_mem>>) src(%dma_wait3A_1001 : memref<1x1024xf32, #tpu.memory_space<vmem_shared>>) dst(%dma_wait3A_999 : memref<1x1024xf32, #tpu.memory_space<hbm>>)
      %dma_wait3A_1002 = arith.constant 0 : i32
      %dma_wait3A_1003 = tpu.memref_slice %arg4[%add3A_654, %dma_wait3A_1002] : memref<16384x1024xf32, #tpu.memory_space<hbm>> -> memref<1x1024xf32, #tpu.memory_space<hbm>>
      %dma_wait3A_1004 = arith.constant 0 : i32
      %dma_wait3A_1005 = tpu.memref_slice %arg8[%squeeze3A_649, %dma_wait3A_1004] : memref<1000x1024xf32, #tpu.memory_space<vmem_shared>> -> memref<1x1024xf32, #tpu.memory_space<vmem_shared>>
      tpu.wait_dma2 semaphore(%arg9 : memref<!tpu.dma_semaphore, #tpu.memory_space<semaphore_mem>>) src(%dma_wait3A_1005 : memref<1x1024xf32, #tpu.memory_space<vmem_shared>>) dst(%dma_wait3A_1003 : memref<1x1024xf32, #tpu.memory_space<hbm>>)
      %dma_wait3A_1006 = arith.constant 0 : i32
      %dma_wait3A_1007 = tpu.memref_slice %arg4[%add3A_665, %dma_wait3A_1006] : memref<16384x1024xf32, #tpu.memory_space<hbm>> -> memref<1x1024xf32, #tpu.memory_space<hbm>>
      %dma_wait3A_1008 = arith.constant 0 : i32
      %dma_wait3A_1009 = tpu.memref_slice %arg8[%squeeze3A_660, %dma_wait3A_1008] : memref<1000x1024xf32, #tpu.memory_space<vmem_shared>> -> memref<1x1024xf32, #tpu.memory_space<vmem_shared>>
      tpu.wait_dma2 semaphore(%arg9 : memref<!tpu.dma_semaphore, #tpu.memory_space<semaphore_mem>>) src(%dma_wait3A_1009 : memref<1x1024xf32, #tpu.memory_space<vmem_shared>>) dst(%dma_wait3A_1007 : memref<1x1024xf32, #tpu.memory_space<hbm>>)
      %dma_wait3A_1010 = arith.constant 0 : i32
      %dma_wait3A_1011 = tpu.memref_slice %arg4[%add3A_676, %dma_wait3A_1010] : memref<16384x1024xf32, #tpu.memory_space<hbm>> -> memref<1x1024xf32, #tpu.memory_space<hbm>>
      %dma_wait3A_1012 = arith.constant 0 : i32
      %dma_wait3A_1013 = tpu.memref_slice %arg8[%squeeze3A_671, %dma_wait3A_1012] : memref<1000x1024xf32, #tpu.memory_space<vmem_shared>> -> memref<1x1024xf32, #tpu.memory_space<vmem_shared>>
      tpu.wait_dma2 semaphore(%arg9 : memref<!tpu.dma_semaphore, #tpu.memory_space<semaphore_mem>>) src(%dma_wait3A_1013 : memref<1x1024xf32, #tpu.memory_space<vmem_shared>>) dst(%dma_wait3A_1011 : memref<1x1024xf32, #tpu.memory_space<hbm>>)
      %dma_wait3A_1014 = arith.constant 0 : i32
      %dma_wait3A_1015 = tpu.memref_slice %arg4[%add3A_687, %dma_wait3A_1014] : memref<16384x1024xf32, #tpu.memory_space<hbm>> -> memref<1x1024xf32, #tpu.memory_space<hbm>>
      %dma_wait3A_1016 = arith.constant 0 : i32
      %dma_wait3A_1017 = tpu.memref_slice %arg8[%squeeze3A_682, %dma_wait3A_1016] : memref<1000x1024xf32, #tpu.memory_space<vmem_shared>> -> memref<1x1024xf32, #tpu.memory_space<vmem_shared>>
      tpu.wait_dma2 semaphore(%arg9 : memref<!tpu.dma_semaphore, #tpu.memory_space<semaphore_mem>>) src(%dma_wait3A_1017 : memref<1x1024xf32, #tpu.memory_space<vmem_shared>>) dst(%dma_wait3A_1015 : memref<1x1024xf32, #tpu.memory_space<hbm>>)
      %dma_wait3A_1018 = arith.constant 0 : i32
      %dma_wait3A_1019 = tpu.memref_slice %arg4[%add3A_698, %dma_wait3A_1018] : memref<16384x1024xf32, #tpu.memory_space<hbm>> -> memref<1x1024xf32, #tpu.memory_space<hbm>>
      %dma_wait3A_1020 = arith.constant 0 : i32
      %dma_wait3A_1021 = tpu.memref_slice %arg8[%squeeze3A_693, %dma_wait3A_1020] : memref<1000x1024xf32, #tpu.memory_space<vmem_shared>> -> memref<1x1024xf32, #tpu.memory_space<vmem_shared>>
      tpu.wait_dma2 semaphore(%arg9 : memref<!tpu.dma_semaphore, #tpu.memory_space<semaphore_mem>>) src(%dma_wait3A_1021 : memref<1x1024xf32, #tpu.memory_space<vmem_shared>>) dst(%dma_wait3A_1019 : memref<1x1024xf32, #tpu.memory_space<hbm>>)
      %dma_wait3A_1022 = arith.constant 0 : i32
      %dma_wait3A_1023 = tpu.memref_slice %arg4[%add3A_709, %dma_wait3A_1022] : memref<16384x1024xf32, #tpu.memory_space<hbm>> -> memref<1x1024xf32, #tpu.memory_space<hbm>>
      %dma_wait3A_1024 = arith.constant 0 : i32
      %dma_wait3A_1025 = tpu.memref_slice %arg8[%squeeze3A_704, %dma_wait3A_1024] : memref<1000x1024xf32, #tpu.memory_space<vmem_shared>> -> memref<1x1024xf32, #tpu.memory_space<vmem_shared>>
      tpu.wait_dma2 semaphore(%arg9 : memref<!tpu.dma_semaphore, #tpu.memory_space<semaphore_mem>>) src(%dma_wait3A_1025 : memref<1x1024xf32, #tpu.memory_space<vmem_shared>>) dst(%dma_wait3A_1023 : memref<1x1024xf32, #tpu.memory_space<hbm>>)
      %dma_wait3A_1026 = arith.constant 0 : i32
      %dma_wait3A_1027 = tpu.memref_slice %arg4[%add3A_720, %dma_wait3A_1026] : memref<16384x1024xf32, #tpu.memory_space<hbm>> -> memref<1x1024xf32, #tpu.memory_space<hbm>>
      %dma_wait3A_1028 = arith.constant 0 : i32
      %dma_wait3A_1029 = tpu.memref_slice %arg8[%squeeze3A_715, %dma_wait3A_1028] : memref<1000x1024xf32, #tpu.memory_space<vmem_shared>> -> memref<1x1024xf32, #tpu.memory_space<vmem_shared>>
      tpu.wait_dma2 semaphore(%arg9 : memref<!tpu.dma_semaphore, #tpu.memory_space<semaphore_mem>>) src(%dma_wait3A_1029 : memref<1x1024xf32, #tpu.memory_space<vmem_shared>>) dst(%dma_wait3A_1027 : memref<1x1024xf32, #tpu.memory_space<hbm>>)
      %dma_wait3A_1030 = arith.constant 0 : i32
      %dma_wait3A_1031 = tpu.memref_slice %arg4[%add3A_731, %dma_wait3A_1030] : memref<16384x1024xf32, #tpu.memory_space<hbm>> -> memref<1x1024xf32, #tpu.memory_space<hbm>>
      %dma_wait3A_1032 = arith.constant 0 : i32
      %dma_wait3A_1033 = tpu.memref_slice %arg8[%squeeze3A_726, %dma_wait3A_1032] : memref<1000x1024xf32, #tpu.memory_space<vmem_shared>> -> memref<1x1024xf32, #tpu.memory_space<vmem_shared>>
      tpu.wait_dma2 semaphore(%arg9 : memref<!tpu.dma_semaphore, #tpu.memory_space<semaphore_mem>>) src(%dma_wait3A_1033 : memref<1x1024xf32, #tpu.memory_space<vmem_shared>>) dst(%dma_wait3A_1031 : memref<1x1024xf32, #tpu.memory_space<hbm>>)
      %dma_wait3A_1034 = arith.constant 0 : i32
      %dma_wait3A_1035 = tpu.memref_slice %arg4[%add3A_742, %dma_wait3A_1034] : memref<16384x1024xf32, #tpu.memory_space<hbm>> -> memref<1x1024xf32, #tpu.memory_space<hbm>>
      %dma_wait3A_1036 = arith.constant 0 : i32
      %dma_wait3A_1037 = tpu.memref_slice %arg8[%squeeze3A_737, %dma_wait3A_1036] : memref<1000x1024xf32, #tpu.memory_space<vmem_shared>> -> memref<1x1024xf32, #tpu.memory_space<vmem_shared>>
      tpu.wait_dma2 semaphore(%arg9 : memref<!tpu.dma_semaphore, #tpu.memory_space<semaphore_mem>>) src(%dma_wait3A_1037 : memref<1x1024xf32, #tpu.memory_space<vmem_shared>>) dst(%dma_wait3A_1035 : memref<1x1024xf32, #tpu.memory_space<hbm>>)
      %dma_wait3A_1038 = arith.constant 0 : i32
      %dma_wait3A_1039 = tpu.memref_slice %arg4[%add3A_753, %dma_wait3A_1038] : memref<16384x1024xf32, #tpu.memory_space<hbm>> -> memref<1x1024xf32, #tpu.memory_space<hbm>>
      %dma_wait3A_1040 = arith.constant 0 : i32
      %dma_wait3A_1041 = tpu.memref_slice %arg8[%squeeze3A_748, %dma_wait3A_1040] : memref<1000x1024xf32, #tpu.memory_space<vmem_shared>> -> memref<1x1024xf32, #tpu.memory_space<vmem_shared>>
      tpu.wait_dma2 semaphore(%arg9 : memref<!tpu.dma_semaphore, #tpu.memory_space<semaphore_mem>>) src(%dma_wait3A_1041 : memref<1x1024xf32, #tpu.memory_space<vmem_shared>>) dst(%dma_wait3A_1039 : memref<1x1024xf32, #tpu.memory_space<hbm>>)
      %dma_wait3A_1042 = arith.constant 0 : i32
      %dma_wait3A_1043 = tpu.memref_slice %arg4[%add3A_764, %dma_wait3A_1042] : memref<16384x1024xf32, #tpu.memory_space<hbm>> -> memref<1x1024xf32, #tpu.memory_space<hbm>>
      %dma_wait3A_1044 = arith.constant 0 : i32
      %dma_wait3A_1045 = tpu.memref_slice %arg8[%squeeze3A_759, %dma_wait3A_1044] : memref<1000x1024xf32, #tpu.memory_space<vmem_shared>> -> memref<1x1024xf32, #tpu.memory_space<vmem_shared>>
      tpu.wait_dma2 semaphore(%arg9 : memref<!tpu.dma_semaphore, #tpu.memory_space<semaphore_mem>>) src(%dma_wait3A_1045 : memref<1x1024xf32, #tpu.memory_space<vmem_shared>>) dst(%dma_wait3A_1043 : memref<1x1024xf32, #tpu.memory_space<hbm>>)
      %dma_wait3A_1046 = arith.constant 0 : i32
      %dma_wait3A_1047 = tpu.memref_slice %arg4[%add3A_775, %dma_wait3A_1046] : memref<16384x1024xf32, #tpu.memory_space<hbm>> -> memref<1x1024xf32, #tpu.memory_space<hbm>>
      %dma_wait3A_1048 = arith.constant 0 : i32
      %dma_wait3A_1049 = tpu.memref_slice %arg8[%squeeze3A_770, %dma_wait3A_1048] : memref<1000x1024xf32, #tpu.memory_space<vmem_shared>> -> memref<1x1024xf32, #tpu.memory_space<vmem_shared>>
      tpu.wait_dma2 semaphore(%arg9 : memref<!tpu.dma_semaphore, #tpu.memory_space<semaphore_mem>>) src(%dma_wait3A_1049 : memref<1x1024xf32, #tpu.memory_space<vmem_shared>>) dst(%dma_wait3A_1047 : memref<1x1024xf32, #tpu.memory_space<hbm>>)
      %dma_wait3A_1050 = arith.constant 0 : i32
      %dma_wait3A_1051 = tpu.memref_slice %arg4[%add3A_786, %dma_wait3A_1050] : memref<16384x1024xf32, #tpu.memory_space<hbm>> -> memref<1x1024xf32, #tpu.memory_space<hbm>>
      %dma_wait3A_1052 = arith.constant 0 : i32
      %dma_wait3A_1053 = tpu.memref_slice %arg8[%squeeze3A_781, %dma_wait3A_1052] : memref<1000x1024xf32, #tpu.memory_space<vmem_shared>> -> memref<1x1024xf32, #tpu.memory_space<vmem_shared>>
      tpu.wait_dma2 semaphore(%arg9 : memref<!tpu.dma_semaphore, #tpu.memory_space<semaphore_mem>>) src(%dma_wait3A_1053 : memref<1x1024xf32, #tpu.memory_space<vmem_shared>>) dst(%dma_wait3A_1051 : memref<1x1024xf32, #tpu.memory_space<hbm>>)
      %dma_wait3A_1054 = arith.constant 0 : i32
      %dma_wait3A_1055 = tpu.memref_slice %arg4[%add3A_797, %dma_wait3A_1054] : memref<16384x1024xf32, #tpu.memory_space<hbm>> -> memref<1x1024xf32, #tpu.memory_space<hbm>>
      %dma_wait3A_1056 = arith.constant 0 : i32
      %dma_wait3A_1057 = tpu.memref_slice %arg8[%squeeze3A_792, %dma_wait3A_1056] : memref<1000x1024xf32, #tpu.memory_space<vmem_shared>> -> memref<1x1024xf32, #tpu.memory_space<vmem_shared>>
      tpu.wait_dma2 semaphore(%arg9 : memref<!tpu.dma_semaphore, #tpu.memory_space<semaphore_mem>>) src(%dma_wait3A_1057 : memref<1x1024xf32, #tpu.memory_space<vmem_shared>>) dst(%dma_wait3A_1055 : memref<1x1024xf32, #tpu.memory_space<hbm>>)
      %dma_wait3A_1058 = arith.constant 0 : i32
      %dma_wait3A_1059 = tpu.memref_slice %arg4[%add3A_412, %dma_wait3A_1058] : memref<16384x1024xf32, #tpu.memory_space<hbm>> -> memref<32x1024xf32, #tpu.memory_space<hbm>>
      %dma_wait3A_1060 = arith.constant 0 : i32
      %dma_wait3A_1061 = tpu.memref_slice %arg4[%add3A_412, %dma_wait3A_1060] : memref<16384x1024xf32, #tpu.memory_space<hbm>> -> memref<32x1024xf32, #tpu.memory_space<hbm>>
      tpu.wait_dma2 semaphore(%arg12 : memref<!tpu.dma_semaphore, #tpu.memory_space<semaphore_mem>>) src(%arg6 : memref<32x1024xf32, #tpu.memory_space<vmem>>) dst(%dma_wait3A_1061 : memref<32x1024xf32, #tpu.memory_space<hbm>>)
      %dma_wait3A_1062 = arith.constant 0 : i32
      %dma_wait3A_1063 = tpu.memref_slice %arg4[%add3A_612, %dma_wait3A_1062] : memref<16384x1024xf32, #tpu.memory_space<hbm>> -> memref<32x1024xf32, #tpu.memory_space<hbm>>
      %dma_wait3A_1064 = arith.constant 0 : i32
      %dma_wait3A_1065 = tpu.memref_slice %arg4[%add3A_612, %dma_wait3A_1064] : memref<16384x1024xf32, #tpu.memory_space<hbm>> -> memref<32x1024xf32, #tpu.memory_space<hbm>>
      tpu.wait_dma2 semaphore(%arg13 : memref<!tpu.dma_semaphore, #tpu.memory_space<semaphore_mem>>) src(%arg7 : memref<32x1024xf32, #tpu.memory_space<vmem>>) dst(%dma_wait3A_1065 : memref<32x1024xf32, #tpu.memory_space<hbm>>)
      %scan3A_1066 = arith.constant 0 : i32
      scf.yield %scan3A_1066 : i32
    }
    %scan3A_16 = arith.constant 4 : i32
    return
  }
}

</mosaic_0001>

<sc_bundles>
// kernel: _gather.3.cloned.1.call-start
scs
__scs_entry_jumppad:
0x0: {  	(pc) =	sbr.rel $0x88, $3  }
0x1: {  	(tag) =	ssettag $0x0;
	lr =	simm.s32 $0x1  }
0x2: {  	[smem:$0x3F9F] =	sst lr;
	_ =	strace $0xD0000000  }
0x3: {  	_ = 	snop  }
0x4: {  	_ = 	snop  }
0x5: {  	_ = 	snop  }
0x6: {  	_ = 	snop  }
0x7: {  	_ = 	snop  }
__scs_overlays_trampoline_lowered:
0x8: {  	[smem:$0x3FAE] =	sst s0  }
0x9: {  	[smem:$0x3FAF] =	sst s1  }
0xa: {  	[smem:$0x3FB0] =	sst s2  }
0xb: {  	[smem:$0x3FB1] =	sst s3  }
0xc: {  	[smem:$0x3FB2] =	sst s4  }
0xd: {  	[smem:$0x3FB3] =	sst s5  }
0xe: {  	[smem:$0x3FB4] =	sst s6  }
0xf: {  	[smem:$0x3FB5] =	sst s7  }
0x10: {  	[smem:$0x3FB6] =	sst s8  }
0x11: {  	[smem:$0x3FB7] =	sst s9;
	s0 =	simm.s32 @!p0 $0x0  }
0x12: {  	s1 =	sld [smem:$0x3F9D];
	s0 =	simm.s32 @p0 $0x1  }
0x13: {  	[smem:$0x3FB8] =	sst s0;
	s0 =	simm.s32 @!p1 $0x0  }
0x14: {  	s2 =	sld [smem:$0x3F9C];
	s0 =	simm.s32 @p1 $0x1  }
0x15: {  	[smem:$0x3FB9] =	sst s0;
	s0 =	simm.s32 @!p2 $0x0  }
0x16: {  	s3 =	sld [smem:$0x3FDB];
	s0 =	simm.s32 @p2 $0x1  }
0x17: {  	s4 =	simm.s32 $0x1BF5;
	[smem:$0x3FBB] =	sst s0  }
0x18: {  	s0 =	sld [smem:$0x3F9E];
	_ =	swait.ge [sflag:s4], $0x0  }
0x19: {  	s7 =	sld [smem:$0x3F9F]  }
0x1a: {  	s8 =	sadd.s32 $0xFFFFE003, lr  }
0x1b: {  	s9 =	sadd.s32 $0xFFFFFEF7, lr;
	s5 =	simm.s32 $0xFFFFFFFF;
	p2 =	slt.u32 s8, $0xFFFFF086  }
0x1c: {  	p1 =	slt.u32 s9, $0xF7A;
	s5 =	simm.s32 @!p2 $0x0  }
0x1d: {  	s5 =	simm.s32 @p1 $0x1;
	p0 =	seq.s32 s7, s2  }
0x1e: {  	s7 =	smul.u32 @!p0 $0xF7A, s2;
	p2 =	seq.s32 @!p0 s5, $0x0  }
0x1f: {  	s9 =	smul.u32 $0xF7A, s1;
	s8 =	simm.s32 @!p0 $0x1BF5;
	p2 =	por !p2, p0  }
0x20: {  	[sflag:s8] =	ssyncset.s32 @!p0 $0xFFFFF086;
	s6 =	sadd.s32 @!p0 s3, s7;
	s7 =	simm.s32 @!p0 $0x108  }
0x21: {  	s3 =	sadd.s32 s3, s9;
	s6 =	sadd.s32 @!p0 $0x88, s6;
	s7 =	simm.s32 @p2 $0x1082  }
0x22: {  	[simem:s7], [sflag:s8] =	dma.local @!p0 [hbm:s6], $0xF7A  }
0x23: {  	s9 =	sor.u32 $0xD0000000, s2;
	s6 =	simm.s32 $0x108;
	_ =	swait.ge @!p0 [sflag:s8], $0x0  }
0x24: {  	s3 =	sadd.s32 $0x88, s3;
	s6 =	simm.s32 @!p1 $0x1082;
	[sflag:s4] =	ssyncset.s32 $0xFFFFF086  }
0x25: {  	[simem:s6], [sflag:s4] =	dma.local [hbm:s3], $0xF7A  }
0x26: {  	[smem:$0x3F9F] =	sst s1;
	(tag) =	ssettag s2;
	_ =	strace s9  }
0x27: {  	s1 =	sld [smem:$0x3FAF]  }
0x28: {  	s2 =	sld [smem:$0x3FB0]  }
0x29: {  	s4 =	sld [smem:$0x3FB2]  }
0x2a: {  	p0 =	seq.s32 s5, $0x0;
	s5 =	sld [smem:$0x3FB3]  }
0x2b: {  	s6 =	sld [smem:$0x3FB4]  }
0x2c: {  	s7 =	sld [smem:$0x3FB5]  }
0x2d: {  	s3 =	simm.s32 $0x108;
	s8 =	sld [smem:$0x3FB6]  }
0x2e: {  	s3 =	simm.s32 @!p0 $0x1082;
	s9 =	sld [smem:$0x3FB7]  }
0x2f: {  	lr =	sadd.s32 s0, s3;
	s0 =	sld [smem:$0x3FAE]  }
0x30: {  	s3 =	sld [smem:$0x3FB1]  }
0x31: {  	[smem:$0x3FBA] =	sst s10  }
0x32: {  	s10 =	sld [smem:$0x3FB8];
	_ =	sdelay $0x3  }
0x33: {  	p0 =	seq.s32 s10, $0x1;
	s10 =	sld [smem:$0x3FBA];
	_ =	sdelay $0x3  }
0x34: {  	[smem:$0x3FBA] =	sst s10  }
0x35: {  	s10 =	sld [smem:$0x3FB9];
	_ =	sdelay $0x3  }
0x36: {  	p1 =	seq.s32 s10, $0x1;
	s10 =	sld [smem:$0x3FBA];
	_ =	sdelay $0x3  }
0x37: {  	[smem:$0x3FBA] =	sst s10  }
0x38: {  	s10 =	sld [smem:$0x3FBB]  }
0x39: {  	_ = 	snop;
	(pc) =	sbr.ind lr, $3  }
0x3a: {  	_ = 	snop  }
0x3b: {  	_ = 	snop  }
0x3c: {  	p2 =	seq.s32 s10, $0x1;
	s10 =	sld [smem:$0x3FBA]  }
0x3d: {  	_ =	shalt  }
0x3e: {  	_ =	shalt  }
0x3f: {  	_ =	shalt  }
0x40: {  	_ =	shalt  }
0x41: {  	_ =	shalt  }
0x42: {  	_ =	shalt  }
0x43: {  	_ =	shalt  }
0x44: {  	_ =	shalt  }
0x45: {  	_ =	shalt  }
0x46: {  	_ =	shalt  }
0x47: {  	_ =	shalt  }
0x48: {  	_ =	shalt  }
0x49: {  	_ =	shalt  }
0x4a: {  	_ =	shalt  }
0x4b: {  	_ =	shalt  }
0x4c: {  	_ =	shalt  }
0x4d: {  	_ =	shalt  }
0x4e: {  	_ =	shalt  }
0x4f: {  	_ =	shalt  }
0x50: {  	_ =	shalt  }
0x51: {  	_ =	shalt  }
0x52: {  	_ =	shalt  }
0x53: {  	_ =	shalt  }
0x54: {  	_ =	shalt  }
0x55: {  	_ =	shalt  }
0x56: {  	_ =	shalt  }
0x57: {  	_ =	shalt  }
0x58: {  	_ =	shalt  }
0x59: {  	_ =	shalt  }
0x5a: {  	_ =	shalt  }
0x5b: {  	_ =	shalt  }
0x5c: {  	_ =	shalt  }
0x5d: {  	_ =	shalt  }
0x5e: {  	_ =	shalt  }
0x5f: {  	_ =	shalt  }
0x60: {  	_ =	shalt  }
0x61: {  	_ =	shalt  }
0x62: {  	_ =	shalt  }
0x63: {  	_ =	shalt  }
0x64: {  	_ =	shalt  }
0x65: {  	_ =	shalt  }
0x66: {  	_ =	shalt  }
0x67: {  	_ =	shalt  }
0x68: {  	_ =	shalt  }
0x69: {  	_ =	shalt  }
0x6a: {  	_ =	shalt  }
0x6b: {  	_ =	shalt  }
0x6c: {  	_ =	shalt  }
0x6d: {  	_ =	shalt  }
0x6e: {  	_ =	shalt  }
0x6f: {  	_ =	shalt  }
0x70: {  	_ =	shalt  }
0x71: {  	_ =	shalt  }
0x72: {  	_ =	shalt  }
0x73: {  	_ =	shalt  }
0x74: {  	_ =	shalt  }
0x75: {  	_ =	shalt  }
0x76: {  	_ =	shalt  }
0x77: {  	_ =	shalt  }
0x78: {  	_ =	shalt  }
0x79: {  	_ =	shalt  }
0x7a: {  	_ =	shalt  }
0x7b: {  	_ =	shalt  }
0x7c: {  	_ =	shalt  }
0x7d: {  	_ =	shalt  }
0x7e: {  	_ =	shalt  }
0x7f: {  	_ =	shalt  }
0x80: {  	_ =	shalt  }
0x81: {  	_ =	shalt  }
0x82: {  	_ =	shalt  }
0x83: {  	_ =	shalt  }
0x84: {  	_ =	shalt  }
0x85: {  	_ =	shalt  }
0x86: {  	_ =	shalt  }
0x87: {  	_ =	shalt  }
.Lfunc_end0:
.L_simem_size_0:
called_computation_lowered:
.L_overlay_start_0:
0x88: {  	s2 =	sld [smem:$0x3FD9]  }
0x89: {  	s3 =	sld [smem:$0x3FFE];
	_ =	sdelay $0x1  }
0x8a: {  	s1 =	srdreg.scid  }
0x8b: {  	s0 =	sand.u32 $0x1, s1  }
0x8c: {  	s18 =	sshll.u32 s0, $0xA;
	s2 =	sadd.s32 s3, s2  }
0x8d: {  	s2 =	sadd.s32 s2, s18  }
0x8e: {  	[smem:$0x3FC6] =	sst s2  }
0x8f: {  	_ = 	snop  }
0x90: {  	s2 =	sld [smem:$0x3FC9]  }
0x91: {  	s19 =	sld [smem:$0x3FC8]  }
0x92: {  	s4 =	sld [smem:$0x3FD0];
	(tm) =	ssettm $0x1  }
0x93: {  	s5 =	sld [smem:$0x3FFB];
	_ =	sdelay $0x3  }
0x94: {  	_ =	strace s5  }
0x95: {  	s5 =	sld [smem:$0x3FFC];
	_ =	sdelay $0x3  }
0x96: {  	_ =	strace s5  }
0x97: {  	s5 =	sld [smem:$0x3FFD];
	_ =	sdelay $0x3  }
0x98: {  	_ =	strace s5  }
0x99: {  	_ =	strace $0x8FFFFFFF  }
0x9a: {  	s20 =	sld [smem:$0x3FDB];
	_ =	sdelay $0x1  }
0x9b: {  	s6 =	simm.s32 $_scs_section_size  }
0x9c: {  	s7 =	simm.s32 $_size__tile_overlayer_lowered;
	s8 =	simm.s32 $_tile_overlayer_lowered  }
0x9d: {  	s23 =	simm.s32 $0x1BFF;
	s22 =	sshll.u32 s8, $0x1;
	s5 =	sadd.s32 s6, s20  }
0x9e: {  	s9 =	simm.s32 $0x0;
	s21 =	sshll.u32 s7, $0x1;
	s7 =	sadd.s32 s22, s5  }
0x9f: {  	[timem:s9], [sflag:s23] =	dma.local [hbm:s7], s21  }
0xa0: {  	_ =	swait.ge [sflag:s23], s21  }
0xa1: {  	s6 =	ssub.s32 $0x0, s21;
	[sflag:s23] =	ssyncset.done $0x0  }
0xa2: {  	[sflag:s23] =	ssyncadd.s32 s6;
	_ =	sdelay $0x1  }
0xa3: {  	s24 =	simm.s32 $0x1B8B  }
0xa4: {  	_ =	swait.ge [sflag:s24], $0x1  }
0xa5: {  	[sflag:s24] =	ssyncset.done $0x0  }
0xa6: {  	s25 =	simm.s32 $0x1B8E;
	[sflag:s24] =	ssyncadd.s32 $0xFFFFFFFF  }
0xa7: {  	s26 =	simm.s32 $execute0_lowered;
	[smem:$0x3FD2] =	sst s25  }
0xa8: {  	s6 =	sshll.u32 s26, $0x1;
	_ =	strace $0x80000046;
	[dreg:$0x1] =	wrdreg $0xFFFFFFFF  }
0xa9: {  	s28 =	simm.s32 $_size_execute0_lowered;
	s5 =	sadd.s32 s5, s6;
	[dreg:$0x0] =	wrdreg $0x0  }
0xaa: {  	s6 =	sshll.u32 s28, $0x1;
	[dreg:$0x2] =	wrdreg s5  }
0xab: {  	[dreg:$0x3] =	wrdreg s6  }
0xac: {  	[dreg:$0x4] =	wrdreg $0xC0  }
0xad: {  	_ =	task [dreg:s9], $0x5FFFF  }
0xae: {  	[dreg:$0x1] =	wrdreg $0xFFFFFFFF  }
0xaf: {  	[dreg:$0x0] =	wrdreg $0x60  }
0xb0: {  	[dreg:$0x2] =	wrdreg s2  }
0xb1: {  	[dreg:$0x3] =	wrdreg s19  }
0xb2: {  	[dreg:$0x4] =	wrdreg s4  }
0xb3: {  	[dreg:$0x5] =	wrdreg $0x102000  }
0xb4: {  	[dreg:$0x6] =	wrdreg $0x9  }
0xb5: {  	_ =	task.clear_ibuf [dreg:s9], $0x7FFFF;
	_ =	strace $0x90000046  }
0xb6: {  	s29 =	simm.s32 $0x9;
	_ =	strace $0x80000048  }
0xb7: {  	_ =	swait.ge [sflag:s29], $0x1  }
0xb8: {  	[sflag:s29] =	ssyncadd.s32 $0xFFFFFFFF  }
0xb9: {  	_ =	strace $0x90000048  }
0xba: {  	_ =	sfence  }
0xbb: {  	s30 =	sld [smem:$0x0];
	_ =	sdelay $0x2  }
0xbc: {  	s31 =	sshll.u32 s1, $0xD;
	s1 =	sshrl.u32 s1, $0x2  }
0xbd: {  	s3 =	sand.u32 $0x4000, s31;
	s1 =	sadd.s32 s1, s30  }
0xbe: {  	s0 =	sor.u32 s3, s0;
	s1 =	sshll.u32 s1, $0x11  }
0xbf: {  	s0 =	sor.u32 s1, s0  }
0xc0: {  	s0 =	sadd.s32 $0x8F2B, s0  }
0xc1: {  	[sflag:s0] =	ssyncadd.remote.s32 $0x1  }
0xc2: {  	_ =	sfence.sel $0xFFFF  }
0xc3: {  	[dreg:$0x0] =	wrdreg $0xFFFFFFFF;
	(pc) =	sbr.abs _section_cstart, $3  }
0xc4: {  	[dreg:$0x1] =	wrdreg $0xFFFFFFFF  }
0xc5: {  	_ =	task.clear_ibuf [dreg:s9], $0x2FFFF;
	_ =	strace $0x9FFFFFFF  }
0xc6: {  	(tm) =	ssettm $0x7FFFFFFF  }
0xc7: {  	_ =	shalt  }
tec
execute0_lowered:
.L_overlay_start_1:
0x0: {  	(tag) =	ssettag $0x1  }
0x1: {  	s7 =	rddreg [dreg:$0x0]  }
0x2: {  	s1 =	rddreg [dreg:$0x1]  }
0x3: {  	s5 =	rddreg [dreg:$0x2]  }
0x4: {  	s3 =	rddreg [dreg:$0x3]  }
0x5: {  	s0 =	rddreg [dreg:$0x4];
	s4 =	simm.s32 $0x0  }
0x6: {  	s26 =	simm.s32 $0xA00;
	[smem:$0x7FF] =	sst s4  }
0x7: {  	s28 =	simm.s32 $0x1200;
	_ =	strace $0x80000047;
	[dreg:$0x6] =	wrdreg s26  }
0x8: {  	s30 =	simm.s32 $0x1A00;
	[dreg:$0x7] =	wrdreg s28  }
0x9: {  	s6 =	srdreg.scid;
	s31 =	simm.s32 $0x2200;
	[dreg:$0x8] =	wrdreg s30  }
0xa: {  	s2 =	stileid.u32;
	s10 =	simm.s32 $0x3200;
	[dreg:$0x9] =	wrdreg s31  }
0xb: {  	s12 =	simm.s32 $0x3A00;
	s13 =	simm.s32 $0x4200;
	[dreg:$0xb] =	wrdreg s10  }
0xc: {  	s15 =	simm.s32 $0x4A00;
	s16 =	simm.s32 $0x5200;
	[dreg:$0xc] =	wrdreg s12  }
0xd: {  	s18 =	simm.s32 $0x5A00;
	s19 =	simm.s32 $0x6200;
	[dreg:$0xd] =	wrdreg s13  }
0xe: {  	s20 =	simm.s32 $0x6A00;
	s21 =	simm.s32 $0x7200;
	[dreg:$0xe] =	wrdreg s15  }
0xf: {  	s22 =	simm.s32 $0x7A00;
	s23 =	simm.s32 $0x8A00;
	[dreg:$0xf] =	wrdreg s16  }
0x10: {  	s24 =	simm.s32 $0xA200;
	s6 =	sand.u32 $0x1, s6;
	[dreg:$0x10] =	wrdreg s18  }
0x11: {  	s8 =	sshll.u32 s2, $0x11;
	s14 =	sshll.u32 s2, $0xD;
	[dreg:$0x11] =	wrdreg s19  }
0x12: {  	s17 =	sshll.u32 s2, $0x10;
	p0 =	seq.s32 s2, $0xF;
	[dreg:$0x12] =	wrdreg s20  }
0x13: {  	s5 =	sadd.s32 s8, s5;
	s25 =	sshll.u32 s6, $0x10;
	[dreg:$0x13] =	wrdreg s21  }
0x14: {  	s29 =	ssub.s32 $0x2, s6;
	s8 =	simm.s32 $0x2A00;
	[dreg:$0x14] =	wrdreg s22  }
0x15: {  	s6 =	sshll.u32 s6, $0x9;
	s12 =	sadd.s32 $0xF0000, s3;
	[dreg:$0x15] =	wrdreg s23  }
0x16: {  	s10 =	simm.s32 $0x9200;
	s13 =	simm.s32 $0x9A00;
	[dreg:$0x18] =	wrdreg s24  }
0x17: {  	s26 =	simm.s32 $0xB200;
	s28 =	simm.s32 $0xBA00;
	[dreg:$0xa] =	wrdreg s8  }
0x18: {  	s15 =	sshll.u32 @!p0 s2, $0x6;
	s16 =	simm.s32 $0xC200;
	[dreg:$0x16] =	wrdreg s10  }
0x19: {  	s30 =	simm.s32 $0xD200;
	s18 =	simm.s32 $0xE200;
	[dreg:$0x17] =	wrdreg s13  }
0x1a: {  	s19 =	simm.s32 $0xEA00;
	s20 =	simm.s32 $0xF200;
	[dreg:$0x1a] =	wrdreg s26  }
0x1b: {  	s31 =	simm.s32 $0xFA00;
	s21 =	simm.s32 $0x3;
	[dreg:$0x1b] =	wrdreg s28  }
0x1c: {  	s22 =	simm.s32 $0x4;
	s23 =	simm.s32 $0x5;
	[dreg:$0x1c] =	wrdreg s16  }
0x1d: {  	s24 =	simm.s32 $0x0;
	s5 =	sadd.s32 s25, s5;
	[dreg:$0x1e] =	wrdreg s30  }
0x1e: {  	s9 =	sshrl.u32 s29, $0x1;
	s10 =	sadd.s32 $0x300, s1;
	[smem:$0x7FA] =	sst s18  }
0x1f: {  	s25 =	simm.s32 $0xAA00;
	s12 =	sshrl.u32 @p0 s12, $0x3;
	[smem:$0x7FB] =	sst s19  }
0x20: {  	s13 =	sor.u32 @!p0 $0x1C06, s15;
	s15 =	simm.s32 $0x6;
	[smem:$0x7FC] =	sst s20  }
0x21: {  	s16 =	simm.s32 $0x200;
	s18 =	simm.s32 $0x80;
	[smem:$0x7FD] =	sst s31  }
0x22: {  	s19 =	simm.s32 $0x8200;
	s20 =	simm.s32 $0x2;
	[dreg:$0x5] =	wrdreg s5  }
0x23: {  	s11 =	ssub.s32 s29, s9;
	s9 =	sshll.u32 s2, $0xA;
	s5 =	sadd.s32 s1, s14  }
0x24: {  	s14 =	sadd.s32 s17, s3;
	[dreg:$0x19] =	wrdreg s25;
	s29 =	simm.s32 $0xCA00  }
0x25: {  	s17 =	simm.s32 $0xDA00;
	s8 =	sor.u32 s6, s9;
	s6 =	sadd.s32 $0x1E000, s1  }
0x26: {  	v2 =	vlaneseq.u32;
	s9 =	sadd.s32 $0x200, s1;
	s11 =	smax.u32 s11, $0x1;
	[dreg:$0x1d] =	wrdreg s29  }
0x27: {  	vm0 =	vmmov $0xffff;
	v1 =	vshrl.u32 v2, $0x3;
	s14 =	sshrl.u32 @!p0 s14, $0x3;
	[dreg:$0x1f] =	wrdreg s17;
	s8 =	sshrl.u32 s8, $0x3  }
0x28: {  	v0 =	vand.u32 $0x7, v2;
	v2 =	vor.u32 $0x8, v2;
	v1 =	vmul.u32 $0x8, v1;
	s17 =	simm.s32 $0x1;
	s7 =	sadd.s32 s7, s8;
	s8 =	sadd.s32 $0x100, s1  }
.LBB2_1:
0x29: {  	s25 =	simm.s32 @p0 $0x1FC6  }
0x2a: {  	[spmem:s12], [sflag:s25] =	dma.local @p0 [hbm:s6], $0x1400  }
0x2b: {  	s25 =	simm.s32 @p0 $0x6  }
0x2c: {  	_ =	swait.ge @p0 [sflag:s25], $0x1400  }
0x2d: {  	[sflag:s25] =	ssyncset.done @p0 $0x0  }
0x2e: {  	[sflag:s25] =	ssyncadd.s32 @p0 $0xFFFFEC00;
	s25 =	simm.s32 @!p0 $0x6  }
0x2f: {  	[spmem:s14], [sflag:s13] =	dma.local @!p0 [hbm:s5], $0x2000  }
0x30: {  	_ =	swait.ge @!p0 [sflag:s25], $0x2000  }
0x31: {  	[sflag:s25] =	ssyncset.done @!p0 $0x0  }
0x32: {  	[sflag:s25] =	ssyncadd.s32 @!p0 $0xFFFFE000  }
0x33: {  	[tilespmem:s4], [sflag:$0x6] =	stream.linear.gather [hbm4b:s7+s4], $0x200, $0x38;
	[tilespmem:$0x1FC00] =	vst v63  }
0x34: {  	_ =	swait.ge [sflag:s15], $0x200  }
0x35: {  	[sflag:s15] =	ssyncset.done $0x0  }
0x36: {  	[sflag:s15] =	ssyncadd.s32 $0xFFFFFE00  }
0x37: {  	s26 =	simm.s32 $0x0;
	s25 =	simm.s32 $0x100;
	[bflag:$0x0] =	sbarrier.arrive $0xFFFF  }
.LBB2_2:
0x38: {  	v3 =	vld [tilespmem:s25+$0x0];
	_ =	sdelay $0x4  }
0x39: {  	v4 =	vshll.u32 v3, $0x3  }
0x3a: {  	v3 =	vand.u32 $0x7, v3;
	v4 =	vand.u32 $0xFFFFFFC0, v4  }
0x3b: {  	v3 =	vor.u32 v3, v4  }
0x3c: {  	v4 =	vperm.xlane v3, v0;
	_ =	sdelay $0x1  }
0x3d: {  	v4 =	vadd.s32 v1, v4;
	_ =	sdelay $0x4  }
0x3e: {  	[tilespmem:s16], [sflag:$0x2] =	stream.indirect_vreg.gather [hbm4b:s1+s4], $0x80, v4, vm0, $0xb8;
	[tilespmem:$0x1FC00] =	vst v63  }
0x3f: {  	s28 =	rddreg [dreg:$0x6];
	v3 =	vperm.xlane v3, v2  }
0x40: {  	[tilespmem:s28], [sflag:$0x2] =	stream.indirect_vreg.gather [hbm4b:s8+s4], $0x80, v4, vm0, $0xb8;
	[tilespmem:$0x1FC00] =	vst v63  }
0x41: {  	s29 =	rddreg [dreg:$0x7];
	v3 =	vadd.s32 v1, v3  }
0x42: {  	[tilespmem:s29], [sflag:$0x2] =	stream.indirect_vreg.gather [hbm4b:s9+s4], $0x80, v4, vm0, $0xb8;
	[tilespmem:$0x1FC00] =	vst v63  }
0x43: {  	s30 =	rddreg [dreg:$0x8]  }
0x44: {  	[tilespmem:s30], [sflag:$0x2] =	stream.indirect_vreg.gather [hbm4b:s10+s4], $0x80, v4, vm0, $0xb8;
	[tilespmem:$0x1FC00] =	vst v63  }
0x45: {  	s31 =	rddreg [dreg:$0x9]  }
0x46: {  	[tilespmem:s31], [sflag:$0x2] =	stream.indirect_vreg.gather [hbm4b:s1+s4], $0x80, v3, vm0, $0xb8;
	[tilespmem:$0x1FC00] =	vst v63  }
0x47: {  	s30 =	rddreg [dreg:$0xa]  }
0x48: {  	[tilespmem:s30], [sflag:$0x2] =	stream.indirect_vreg.gather [hbm4b:s8+s4], $0x80, v3, vm0, $0xb8;
	[tilespmem:$0x1FC00] =	vst v63  }
0x49: {  	s31 =	rddreg [dreg:$0xb]  }
0x4a: {  	[tilespmem:s31], [sflag:$0x2] =	stream.indirect_vreg.gather [hbm4b:s9+s4], $0x80, v3, vm0, $0xb8;
	[tilespmem:$0x1FC00] =	vst v63  }
0x4b: {  	s30 =	rddreg [dreg:$0xc]  }
0x4c: {  	[tilespmem:s30], [sflag:$0x2] =	stream.indirect_vreg.gather [hbm4b:s10+s4], $0x80, v3, vm0, $0xb8;
	[tilespmem:$0x1FC00] =	vst v63  }
0x4d: {  	v3 =	vld [tilespmem:s25+$0x10];
	_ =	sdelay $0x4  }
0x4e: {  	v61 =	vshll.u32 v3, $0x3  }
0x4f: {  	v3 =	vand.u32 $0x7, v3;
	v4 =	vand.u32 $0xFFFFFFC0, v61  }
0x50: {  	v3 =	vor.u32 v3, v4  }
0x51: {  	v4 =	vperm.xlane v3, v0;
	_ =	sdelay $0x1  }
0x52: {  	v4 =	vadd.s32 v1, v4;
	_ =	sdelay $0x3  }
0x53: {  	s31 =	rddreg [dreg:$0xd]  }
0x54: {  	[tilespmem:s31], [sflag:$0x2] =	stream.indirect_vreg.gather [hbm4b:s1+s4], $0x80, v4, vm0, $0xb8;
	[tilespmem:$0x1FC00] =	vst v63  }
0x55: {  	s30 =	rddreg [dreg:$0xe];
	v3 =	vperm.xlane v3, v2  }
0x56: {  	[tilespmem:s30], [sflag:$0x2] =	stream.indirect_vreg.gather [hbm4b:s8+s4], $0x80, v4, vm0, $0xb8;
	[tilespmem:$0x1FC00] =	vst v63  }
0x57: {  	v3 =	vadd.s32 v1, v3;
	s31 =	rddreg [dreg:$0xf]  }
0x58: {  	[tilespmem:s31], [sflag:$0x2] =	stream.indirect_vreg.gather [hbm4b:s9+s4], $0x80, v4, vm0, $0xb8;
	[tilespmem:$0x1FC00] =	vst v63  }
0x59: {  	s30 =	rddreg [dreg:$0x10]  }
0x5a: {  	[tilespmem:s30], [sflag:$0x2] =	stream.indirect_vreg.gather [hbm4b:s10+s4], $0x80, v4, vm0, $0xb8;
	[tilespmem:$0x1FC00] =	vst v63  }
0x5b: {  	s31 =	rddreg [dreg:$0x11]  }
0x5c: {  	[tilespmem:s31], [sflag:$0x2] =	stream.indirect_vreg.gather [hbm4b:s1+s4], $0x80, v3, vm0, $0xb8;
	[tilespmem:$0x1FC00] =	vst v63  }
0x5d: {  	s30 =	rddreg [dreg:$0x12]  }
0x5e: {  	[tilespmem:s30], [sflag:$0x2] =	stream.indirect_vreg.gather [hbm4b:s8+s4], $0x80, v3, vm0, $0xb8;
	[tilespmem:$0x1FC00] =	vst v63  }
0x5f: {  	s31 =	rddreg [dreg:$0x13]  }
0x60: {  	[tilespmem:s31], [sflag:$0x2] =	stream.indirect_vreg.gather [hbm4b:s9+s4], $0x80, v3, vm0, $0xb8;
	[tilespmem:$0x1FC00] =	vst v63  }
0x61: {  	s30 =	rddreg [dreg:$0x14]  }
0x62: {  	[tilespmem:s30], [sflag:$0x2] =	stream.indirect_vreg.gather [hbm4b:s10+s4], $0x80, v3, vm0, $0xb8;
	[tilespmem:$0x1FC00] =	vst v63  }
0x63: {  	v3 =	vld [tilespmem:s25+$0xFFFFFF00];
	_ =	sdelay $0x4  }
0x64: {  	(v2sf) =	vpush v3, $0x0;
	_ =	sdelay $0xe  }
0x65: {  	s31 =	spop (v2sf)  }
0x66: {  	s30 =	sshll.u32 s31, $0xA  }
0x67: {  	s28 =	sshll.u32 s31, $0x7;
	s29 =	sand.u32 $0xFFFFE000, s30  }
0x68: {  	s28 =	sand.u32 $0x380, s28;
	s29 =	sadd.s32 s29, s3  }
0x69: {  	s30 =	rddreg [dreg:$0x5];
	s31 =	sadd.s32 s28, s29;
	s28 =	sshll.u32 s2, $0x6  }
0x6a: {  	s29 =	sadd.s32 s26, s30;
	s28 =	sor.u32 $0x1C01, s28;
	s31 =	sshrl.u32 s31, $0x3  }
0x6b: {  	[hbm:s29@s18], [sflag:s28] =	dma.strided [spmem:s31@s18], $0x80, s17, $0x10   }
0x6c: {  	(v2sf) =	vpush v3, $0x1;
	_ =	sdelay $0xe  }
0x6d: {  	s30 =	spop (v2sf)  }
0x6e: {  	s31 =	sshll.u32 s30, $0xA  }
0x6f: {  	s30 =	sshll.u32 s30, $0x7;
	s31 =	sand.u32 $0xFFFFE000, s31  }
0x70: {  	s30 =	sand.u32 $0x380, s30;
	s31 =	sadd.s32 s31, s3  }
0x71: {  	s30 =	sadd.s32 s30, s31  }
0x72: {  	s31 =	sadd.s32 $0x10, s29;
	s30 =	sshrl.u32 s30, $0x3  }
0x73: {  	[hbm:s31@s18], [sflag:s28] =	dma.strided [spmem:s30@s18], $0x80, s17, $0x10   }
0x74: {  	(v2sf) =	vpush v3, $0x2;
	_ =	sdelay $0xe  }
0x75: {  	s30 =	spop (v2sf)  }
0x76: {  	s31 =	sshll.u32 s30, $0xA  }
0x77: {  	s30 =	sshll.u32 s30, $0x7;
	s31 =	sand.u32 $0xFFFFE000, s31  }
0x78: {  	s30 =	sand.u32 $0x380, s30;
	s31 =	sadd.s32 s31, s3  }
0x79: {  	s30 =	sadd.s32 s30, s31  }
0x7a: {  	s31 =	sadd.s32 $0x20, s29;
	s30 =	sshrl.u32 s30, $0x3  }
0x7b: {  	[hbm:s31@s18], [sflag:s28] =	dma.strided [spmem:s30@s18], $0x80, s17, $0x10   }
0x7c: {  	(v2sf) =	vpush v3, $0x3;
	_ =	sdelay $0xe  }
0x7d: {  	s30 =	spop (v2sf)  }
0x7e: {  	s31 =	sshll.u32 s30, $0xA  }
0x7f: {  	s30 =	sshll.u32 s30, $0x7;
	s31 =	sand.u32 $0xFFFFE000, s31  }
0x80: {  	s30 =	sand.u32 $0x380, s30;
	s31 =	sadd.s32 s31, s3  }
0x81: {  	s30 =	sadd.s32 s30, s31  }
0x82: {  	s31 =	sadd.s32 $0x30, s29;
	s30 =	sshrl.u32 s30, $0x3  }
0x83: {  	[hbm:s31@s18], [sflag:s28] =	dma.strided [spmem:s30@s18], $0x80, s17, $0x10   }
0x84: {  	(v2sf) =	vpush v3, $0x4;
	_ =	sdelay $0xe  }
0x85: {  	s30 =	spop (v2sf)  }
0x86: {  	s31 =	sshll.u32 s30, $0xA  }
0x87: {  	s30 =	sshll.u32 s30, $0x7;
	s31 =	sand.u32 $0xFFFFE000, s31  }
0x88: {  	s30 =	sand.u32 $0x380, s30;
	s31 =	sadd.s32 s31, s3  }
0x89: {  	s30 =	sadd.s32 s30, s31  }
0x8a: {  	s31 =	sadd.s32 $0x40, s29;
	s30 =	sshrl.u32 s30, $0x3  }
0x8b: {  	[hbm:s31@s18], [sflag:s28] =	dma.strided [spmem:s30@s18], $0x80, s17, $0x10   }
0x8c: {  	(v2sf) =	vpush v3, $0x5;
	_ =	sdelay $0xe  }
0x8d: {  	s30 =	spop (v2sf)  }
0x8e: {  	s31 =	sshll.u32 s30, $0xA  }
0x8f: {  	s30 =	sshll.u32 s30, $0x7;
	s31 =	sand.u32 $0xFFFFE000, s31  }
0x90: {  	s30 =	sand.u32 $0x380, s30;
	s31 =	sadd.s32 s31, s3  }
0x91: {  	s30 =	sadd.s32 s30, s31  }
0x92: {  	s31 =	sadd.s32 $0x50, s29;
	s30 =	sshrl.u32 s30, $0x3  }
0x93: {  	[hbm:s31@s18], [sflag:s28] =	dma.strided [spmem:s30@s18], $0x80, s17, $0x10   }
0x94: {  	(v2sf) =	vpush v3, $0x6;
	_ =	sdelay $0xe  }
0x95: {  	s30 =	spop (v2sf)  }
0x96: {  	s31 =	sshll.u32 s30, $0xA  }
0x97: {  	s30 =	sshll.u32 s30, $0x7;
	s31 =	sand.u32 $0xFFFFE000, s31  }
0x98: {  	s30 =	sand.u32 $0x380, s30;
	s31 =	sadd.s32 s31, s3  }
0x99: {  	s30 =	sadd.s32 s30, s31  }
0x9a: {  	s31 =	sadd.s32 $0x60, s29;
	s30 =	sshrl.u32 s30, $0x3  }
0x9b: {  	[hbm:s31@s18], [sflag:s28] =	dma.strided [spmem:s30@s18], $0x80, s17, $0x10   }
0x9c: {  	(v2sf) =	vpush v3, $0x7;
	_ =	sdelay $0xe  }
0x9d: {  	s30 =	spop (v2sf)  }
0x9e: {  	s31 =	sshll.u32 s30, $0xA  }
0x9f: {  	s30 =	sshll.u32 s30, $0x7;
	s31 =	sand.u32 $0xFFFFE000, s31  }
0xa0: {  	s30 =	sand.u32 $0x380, s30;
	s31 =	sadd.s32 s31, s3  }
0xa1: {  	s30 =	sadd.s32 s30, s31  }
0xa2: {  	s31 =	sadd.s32 $0x70, s29;
	s30 =	sshrl.u32 s30, $0x3  }
0xa3: {  	[hbm:s31@s18], [sflag:s28] =	dma.strided [spmem:s30@s18], $0x80, s17, $0x10   }
0xa4: {  	(v2sf) =	vpush v3, $0x8;
	_ =	sdelay $0xe  }
0xa5: {  	s30 =	spop (v2sf)  }
0xa6: {  	s31 =	sshll.u32 s30, $0xA  }
0xa7: {  	s30 =	sshll.u32 s30, $0x7;
	s31 =	sand.u32 $0xFFFFE000, s31  }
0xa8: {  	s30 =	sand.u32 $0x380, s30;
	s31 =	sadd.s32 s31, s3  }
0xa9: {  	s30 =	sadd.s32 s30, s31  }
0xaa: {  	s31 =	sadd.s32 $0x400, s29;
	s30 =	sshrl.u32 s30, $0x3  }
0xab: {  	[hbm:s31@s18], [sflag:s28] =	dma.strided [spmem:s30@s18], $0x80, s17, $0x10   }
0xac: {  	(v2sf) =	vpush v3, $0x9;
	_ =	sdelay $0xe  }
0xad: {  	s30 =	spop (v2sf)  }
0xae: {  	s31 =	sshll.u32 s30, $0xA  }
0xaf: {  	s30 =	sshll.u32 s30, $0x7;
	s31 =	sand.u32 $0xFFFFE000, s31  }
0xb0: {  	s30 =	sand.u32 $0x380, s30;
	s31 =	sadd.s32 s31, s3  }
0xb1: {  	s30 =	sadd.s32 s30, s31  }
0xb2: {  	s31 =	sadd.s32 $0x410, s29;
	s30 =	sshrl.u32 s30, $0x3  }
0xb3: {  	[hbm:s31@s18], [sflag:s28] =	dma.strided [spmem:s30@s18], $0x80, s17, $0x10   }
0xb4: {  	(v2sf) =	vpush v3, $0xA;
	_ =	sdelay $0xe  }
0xb5: {  	s30 =	spop (v2sf)  }
0xb6: {  	s31 =	sshll.u32 s30, $0xA  }
0xb7: {  	s30 =	sshll.u32 s30, $0x7;
	s31 =	sand.u32 $0xFFFFE000, s31  }
0xb8: {  	s30 =	sand.u32 $0x380, s30;
	s31 =	sadd.s32 s31, s3  }
0xb9: {  	s30 =	sadd.s32 s30, s31  }
0xba: {  	s31 =	sadd.s32 $0x420, s29;
	s30 =	sshrl.u32 s30, $0x3  }
0xbb: {  	[hbm:s31@s18], [sflag:s28] =	dma.strided [spmem:s30@s18], $0x80, s17, $0x10   }
0xbc: {  	(v2sf) =	vpush v3, $0xB;
	_ =	sdelay $0xe  }
0xbd: {  	s30 =	spop (v2sf)  }
0xbe: {  	s31 =	sshll.u32 s30, $0xA  }
0xbf: {  	s30 =	sshll.u32 s30, $0x7;
	s31 =	sand.u32 $0xFFFFE000, s31  }
0xc0: {  	s30 =	sand.u32 $0x380, s30;
	s31 =	sadd.s32 s31, s3  }
0xc1: {  	s30 =	sadd.s32 s30, s31  }
0xc2: {  	s31 =	sadd.s32 $0x430, s29;
	s30 =	sshrl.u32 s30, $0x3  }
0xc3: {  	[hbm:s31@s18], [sflag:s28] =	dma.strided [spmem:s30@s18], $0x80, s17, $0x10   }
0xc4: {  	(v2sf) =	vpush v3, $0xC;
	_ =	sdelay $0xe  }
0xc5: {  	s30 =	spop (v2sf)  }
0xc6: {  	s31 =	sshll.u32 s30, $0xA  }
0xc7: {  	s30 =	sshll.u32 s30, $0x7;
	s31 =	sand.u32 $0xFFFFE000, s31  }
0xc8: {  	s30 =	sand.u32 $0x380, s30;
	s31 =	sadd.s32 s31, s3  }
0xc9: {  	s30 =	sadd.s32 s30, s31  }
0xca: {  	s31 =	sadd.s32 $0x440, s29;
	s30 =	sshrl.u32 s30, $0x3  }
0xcb: {  	[hbm:s31@s18], [sflag:s28] =	dma.strided [spmem:s30@s18], $0x80, s17, $0x10   }
0xcc: {  	(v2sf) =	vpush v3, $0xD;
	_ =	sdelay $0xe  }
0xcd: {  	s30 =	spop (v2sf)  }
0xce: {  	s31 =	sshll.u32 s30, $0xA  }
0xcf: {  	s30 =	sshll.u32 s30, $0x7;
	s31 =	sand.u32 $0xFFFFE000, s31  }
0xd0: {  	s30 =	sand.u32 $0x380, s30;
	s31 =	sadd.s32 s31, s3  }
0xd1: {  	s30 =	sadd.s32 s30, s31  }
0xd2: {  	s31 =	sadd.s32 $0x450, s29;
	s30 =	sshrl.u32 s30, $0x3  }
0xd3: {  	[hbm:s31@s18], [sflag:s28] =	dma.strided [spmem:s30@s18], $0x80, s17, $0x10   }
0xd4: {  	(v2sf) =	vpush v3, $0xE;
	_ =	sdelay $0xe  }
0xd5: {  	s30 =	spop (v2sf)  }
0xd6: {  	s31 =	sshll.u32 s30, $0xA  }
0xd7: {  	s30 =	sshll.u32 s30, $0x7;
	s31 =	sand.u32 $0xFFFFE000, s31  }
0xd8: {  	s30 =	sand.u32 $0x380, s30;
	s31 =	sadd.s32 s31, s3  }
0xd9: {  	s30 =	sadd.s32 s30, s31  }
0xda: {  	s31 =	sadd.s32 $0x460, s29;
	s30 =	sshrl.u32 s30, $0x3  }
0xdb: {  	[hbm:s31@s18], [sflag:s28] =	dma.strided [spmem:s30@s18], $0x80, s17, $0x10   }
0xdc: {  	(v2sf) =	vpush v3, $0xF;
	_ =	sdelay $0xe  }
0xdd: {  	s30 =	spop (v2sf)  }
0xde: {  	s31 =	sshll.u32 s30, $0xA  }
0xdf: {  	s30 =	sshll.u32 s30, $0x7;
	s31 =	sand.u32 $0xFFFFE000, s31  }
0xe0: {  	s30 =	sand.u32 $0x380, s30;
	s31 =	sadd.s32 s31, s3  }
0xe1: {  	s30 =	sadd.s32 s30, s31  }
0xe2: {  	s31 =	sadd.s32 $0x470, s29;
	s30 =	sshrl.u32 s30, $0x3  }
0xe3: {  	[hbm:s31@s18], [sflag:s28] =	dma.strided [spmem:s30@s18], $0x80, s17, $0x10   }
0xe4: {  	v3 =	vld [tilespmem:s25+$0x20];
	_ =	sdelay $0x4  }
0xe5: {  	v62 =	vshll.u32 v3, $0x3  }
0xe6: {  	v3 =	vand.u32 $0x7, v3;
	v4 =	vand.u32 $0xFFFFFFC0, v62  }
0xe7: {  	v3 =	vor.u32 v3, v4  }
0xe8: {  	v4 =	vperm.xlane v3, v0;
	_ =	sdelay $0x1  }
0xe9: {  	v4 =	vadd.s32 v1, v4;
	_ =	sdelay $0x4  }
0xea: {  	[tilespmem:s19], [sflag:$0x3] =	stream.indirect_vreg.gather [hbm4b:s1+s4], $0x80, v4, vm0, $0xb8;
	[tilespmem:$0x1FC00] =	vst v63  }
0xeb: {  	s30 =	rddreg [dreg:$0x15];
	v3 =	vperm.xlane v3, v2  }
0xec: {  	[tilespmem:s30], [sflag:$0x3] =	stream.indirect_vreg.gather [hbm4b:s8+s4], $0x80, v4, vm0, $0xb8;
	[tilespmem:$0x1FC00] =	vst v63  }
0xed: {  	s31 =	rddreg [dreg:$0x16];
	v3 =	vadd.s32 v1, v3  }
0xee: {  	[tilespmem:s31], [sflag:$0x3] =	stream.indirect_vreg.gather [hbm4b:s9+s4], $0x80, v4, vm0, $0xb8;
	[tilespmem:$0x1FC00] =	vst v63  }
0xef: {  	s30 =	rddreg [dreg:$0x17]  }
0xf0: {  	[tilespmem:s30], [sflag:$0x3] =	stream.indirect_vreg.gather [hbm4b:s10+s4], $0x80, v4, vm0, $0xb8;
	[tilespmem:$0x1FC00] =	vst v63  }
0xf1: {  	s31 =	rddreg [dreg:$0x18]  }
0xf2: {  	[tilespmem:s31], [sflag:$0x3] =	stream.indirect_vreg.gather [hbm4b:s1+s4], $0x80, v3, vm0, $0xb8;
	[tilespmem:$0x1FC00] =	vst v63  }
0xf3: {  	s30 =	rddreg [dreg:$0x19]  }
0xf4: {  	[tilespmem:s30], [sflag:$0x3] =	stream.indirect_vreg.gather [hbm4b:s8+s4], $0x80, v3, vm0, $0xb8;
	[tilespmem:$0x1FC00] =	vst v63  }
0xf5: {  	s31 =	rddreg [dreg:$0x1a]  }
0xf6: {  	[tilespmem:s31], [sflag:$0x3] =	stream.indirect_vreg.gather [hbm4b:s9+s4], $0x80, v3, vm0, $0xb8;
	[tilespmem:$0x1FC00] =	vst v63  }
0xf7: {  	s30 =	rddreg [dreg:$0x1b]  }
0xf8: {  	[tilespmem:s30], [sflag:$0x3] =	stream.indirect_vreg.gather [hbm4b:s10+s4], $0x80, v3, vm0, $0xb8;
	[tilespmem:$0x1FC00] =	vst v63  }
0xf9: {  	v3 =	vld [tilespmem:s25+$0x30];
	_ =	sdelay $0x4  }
0xfa: {  	v63 =	vshll.u32 v3, $0x3  }
0xfb: {  	v3 =	vand.u32 $0x7, v3;
	v4 =	vand.u32 $0xFFFFFFC0, v63  }
0xfc: {  	v3 =	vor.u32 v3, v4  }
0xfd: {  	v4 =	vperm.xlane v3, v0;
	_ =	sdelay $0x1  }
0xfe: {  	v4 =	vadd.s32 v1, v4;
	_ =	sdelay $0x2  }
0xff: {  	s31 =	rddreg [dreg:$0x1d]  }
0x100: {  	s30 =	rddreg [dreg:$0x1c]  }
0x101: {  	[tilespmem:s30], [sflag:$0x3] =	stream.indirect_vreg.gather [hbm4b:s1+s4], $0x80, v4, vm0, $0xb8;
	[tilespmem:$0x1FC00] =	vst v63  }
0x102: {  	v3 =	vperm.xlane v3, v2;
	s30 =	rddreg [dreg:$0x1e]  }
0x103: {  	[tilespmem:s31], [sflag:$0x3] =	stream.indirect_vreg.gather [hbm4b:s8+s4], $0x80, v4, vm0, $0xb8;
	[tilespmem:$0x1FC00] =	vst v63  }
0x104: {  	v3 =	vadd.s32 v1, v3;
	s31 =	rddreg [dreg:$0x1f]  }
0x105: {  	[tilespmem:s30], [sflag:$0x3] =	stream.indirect_vreg.gather [hbm4b:s9+s4], $0x80, v4, vm0, $0xb8;
	[tilespmem:$0x1FC00] =	vst v63  }
0x106: {  	s30 =	sld [smem:$0x7FA]  }
0x107: {  	[tilespmem:s31], [sflag:$0x3] =	stream.indirect_vreg.gather [hbm4b:s10+s4], $0x80, v4, vm0, $0xb8;
	[tilespmem:$0x1FC00] =	vst v63  }
0x108: {  	s31 =	sld [smem:$0x7FB]  }
0x109: {  	[tilespmem:s30], [sflag:$0x3] =	stream.indirect_vreg.gather [hbm4b:s1+s4], $0x80, v3, vm0, $0xb8;
	[tilespmem:$0x1FC00] =	vst v63  }
0x10a: {  	s30 =	sld [smem:$0x7FC]  }
0x10b: {  	[tilespmem:s31], [sflag:$0x3] =	stream.indirect_vreg.gather [hbm4b:s8+s4], $0x80, v3, vm0, $0xb8;
	[tilespmem:$0x1FC00] =	vst v63  }
0x10c: {  	s31 =	sld [smem:$0x7FD]  }
0x10d: {  	[tilespmem:s30], [sflag:$0x3] =	stream.indirect_vreg.gather [hbm4b:s9+s4], $0x80, v3, vm0, $0xb8;
	[tilespmem:$0x1FC00] =	vst v63  }
0x10e: {  	_ = 	snop  }
0x10f: {  	[tilespmem:s31], [sflag:$0x3] =	stream.indirect_vreg.gather [hbm4b:s10+s4], $0x80, v3, vm0, $0xb8;
	[tilespmem:$0x1FC00] =	vst v63  }
0x110: {  	v3 =	vld [tilespmem:s25+$0xFFFFFF10];
	_ =	sdelay $0x4  }
0x111: {  	(v2sf) =	vpush v3, $0x0;
	_ =	sdelay $0xe  }
0x112: {  	s30 =	spop (v2sf)  }
0x113: {  	s31 =	sshll.u32 s30, $0xA  }
0x114: {  	s30 =	sshll.u32 s30, $0x7;
	s31 =	sand.u32 $0xFFFFE000, s31  }
0x115: {  	s30 =	sand.u32 $0x380, s30;
	s31 =	sadd.s32 s31, s3  }
0x116: {  	s30 =	sadd.s32 s30, s31  }
0x117: {  	s31 =	sadd.s32 $0x800, s29;
	s30 =	sshrl.u32 s30, $0x3  }
0x118: {  	[hbm:s31@s18], [sflag:s28] =	dma.strided [spmem:s30@s18], $0x80, s17, $0x10   }
0x119: {  	(v2sf) =	vpush v3, $0x1;
	_ =	sdelay $0xe  }
0x11a: {  	s30 =	spop (v2sf)  }
0x11b: {  	s31 =	sshll.u32 s30, $0xA  }
0x11c: {  	s30 =	sshll.u32 s30, $0x7;
	s31 =	sand.u32 $0xFFFFE000, s31  }
0x11d: {  	s30 =	sand.u32 $0x380, s30;
	s31 =	sadd.s32 s31, s3  }
0x11e: {  	s30 =	sadd.s32 s30, s31  }
0x11f: {  	s31 =	sadd.s32 $0x810, s29;
	s30 =	sshrl.u32 s30, $0x3  }
0x120: {  	[hbm:s31@s18], [sflag:s28] =	dma.strided [spmem:s30@s18], $0x80, s17, $0x10   }
0x121: {  	(v2sf) =	vpush v3, $0x2;
	_ =	sdelay $0xe  }
0x122: {  	s30 =	spop (v2sf)  }
0x123: {  	s31 =	sshll.u32 s30, $0xA  }
0x124: {  	s30 =	sshll.u32 s30, $0x7;
	s31 =	sand.u32 $0xFFFFE000, s31  }
0x125: {  	s30 =	sand.u32 $0x380, s30;
	s31 =	sadd.s32 s31, s3  }
0x126: {  	s30 =	sadd.s32 s30, s31  }
0x127: {  	s31 =	sadd.s32 $0x820, s29;
	s30 =	sshrl.u32 s30, $0x3  }
0x128: {  	[hbm:s31@s18], [sflag:s28] =	dma.strided [spmem:s30@s18], $0x80, s17, $0x10   }
0x129: {  	(v2sf) =	vpush v3, $0x3;
	_ =	sdelay $0xe  }
0x12a: {  	s30 =	spop (v2sf)  }
0x12b: {  	s31 =	sshll.u32 s30, $0xA  }
0x12c: {  	s30 =	sshll.u32 s30, $0x7;
	s31 =	sand.u32 $0xFFFFE000, s31  }
0x12d: {  	s30 =	sand.u32 $0x380, s30;
	s31 =	sadd.s32 s31, s3  }
0x12e: {  	s30 =	sadd.s32 s30, s31  }
0x12f: {  	s31 =	sadd.s32 $0x830, s29;
	s30 =	sshrl.u32 s30, $0x3  }
0x130: {  	[hbm:s31@s18], [sflag:s28] =	dma.strided [spmem:s30@s18], $0x80, s17, $0x10   }
0x131: {  	(v2sf) =	vpush v3, $0x4;
	_ =	sdelay $0xe  }
0x132: {  	s30 =	spop (v2sf)  }
0x133: {  	s31 =	sshll.u32 s30, $0xA  }
0x134: {  	s30 =	sshll.u32 s30, $0x7;
	s31 =	sand.u32 $0xFFFFE000, s31  }
0x135: {  	s30 =	sand.u32 $0x380, s30;
	s31 =	sadd.s32 s31, s3  }
0x136: {  	s30 =	sadd.s32 s30, s31  }
0x137: {  	s31 =	sadd.s32 $0x840, s29;
	s30 =	sshrl.u32 s30, $0x3  }
0x138: {  	[hbm:s31@s18], [sflag:s28] =	dma.strided [spmem:s30@s18], $0x80, s17, $0x10   }
0x139: {  	(v2sf) =	vpush v3, $0x5;
	_ =	sdelay $0xe  }
0x13a: {  	s30 =	spop (v2sf)  }
0x13b: {  	s31 =	sshll.u32 s30, $0xA  }
0x13c: {  	s30 =	sshll.u32 s30, $0x7;
	s31 =	sand.u32 $0xFFFFE000, s31  }
0x13d: {  	s30 =	sand.u32 $0x380, s30;
	s31 =	sadd.s32 s31, s3  }
0x13e: {  	s30 =	sadd.s32 s30, s31  }
0x13f: {  	s31 =	sadd.s32 $0x850, s29;
	s30 =	sshrl.u32 s30, $0x3  }
0x140: {  	[hbm:s31@s18], [sflag:s28] =	dma.strided [spmem:s30@s18], $0x80, s17, $0x10   }
0x141: {  	(v2sf) =	vpush v3, $0x6;
	_ =	sdelay $0xe  }
0x142: {  	s30 =	spop (v2sf)  }
0x143: {  	s31 =	sshll.u32 s30, $0xA  }
0x144: {  	s30 =	sshll.u32 s30, $0x7;
	s31 =	sand.u32 $0xFFFFE000, s31  }
0x145: {  	s30 =	sand.u32 $0x380, s30;
	s31 =	sadd.s32 s31, s3  }
0x146: {  	s30 =	sadd.s32 s30, s31  }
0x147: {  	s31 =	sadd.s32 $0x860, s29;
	s30 =	sshrl.u32 s30, $0x3  }
0x148: {  	[hbm:s31@s18], [sflag:s28] =	dma.strided [spmem:s30@s18], $0x80, s17, $0x10   }
0x149: {  	(v2sf) =	vpush v3, $0x7;
	_ =	sdelay $0xe  }
0x14a: {  	s30 =	spop (v2sf)  }
0x14b: {  	s31 =	sshll.u32 s30, $0xA  }
0x14c: {  	s30 =	sshll.u32 s30, $0x7;
	s31 =	sand.u32 $0xFFFFE000, s31  }
0x14d: {  	s30 =	sand.u32 $0x380, s30;
	s31 =	sadd.s32 s31, s3  }
0x14e: {  	s30 =	sadd.s32 s30, s31  }
0x14f: {  	s31 =	sadd.s32 $0x870, s29;
	s30 =	sshrl.u32 s30, $0x3  }
0x150: {  	[hbm:s31@s18], [sflag:s28] =	dma.strided [spmem:s30@s18], $0x80, s17, $0x10   }
0x151: {  	(v2sf) =	vpush v3, $0x8;
	_ =	sdelay $0xe  }
0x152: {  	s30 =	spop (v2sf)  }
0x153: {  	s31 =	sshll.u32 s30, $0xA  }
0x154: {  	s30 =	sshll.u32 s30, $0x7;
	s31 =	sand.u32 $0xFFFFE000, s31  }
0x155: {  	s30 =	sand.u32 $0x380, s30;
	s31 =	sadd.s32 s31, s3  }
0x156: {  	s30 =	sadd.s32 s30, s31  }
0x157: {  	s31 =	sadd.s32 $0xC00, s29;
	s30 =	sshrl.u32 s30, $0x3  }
0x158: {  	[hbm:s31@s18], [sflag:s28] =	dma.strided [spmem:s30@s18], $0x80, s17, $0x10   }
0x159: {  	(v2sf) =	vpush v3, $0x9;
	_ =	sdelay $0xe  }
0x15a: {  	s30 =	spop (v2sf)  }
0x15b: {  	s31 =	sshll.u32 s30, $0xA  }
0x15c: {  	s30 =	sshll.u32 s30, $0x7;
	s31 =	sand.u32 $0xFFFFE000, s31  }
0x15d: {  	s30 =	sand.u32 $0x380, s30;
	s31 =	sadd.s32 s31, s3  }
0x15e: {  	s30 =	sadd.s32 s30, s31  }
0x15f: {  	s31 =	sadd.s32 $0xC10, s29;
	s30 =	sshrl.u32 s30, $0x3  }
0x160: {  	[hbm:s31@s18], [sflag:s28] =	dma.strided [spmem:s30@s18], $0x80, s17, $0x10   }
0x161: {  	(v2sf) =	vpush v3, $0xA;
	_ =	sdelay $0xe  }
0x162: {  	s30 =	spop (v2sf)  }
0x163: {  	s31 =	sshll.u32 s30, $0xA  }
0x164: {  	s30 =	sshll.u32 s30, $0x7;
	s31 =	sand.u32 $0xFFFFE000, s31  }
0x165: {  	s30 =	sand.u32 $0x380, s30;
	s31 =	sadd.s32 s31, s3  }
0x166: {  	s30 =	sadd.s32 s30, s31  }
0x167: {  	s31 =	sadd.s32 $0xC20, s29;
	s30 =	sshrl.u32 s30, $0x3  }
0x168: {  	[hbm:s31@s18], [sflag:s28] =	dma.strided [spmem:s30@s18], $0x80, s17, $0x10   }
0x169: {  	(v2sf) =	vpush v3, $0xB;
	_ =	sdelay $0xe  }
0x16a: {  	s30 =	spop (v2sf)  }
0x16b: {  	s31 =	sshll.u32 s30, $0xA  }
0x16c: {  	s30 =	sshll.u32 s30, $0x7;
	s31 =	sand.u32 $0xFFFFE000, s31  }
0x16d: {  	s30 =	sand.u32 $0x380, s30;
	s31 =	sadd.s32 s31, s3  }
0x16e: {  	s30 =	sadd.s32 s30, s31  }
0x16f: {  	s31 =	sadd.s32 $0xC30, s29;
	s30 =	sshrl.u32 s30, $0x3  }
0x170: {  	[hbm:s31@s18], [sflag:s28] =	dma.strided [spmem:s30@s18], $0x80, s17, $0x10   }
0x171: {  	(v2sf) =	vpush v3, $0xC;
	_ =	sdelay $0xe  }
0x172: {  	s30 =	spop (v2sf)  }
0x173: {  	s31 =	sshll.u32 s30, $0xA  }
0x174: {  	s30 =	sshll.u32 s30, $0x7;
	s31 =	sand.u32 $0xFFFFE000, s31  }
0x175: {  	s30 =	sand.u32 $0x380, s30;
	s31 =	sadd.s32 s31, s3  }
0x176: {  	s30 =	sadd.s32 s30, s31  }
0x177: {  	s31 =	sadd.s32 $0xC40, s29;
	s30 =	sshrl.u32 s30, $0x3  }
0x178: {  	[hbm:s31@s18], [sflag:s28] =	dma.strided [spmem:s30@s18], $0x80, s17, $0x10   }
0x179: {  	(v2sf) =	vpush v3, $0xD;
	_ =	sdelay $0xe  }
0x17a: {  	s30 =	spop (v2sf)  }
0x17b: {  	s31 =	sshll.u32 s30, $0xA  }
0x17c: {  	s30 =	sshll.u32 s30, $0x7;
	s31 =	sand.u32 $0xFFFFE000, s31  }
0x17d: {  	s30 =	sand.u32 $0x380, s30;
	s31 =	sadd.s32 s31, s3  }
0x17e: {  	s30 =	sadd.s32 s30, s31  }
0x17f: {  	s31 =	sadd.s32 $0xC50, s29;
	s30 =	sshrl.u32 s30, $0x3  }
0x180: {  	[hbm:s31@s18], [sflag:s28] =	dma.strided [spmem:s30@s18], $0x80, s17, $0x10   }
0x181: {  	(v2sf) =	vpush v3, $0xE;
	_ =	sdelay $0xe  }
0x182: {  	s30 =	spop (v2sf)  }
0x183: {  	s31 =	sshll.u32 s30, $0xA  }
0x184: {  	s30 =	sshll.u32 s30, $0x7;
	s31 =	sand.u32 $0xFFFFE000, s31  }
0x185: {  	s30 =	sand.u32 $0x380, s30;
	s31 =	sadd.s32 s31, s3  }
0x186: {  	s30 =	sadd.s32 s30, s31  }
0x187: {  	s31 =	sadd.s32 $0xC60, s29;
	s30 =	sshrl.u32 s30, $0x3  }
0x188: {  	[hbm:s31@s18], [sflag:s28] =	dma.strided [spmem:s30@s18], $0x80, s17, $0x10   }
0x189: {  	(v2sf) =	vpush v3, $0xF;
	_ =	sdelay $0xe  }
0x18a: {  	s30 =	spop (v2sf)  }
0x18b: {  	s31 =	sshll.u32 s30, $0xA  }
0x18c: {  	s30 =	sshll.u32 s30, $0x7;
	s31 =	sand.u32 $0xFFFFE000, s31  }
0x18d: {  	s30 =	sand.u32 $0x380, s30;
	s31 =	sadd.s32 s31, s3  }
0x18e: {  	s30 =	sadd.s32 s30, s31  }
0x18f: {  	s31 =	sadd.s32 $0xC70, s29;
	s30 =	sshrl.u32 s30, $0x3  }
0x190: {  	[hbm:s31@s18], [sflag:s28] =	dma.strided [spmem:s30@s18], $0x80, s17, $0x10   }
0x191: {  	_ =	swait.ge [sflag:s20], $0x8000  }
0x192: {  	[sflag:s20] =	ssyncset.done $0x0  }
0x193: {  	s31 =	sadd.s32 $0x8000, s29;
	[sflag:s20] =	ssyncadd.s32 $0xFFFF8000  }
0x194: {  	[hbm4b:s31+s4] =	stream.linear.scatter [tilespmem:s16], [sflag:$0x4], $0x8000, $0x38;
	[tilespmem:$0x1FC00] =	vst v63  }
0x195: {  	v3 =	vld [tilespmem:s25+$0xFFFFFF20];
	_ =	sdelay $0x4  }
0x196: {  	(v2sf) =	vpush v3, $0x0;
	_ =	sdelay $0xe  }
0x197: {  	s30 =	spop (v2sf)  }
0x198: {  	s31 =	sshll.u32 s30, $0xA  }
0x199: {  	s30 =	sshll.u32 s30, $0x7;
	s31 =	sand.u32 $0xFFFFE000, s31  }
0x19a: {  	s30 =	sand.u32 $0x380, s30;
	s31 =	sadd.s32 s31, s3  }
0x19b: {  	s30 =	sadd.s32 s30, s31  }
0x19c: {  	s31 =	sadd.s32 $0x1000, s29;
	s30 =	sshrl.u32 s30, $0x3  }
0x19d: {  	[hbm:s31@s18], [sflag:s28] =	dma.strided [spmem:s30@s18], $0x80, s17, $0x10   }
0x19e: {  	(v2sf) =	vpush v3, $0x1;
	_ =	sdelay $0xe  }
0x19f: {  	s30 =	spop (v2sf)  }
0x1a0: {  	s31 =	sshll.u32 s30, $0xA  }
0x1a1: {  	s30 =	sshll.u32 s30, $0x7;
	s31 =	sand.u32 $0xFFFFE000, s31  }
0x1a2: {  	s30 =	sand.u32 $0x380, s30;
	s31 =	sadd.s32 s31, s3  }
0x1a3: {  	s30 =	sadd.s32 s30, s31  }
0x1a4: {  	s31 =	sadd.s32 $0x1010, s29;
	s30 =	sshrl.u32 s30, $0x3  }
0x1a5: {  	[hbm:s31@s18], [sflag:s28] =	dma.strided [spmem:s30@s18], $0x80, s17, $0x10   }
0x1a6: {  	(v2sf) =	vpush v3, $0x2;
	_ =	sdelay $0xe  }
0x1a7: {  	s30 =	spop (v2sf)  }
0x1a8: {  	s31 =	sshll.u32 s30, $0xA  }
0x1a9: {  	s30 =	sshll.u32 s30, $0x7;
	s31 =	sand.u32 $0xFFFFE000, s31  }
0x1aa: {  	s30 =	sand.u32 $0x380, s30;
	s31 =	sadd.s32 s31, s3  }
0x1ab: {  	s30 =	sadd.s32 s30, s31  }
0x1ac: {  	s31 =	sadd.s32 $0x1020, s29;
	s30 =	sshrl.u32 s30, $0x3  }
0x1ad: {  	[hbm:s31@s18], [sflag:s28] =	dma.strided [spmem:s30@s18], $0x80, s17, $0x10   }
0x1ae: {  	(v2sf) =	vpush v3, $0x3;
	_ =	sdelay $0xe  }
0x1af: {  	s30 =	spop (v2sf)  }
0x1b0: {  	s31 =	sshll.u32 s30, $0xA  }
0x1b1: {  	s30 =	sshll.u32 s30, $0x7;
	s31 =	sand.u32 $0xFFFFE000, s31  }
0x1b2: {  	s30 =	sand.u32 $0x380, s30;
	s31 =	sadd.s32 s31, s3  }
0x1b3: {  	s30 =	sadd.s32 s30, s31  }
0x1b4: {  	s31 =	sadd.s32 $0x1030, s29;
	s30 =	sshrl.u32 s30, $0x3  }
0x1b5: {  	[hbm:s31@s18], [sflag:s28] =	dma.strided [spmem:s30@s18], $0x80, s17, $0x10   }
0x1b6: {  	(v2sf) =	vpush v3, $0x4;
	_ =	sdelay $0xe  }
0x1b7: {  	s30 =	spop (v2sf)  }
0x1b8: {  	s31 =	sshll.u32 s30, $0xA  }
0x1b9: {  	s30 =	sshll.u32 s30, $0x7;
	s31 =	sand.u32 $0xFFFFE000, s31  }
0x1ba: {  	s30 =	sand.u32 $0x380, s30;
	s31 =	sadd.s32 s31, s3  }
0x1bb: {  	s30 =	sadd.s32 s30, s31  }
0x1bc: {  	s31 =	sadd.s32 $0x1040, s29;
	s30 =	sshrl.u32 s30, $0x3  }
0x1bd: {  	[hbm:s31@s18], [sflag:s28] =	dma.strided [spmem:s30@s18], $0x80, s17, $0x10   }
0x1be: {  	(v2sf) =	vpush v3, $0x5;
	_ =	sdelay $0xe  }
0x1bf: {  	s30 =	spop (v2sf)  }
0x1c0: {  	s31 =	sshll.u32 s30, $0xA  }
0x1c1: {  	s30 =	sshll.u32 s30, $0x7;
	s31 =	sand.u32 $0xFFFFE000, s31  }
0x1c2: {  	s30 =	sand.u32 $0x380, s30;
	s31 =	sadd.s32 s31, s3  }
0x1c3: {  	s30 =	sadd.s32 s30, s31  }
0x1c4: {  	s31 =	sadd.s32 $0x1050, s29;
	s30 =	sshrl.u32 s30, $0x3  }
0x1c5: {  	[hbm:s31@s18], [sflag:s28] =	dma.strided [spmem:s30@s18], $0x80, s17, $0x10   }
0x1c6: {  	(v2sf) =	vpush v3, $0x6;
	_ =	sdelay $0xe  }
0x1c7: {  	s30 =	spop (v2sf)  }
0x1c8: {  	s31 =	sshll.u32 s30, $0xA  }
0x1c9: {  	s30 =	sshll.u32 s30, $0x7;
	s31 =	sand.u32 $0xFFFFE000, s31  }
0x1ca: {  	s30 =	sand.u32 $0x380, s30;
	s31 =	sadd.s32 s31, s3  }
0x1cb: {  	s30 =	sadd.s32 s30, s31  }
0x1cc: {  	s31 =	sadd.s32 $0x1060, s29;
	s30 =	sshrl.u32 s30, $0x3  }
0x1cd: {  	[hbm:s31@s18], [sflag:s28] =	dma.strided [spmem:s30@s18], $0x80, s17, $0x10   }
0x1ce: {  	(v2sf) =	vpush v3, $0x7;
	_ =	sdelay $0xe  }
0x1cf: {  	s30 =	spop (v2sf)  }
0x1d0: {  	s31 =	sshll.u32 s30, $0xA  }
0x1d1: {  	s30 =	sshll.u32 s30, $0x7;
	s31 =	sand.u32 $0xFFFFE000, s31  }
0x1d2: {  	s30 =	sand.u32 $0x380, s30;
	s31 =	sadd.s32 s31, s3  }
0x1d3: {  	s30 =	sadd.s32 s30, s31  }
0x1d4: {  	s31 =	sadd.s32 $0x1070, s29;
	s30 =	sshrl.u32 s30, $0x3  }
0x1d5: {  	[hbm:s31@s18], [sflag:s28] =	dma.strided [spmem:s30@s18], $0x80, s17, $0x10   }
0x1d6: {  	(v2sf) =	vpush v3, $0x8;
	_ =	sdelay $0xe  }
0x1d7: {  	s30 =	spop (v2sf)  }
0x1d8: {  	s31 =	sshll.u32 s30, $0xA  }
0x1d9: {  	s30 =	sshll.u32 s30, $0x7;
	s31 =	sand.u32 $0xFFFFE000, s31  }
0x1da: {  	s30 =	sand.u32 $0x380, s30;
	s31 =	sadd.s32 s31, s3  }
0x1db: {  	s30 =	sadd.s32 s30, s31  }
0x1dc: {  	s31 =	sadd.s32 $0x1400, s29;
	s30 =	sshrl.u32 s30, $0x3  }
0x1dd: {  	[hbm:s31@s18], [sflag:s28] =	dma.strided [spmem:s30@s18], $0x80, s17, $0x10   }
0x1de: {  	(v2sf) =	vpush v3, $0x9;
	_ =	sdelay $0xe  }
0x1df: {  	s30 =	spop (v2sf)  }
0x1e0: {  	s31 =	sshll.u32 s30, $0xA  }
0x1e1: {  	s30 =	sshll.u32 s30, $0x7;
	s31 =	sand.u32 $0xFFFFE000, s31  }
0x1e2: {  	s30 =	sand.u32 $0x380, s30;
	s31 =	sadd.s32 s31, s3  }
0x1e3: {  	s30 =	sadd.s32 s30, s31  }
0x1e4: {  	s31 =	sadd.s32 $0x1410, s29;
	s30 =	sshrl.u32 s30, $0x3  }
0x1e5: {  	[hbm:s31@s18], [sflag:s28] =	dma.strided [spmem:s30@s18], $0x80, s17, $0x10   }
0x1e6: {  	(v2sf) =	vpush v3, $0xA;
	_ =	sdelay $0xe  }
0x1e7: {  	s30 =	spop (v2sf)  }
0x1e8: {  	s31 =	sshll.u32 s30, $0xA  }
0x1e9: {  	s30 =	sshll.u32 s30, $0x7;
	s31 =	sand.u32 $0xFFFFE000, s31  }
0x1ea: {  	s30 =	sand.u32 $0x380, s30;
	s31 =	sadd.s32 s31, s3  }
0x1eb: {  	s30 =	sadd.s32 s30, s31  }
0x1ec: {  	s31 =	sadd.s32 $0x1420, s29;
	s30 =	sshrl.u32 s30, $0x3  }
0x1ed: {  	[hbm:s31@s18], [sflag:s28] =	dma.strided [spmem:s30@s18], $0x80, s17, $0x10   }
0x1ee: {  	(v2sf) =	vpush v3, $0xB;
	_ =	sdelay $0xe  }
0x1ef: {  	s30 =	spop (v2sf)  }
0x1f0: {  	s31 =	sshll.u32 s30, $0xA  }
0x1f1: {  	s30 =	sshll.u32 s30, $0x7;
	s31 =	sand.u32 $0xFFFFE000, s31  }
0x1f2: {  	s30 =	sand.u32 $0x380, s30;
	s31 =	sadd.s32 s31, s3  }
0x1f3: {  	s30 =	sadd.s32 s30, s31  }
0x1f4: {  	s31 =	sadd.s32 $0x1430, s29;
	s30 =	sshrl.u32 s30, $0x3  }
0x1f5: {  	[hbm:s31@s18], [sflag:s28] =	dma.strided [spmem:s30@s18], $0x80, s17, $0x10   }
0x1f6: {  	(v2sf) =	vpush v3, $0xC;
	_ =	sdelay $0xe  }
0x1f7: {  	s30 =	spop (v2sf)  }
0x1f8: {  	s31 =	sshll.u32 s30, $0xA  }
0x1f9: {  	s30 =	sshll.u32 s30, $0x7;
	s31 =	sand.u32 $0xFFFFE000, s31  }
0x1fa: {  	s30 =	sand.u32 $0x380, s30;
	s31 =	sadd.s32 s31, s3  }
0x1fb: {  	s30 =	sadd.s32 s30, s31  }
0x1fc: {  	s31 =	sadd.s32 $0x1440, s29;
	s30 =	sshrl.u32 s30, $0x3  }
0x1fd: {  	[hbm:s31@s18], [sflag:s28] =	dma.strided [spmem:s30@s18], $0x80, s17, $0x10   }
0x1fe: {  	(v2sf) =	vpush v3, $0xD;
	_ =	sdelay $0xe  }
0x1ff: {  	s30 =	spop (v2sf)  }
0x200: {  	s31 =	sshll.u32 s30, $0xA  }
0x201: {  	s30 =	sshll.u32 s30, $0x7;
	s31 =	sand.u32 $0xFFFFE000, s31  }
0x202: {  	s30 =	sand.u32 $0x380, s30;
	s31 =	sadd.s32 s31, s3  }
0x203: {  	s30 =	sadd.s32 s30, s31  }
0x204: {  	s31 =	sadd.s32 $0x1450, s29;
	s30 =	sshrl.u32 s30, $0x3  }
0x205: {  	[hbm:s31@s18], [sflag:s28] =	dma.strided [spmem:s30@s18], $0x80, s17, $0x10   }
0x206: {  	(v2sf) =	vpush v3, $0xE;
	_ =	sdelay $0xe  }
0x207: {  	s30 =	spop (v2sf)  }
0x208: {  	s31 =	sshll.u32 s30, $0xA  }
0x209: {  	s30 =	sshll.u32 s30, $0x7;
	s31 =	sand.u32 $0xFFFFE000, s31  }
0x20a: {  	s30 =	sand.u32 $0x380, s30;
	s31 =	sadd.s32 s31, s3  }
0x20b: {  	s30 =	sadd.s32 s30, s31  }
0x20c: {  	s31 =	sadd.s32 $0x1460, s29;
	s30 =	sshrl.u32 s30, $0x3  }
0x20d: {  	[hbm:s31@s18], [sflag:s28] =	dma.strided [spmem:s30@s18], $0x80, s17, $0x10   }
0x20e: {  	(v2sf) =	vpush v3, $0xF;
	_ =	sdelay $0xe  }
0x20f: {  	s30 =	spop (v2sf)  }
0x210: {  	s31 =	sshll.u32 s30, $0xA  }
0x211: {  	s30 =	sshll.u32 s30, $0x7;
	s31 =	sand.u32 $0xFFFFE000, s31  }
0x212: {  	s30 =	sand.u32 $0x380, s30;
	s31 =	sadd.s32 s31, s3  }
0x213: {  	s30 =	sadd.s32 s30, s31  }
0x214: {  	s31 =	sadd.s32 $0x1470, s29;
	s30 =	sshrl.u32 s30, $0x3  }
0x215: {  	[hbm:s31@s18], [sflag:s28] =	dma.strided [spmem:s30@s18], $0x80, s17, $0x10   }
0x216: {  	_ =	swait.ge [sflag:s21], $0x8000  }
0x217: {  	[sflag:s21] =	ssyncset.done $0x0  }
0x218: {  	s31 =	sadd.s32 $0x9000, s29;
	[sflag:s21] =	ssyncadd.s32 $0xFFFF8000  }
0x219: {  	[hbm4b:s31+s4] =	stream.linear.scatter [tilespmem:s19], [sflag:$0x5], $0x8000, $0x38;
	[tilespmem:$0x1FC00] =	vst v63  }
0x21a: {  	v3 =	vld [tilespmem:s25+$0xFFFFFF30];
	_ =	sdelay $0x4  }
0x21b: {  	(v2sf) =	vpush v3, $0x0;
	_ =	sdelay $0xe  }
0x21c: {  	s30 =	spop (v2sf)  }
0x21d: {  	s31 =	sshll.u32 s30, $0xA  }
0x21e: {  	s30 =	sshll.u32 s30, $0x7;
	s31 =	sand.u32 $0xFFFFE000, s31  }
0x21f: {  	s30 =	sand.u32 $0x380, s30;
	s31 =	sadd.s32 s31, s3  }
0x220: {  	s30 =	sadd.s32 s30, s31  }
0x221: {  	s31 =	sadd.s32 $0x1800, s29;
	s30 =	sshrl.u32 s30, $0x3  }
0x222: {  	[hbm:s31@s18], [sflag:s28] =	dma.strided [spmem:s30@s18], $0x80, s17, $0x10   }
0x223: {  	(v2sf) =	vpush v3, $0x1;
	_ =	sdelay $0xe  }
0x224: {  	s30 =	spop (v2sf)  }
0x225: {  	s31 =	sshll.u32 s30, $0xA  }
0x226: {  	s30 =	sshll.u32 s30, $0x7;
	s31 =	sand.u32 $0xFFFFE000, s31  }
0x227: {  	s30 =	sand.u32 $0x380, s30;
	s31 =	sadd.s32 s31, s3  }
0x228: {  	s30 =	sadd.s32 s30, s31  }
0x229: {  	s31 =	sadd.s32 $0x1810, s29;
	s30 =	sshrl.u32 s30, $0x3  }
0x22a: {  	[hbm:s31@s18], [sflag:s28] =	dma.strided [spmem:s30@s18], $0x80, s17, $0x10   }
0x22b: {  	(v2sf) =	vpush v3, $0x2;
	_ =	sdelay $0xe  }
0x22c: {  	s30 =	spop (v2sf)  }
0x22d: {  	s31 =	sshll.u32 s30, $0xA  }
0x22e: {  	s30 =	sshll.u32 s30, $0x7;
	s31 =	sand.u32 $0xFFFFE000, s31  }
0x22f: {  	s30 =	sand.u32 $0x380, s30;
	s31 =	sadd.s32 s31, s3  }
0x230: {  	s30 =	sadd.s32 s30, s31  }
0x231: {  	s31 =	sadd.s32 $0x1820, s29;
	s30 =	sshrl.u32 s30, $0x3  }
0x232: {  	[hbm:s31@s18], [sflag:s28] =	dma.strided [spmem:s30@s18], $0x80, s17, $0x10   }
0x233: {  	(v2sf) =	vpush v3, $0x3;
	_ =	sdelay $0xe  }
0x234: {  	s30 =	spop (v2sf)  }
0x235: {  	s31 =	sshll.u32 s30, $0xA  }
0x236: {  	s30 =	sshll.u32 s30, $0x7;
	s31 =	sand.u32 $0xFFFFE000, s31  }
0x237: {  	s30 =	sand.u32 $0x380, s30;
	s31 =	sadd.s32 s31, s3  }
0x238: {  	s30 =	sadd.s32 s30, s31  }
0x239: {  	s31 =	sadd.s32 $0x1830, s29;
	s30 =	sshrl.u32 s30, $0x3  }
0x23a: {  	[hbm:s31@s18], [sflag:s28] =	dma.strided [spmem:s30@s18], $0x80, s17, $0x10   }
0x23b: {  	(v2sf) =	vpush v3, $0x4;
	_ =	sdelay $0xe  }
0x23c: {  	s30 =	spop (v2sf)  }
0x23d: {  	s31 =	sshll.u32 s30, $0xA  }
0x23e: {  	s30 =	sshll.u32 s30, $0x7;
	s31 =	sand.u32 $0xFFFFE000, s31  }
0x23f: {  	s30 =	sand.u32 $0x380, s30;
	s31 =	sadd.s32 s31, s3  }
0x240: {  	s30 =	sadd.s32 s30, s31  }
0x241: {  	s31 =	sadd.s32 $0x1840, s29;
	s30 =	sshrl.u32 s30, $0x3  }
0x242: {  	[hbm:s31@s18], [sflag:s28] =	dma.strided [spmem:s30@s18], $0x80, s17, $0x10   }
0x243: {  	(v2sf) =	vpush v3, $0x5;
	_ =	sdelay $0xe  }
0x244: {  	s30 =	spop (v2sf)  }
0x245: {  	s31 =	sshll.u32 s30, $0xA  }
0x246: {  	s30 =	sshll.u32 s30, $0x7;
	s31 =	sand.u32 $0xFFFFE000, s31  }
0x247: {  	s30 =	sand.u32 $0x380, s30;
	s31 =	sadd.s32 s31, s3  }
0x248: {  	s30 =	sadd.s32 s30, s31  }
0x249: {  	s31 =	sadd.s32 $0x1850, s29;
	s30 =	sshrl.u32 s30, $0x3  }
0x24a: {  	[hbm:s31@s18], [sflag:s28] =	dma.strided [spmem:s30@s18], $0x80, s17, $0x10   }
0x24b: {  	(v2sf) =	vpush v3, $0x6;
	_ =	sdelay $0xe  }
0x24c: {  	s30 =	spop (v2sf)  }
0x24d: {  	s31 =	sshll.u32 s30, $0xA  }
0x24e: {  	s30 =	sshll.u32 s30, $0x7;
	s31 =	sand.u32 $0xFFFFE000, s31  }
0x24f: {  	s30 =	sand.u32 $0x380, s30;
	s31 =	sadd.s32 s31, s3  }
0x250: {  	s30 =	sadd.s32 s30, s31  }
0x251: {  	s31 =	sadd.s32 $0x1860, s29;
	s30 =	sshrl.u32 s30, $0x3  }
0x252: {  	[hbm:s31@s18], [sflag:s28] =	dma.strided [spmem:s30@s18], $0x80, s17, $0x10   }
0x253: {  	(v2sf) =	vpush v3, $0x7;
	_ =	sdelay $0xe  }
0x254: {  	s30 =	spop (v2sf)  }
0x255: {  	s31 =	sshll.u32 s30, $0xA  }
0x256: {  	s30 =	sshll.u32 s30, $0x7;
	s31 =	sand.u32 $0xFFFFE000, s31  }
0x257: {  	s30 =	sand.u32 $0x380, s30;
	s31 =	sadd.s32 s31, s3  }
0x258: {  	s30 =	sadd.s32 s30, s31  }
0x259: {  	s31 =	sadd.s32 $0x1870, s29;
	s30 =	sshrl.u32 s30, $0x3  }
0x25a: {  	[hbm:s31@s18], [sflag:s28] =	dma.strided [spmem:s30@s18], $0x80, s17, $0x10   }
0x25b: {  	(v2sf) =	vpush v3, $0x8;
	_ =	sdelay $0xe  }
0x25c: {  	s30 =	spop (v2sf)  }
0x25d: {  	s31 =	sshll.u32 s30, $0xA  }
0x25e: {  	s30 =	sshll.u32 s30, $0x7;
	s31 =	sand.u32 $0xFFFFE000, s31  }
0x25f: {  	s30 =	sand.u32 $0x380, s30;
	s31 =	sadd.s32 s31, s3  }
0x260: {  	s30 =	sadd.s32 s30, s31  }
0x261: {  	s31 =	sadd.s32 $0x1C00, s29;
	s30 =	sshrl.u32 s30, $0x3  }
0x262: {  	[hbm:s31@s18], [sflag:s28] =	dma.strided [spmem:s30@s18], $0x80, s17, $0x10   }
0x263: {  	(v2sf) =	vpush v3, $0x9;
	_ =	sdelay $0xe  }
0x264: {  	s30 =	spop (v2sf)  }
0x265: {  	s31 =	sshll.u32 s30, $0xA  }
0x266: {  	s30 =	sshll.u32 s30, $0x7;
	s31 =	sand.u32 $0xFFFFE000, s31  }
0x267: {  	s30 =	sand.u32 $0x380, s30;
	s31 =	sadd.s32 s31, s3  }
0x268: {  	s30 =	sadd.s32 s30, s31  }
0x269: {  	s31 =	sadd.s32 $0x1C10, s29;
	s30 =	sshrl.u32 s30, $0x3  }
0x26a: {  	[hbm:s31@s18], [sflag:s28] =	dma.strided [spmem:s30@s18], $0x80, s17, $0x10   }
0x26b: {  	(v2sf) =	vpush v3, $0xA;
	_ =	sdelay $0xe  }
0x26c: {  	s30 =	spop (v2sf)  }
0x26d: {  	s31 =	sshll.u32 s30, $0xA  }
0x26e: {  	s30 =	sshll.u32 s30, $0x7;
	s31 =	sand.u32 $0xFFFFE000, s31  }
0x26f: {  	s30 =	sand.u32 $0x380, s30;
	s31 =	sadd.s32 s31, s3  }
0x270: {  	s30 =	sadd.s32 s30, s31  }
0x271: {  	s31 =	sadd.s32 $0x1C20, s29;
	s30 =	sshrl.u32 s30, $0x3  }
0x272: {  	[hbm:s31@s18], [sflag:s28] =	dma.strided [spmem:s30@s18], $0x80, s17, $0x10   }
0x273: {  	(v2sf) =	vpush v3, $0xB;
	_ =	sdelay $0xe  }
0x274: {  	s30 =	spop (v2sf)  }
0x275: {  	s31 =	sshll.u32 s30, $0xA  }
0x276: {  	s30 =	sshll.u32 s30, $0x7;
	s31 =	sand.u32 $0xFFFFE000, s31  }
0x277: {  	s30 =	sand.u32 $0x380, s30;
	s31 =	sadd.s32 s31, s3  }
0x278: {  	s30 =	sadd.s32 s30, s31  }
0x279: {  	s31 =	sadd.s32 $0x1C30, s29;
	s30 =	sshrl.u32 s30, $0x3  }
0x27a: {  	[hbm:s31@s18], [sflag:s28] =	dma.strided [spmem:s30@s18], $0x80, s17, $0x10   }
0x27b: {  	(v2sf) =	vpush v3, $0xC;
	_ =	sdelay $0xe  }
0x27c: {  	s30 =	spop (v2sf)  }
0x27d: {  	s31 =	sshll.u32 s30, $0xA  }
0x27e: {  	s30 =	sshll.u32 s30, $0x7;
	s31 =	sand.u32 $0xFFFFE000, s31  }
0x27f: {  	s30 =	sand.u32 $0x380, s30;
	s31 =	sadd.s32 s31, s3  }
0x280: {  	s30 =	sadd.s32 s30, s31  }
0x281: {  	s31 =	sadd.s32 $0x1C40, s29;
	s30 =	sshrl.u32 s30, $0x3  }
0x282: {  	[hbm:s31@s18], [sflag:s28] =	dma.strided [spmem:s30@s18], $0x80, s17, $0x10   }
0x283: {  	(v2sf) =	vpush v3, $0xD;
	_ =	sdelay $0xe  }
0x284: {  	s30 =	spop (v2sf)  }
0x285: {  	s31 =	sshll.u32 s30, $0xA  }
0x286: {  	s30 =	sshll.u32 s30, $0x7;
	s31 =	sand.u32 $0xFFFFE000, s31  }
0x287: {  	s30 =	sand.u32 $0x380, s30;
	s31 =	sadd.s32 s31, s3  }
0x288: {  	s30 =	sadd.s32 s30, s31  }
0x289: {  	s31 =	sadd.s32 $0x1C50, s29;
	s30 =	sshrl.u32 s30, $0x3  }
0x28a: {  	[hbm:s31@s18], [sflag:s28] =	dma.strided [spmem:s30@s18], $0x80, s17, $0x10   }
0x28b: {  	(v2sf) =	vpush v3, $0xE;
	_ =	sdelay $0xe  }
0x28c: {  	s30 =	spop (v2sf)  }
0x28d: {  	s31 =	sshll.u32 s30, $0xA  }
0x28e: {  	s30 =	sshll.u32 s30, $0x7;
	s31 =	sand.u32 $0xFFFFE000, s31  }
0x28f: {  	s30 =	sand.u32 $0x380, s30;
	s31 =	sadd.s32 s31, s3  }
0x290: {  	s30 =	sadd.s32 s30, s31  }
0x291: {  	s31 =	sadd.s32 $0x1C60, s29;
	s30 =	sshrl.u32 s30, $0x3  }
0x292: {  	[hbm:s31@s18], [sflag:s28] =	dma.strided [spmem:s30@s18], $0x80, s17, $0x10   }
0x293: {  	(v2sf) =	vpush v3, $0xF;
	_ =	sdelay $0xe  }
0x294: {  	s30 =	spop (v2sf)  }
0x295: {  	s31 =	sshll.u32 s30, $0xA  }
0x296: {  	s30 =	sshll.u32 s30, $0x7;
	s31 =	sand.u32 $0xFFFFE000, s31  }
0x297: {  	s30 =	sand.u32 $0x380, s30;
	s31 =	sadd.s32 s31, s3  }
0x298: {  	s30 =	sadd.s32 s30, s31  }
0x299: {  	s29 =	sadd.s32 $0x1C70, s29;
	s30 =	sshrl.u32 s30, $0x3  }
0x29a: {  	[hbm:s29@s18], [sflag:s28] =	dma.strided [spmem:s30@s18], $0x80, s17, $0x10   }
0x29b: {  	_ =	swait.ge [sflag:s17], $0x80  }
0x29c: {  	[sflag:s17] =	ssyncset.done $0x0  }
0x29d: {  	[sflag:s17] =	ssyncadd.s32 $0xFFFFFF80  }
0x29e: {  	_ =	swait.ge [sflag:s17], $0x80  }
0x29f: {  	[sflag:s17] =	ssyncset.done $0x0  }
0x2a0: {  	[sflag:s17] =	ssyncadd.s32 $0xFFFFFF80  }
0x2a1: {  	_ =	swait.ge [sflag:s17], $0x80  }
0x2a2: {  	[sflag:s17] =	ssyncset.done $0x0  }
0x2a3: {  	[sflag:s17] =	ssyncadd.s32 $0xFFFFFF80  }
0x2a4: {  	_ =	swait.ge [sflag:s17], $0x80  }
0x2a5: {  	[sflag:s17] =	ssyncset.done $0x0  }
0x2a6: {  	[sflag:s17] =	ssyncadd.s32 $0xFFFFFF80  }
0x2a7: {  	_ =	swait.ge [sflag:s17], $0x80  }
0x2a8: {  	[sflag:s17] =	ssyncset.done $0x0  }
0x2a9: {  	[sflag:s17] =	ssyncadd.s32 $0xFFFFFF80  }
0x2aa: {  	_ =	swait.ge [sflag:s17], $0x80  }
0x2ab: {  	[sflag:s17] =	ssyncset.done $0x0  }
0x2ac: {  	[sflag:s17] =	ssyncadd.s32 $0xFFFFFF80  }
0x2ad: {  	_ =	swait.ge [sflag:s17], $0x80  }
0x2ae: {  	[sflag:s17] =	ssyncset.done $0x0  }
0x2af: {  	[sflag:s17] =	ssyncadd.s32 $0xFFFFFF80  }
0x2b0: {  	_ =	swait.ge [sflag:s17], $0x80  }
0x2b1: {  	[sflag:s17] =	ssyncset.done $0x0  }
0x2b2: {  	[sflag:s17] =	ssyncadd.s32 $0xFFFFFF80  }
0x2b3: {  	_ =	swait.ge [sflag:s17], $0x80  }
0x2b4: {  	[sflag:s17] =	ssyncset.done $0x0  }
0x2b5: {  	[sflag:s17] =	ssyncadd.s32 $0xFFFFFF80  }
0x2b6: {  	_ =	swait.ge [sflag:s17], $0x80  }
0x2b7: {  	[sflag:s17] =	ssyncset.done $0x0  }
0x2b8: {  	[sflag:s17] =	ssyncadd.s32 $0xFFFFFF80  }
0x2b9: {  	_ =	swait.ge [sflag:s17], $0x80  }
0x2ba: {  	[sflag:s17] =	ssyncset.done $0x0  }
0x2bb: {  	[sflag:s17] =	ssyncadd.s32 $0xFFFFFF80  }
0x2bc: {  	_ =	swait.ge [sflag:s17], $0x80  }
0x2bd: {  	[sflag:s17] =	ssyncset.done $0x0  }
0x2be: {  	[sflag:s17] =	ssyncadd.s32 $0xFFFFFF80  }
0x2bf: {  	_ =	swait.ge [sflag:s17], $0x80  }
0x2c0: {  	[sflag:s17] =	ssyncset.done $0x0  }
0x2c1: {  	[sflag:s17] =	ssyncadd.s32 $0xFFFFFF80  }
0x2c2: {  	_ =	swait.ge [sflag:s17], $0x80  }
0x2c3: {  	[sflag:s17] =	ssyncset.done $0x0  }
0x2c4: {  	[sflag:s17] =	ssyncadd.s32 $0xFFFFFF80  }
0x2c5: {  	_ =	swait.ge [sflag:s17], $0x80  }
0x2c6: {  	[sflag:s17] =	ssyncset.done $0x0  }
0x2c7: {  	[sflag:s17] =	ssyncadd.s32 $0xFFFFFF80  }
0x2c8: {  	_ =	swait.ge [sflag:s17], $0x80  }
0x2c9: {  	[sflag:s17] =	ssyncset.done $0x0  }
0x2ca: {  	[sflag:s17] =	ssyncadd.s32 $0xFFFFFF80  }
0x2cb: {  	_ =	swait.ge [sflag:s17], $0x80  }
0x2cc: {  	[sflag:s17] =	ssyncset.done $0x0  }
0x2cd: {  	[sflag:s17] =	ssyncadd.s32 $0xFFFFFF80  }
0x2ce: {  	_ =	swait.ge [sflag:s17], $0x80  }
0x2cf: {  	[sflag:s17] =	ssyncset.done $0x0  }
0x2d0: {  	[sflag:s17] =	ssyncadd.s32 $0xFFFFFF80  }
0x2d1: {  	_ =	swait.ge [sflag:s17], $0x80  }
0x2d2: {  	[sflag:s17] =	ssyncset.done $0x0  }
0x2d3: {  	[sflag:s17] =	ssyncadd.s32 $0xFFFFFF80  }
0x2d4: {  	_ =	swait.ge [sflag:s17], $0x80  }
0x2d5: {  	[sflag:s17] =	ssyncset.done $0x0  }
0x2d6: {  	[sflag:s17] =	ssyncadd.s32 $0xFFFFFF80  }
0x2d7: {  	_ =	swait.ge [sflag:s17], $0x80  }
0x2d8: {  	[sflag:s17] =	ssyncset.done $0x0  }
0x2d9: {  	[sflag:s17] =	ssyncadd.s32 $0xFFFFFF80  }
0x2da: {  	_ =	swait.ge [sflag:s17], $0x80  }
0x2db: {  	[sflag:s17] =	ssyncset.done $0x0  }
0x2dc: {  	[sflag:s17] =	ssyncadd.s32 $0xFFFFFF80  }
0x2dd: {  	_ =	swait.ge [sflag:s17], $0x80  }
0x2de: {  	[sflag:s17] =	ssyncset.done $0x0  }
0x2df: {  	[sflag:s17] =	ssyncadd.s32 $0xFFFFFF80  }
0x2e0: {  	_ =	swait.ge [sflag:s17], $0x80  }
0x2e1: {  	[sflag:s17] =	ssyncset.done $0x0  }
0x2e2: {  	[sflag:s17] =	ssyncadd.s32 $0xFFFFFF80  }
0x2e3: {  	_ =	swait.ge [sflag:s17], $0x80  }
0x2e4: {  	[sflag:s17] =	ssyncset.done $0x0  }
0x2e5: {  	[sflag:s17] =	ssyncadd.s32 $0xFFFFFF80  }
0x2e6: {  	_ =	swait.ge [sflag:s17], $0x80  }
0x2e7: {  	[sflag:s17] =	ssyncset.done $0x0  }
0x2e8: {  	[sflag:s17] =	ssyncadd.s32 $0xFFFFFF80  }
0x2e9: {  	_ =	swait.ge [sflag:s17], $0x80  }
0x2ea: {  	[sflag:s17] =	ssyncset.done $0x0  }
0x2eb: {  	[sflag:s17] =	ssyncadd.s32 $0xFFFFFF80  }
0x2ec: {  	_ =	swait.ge [sflag:s17], $0x80  }
0x2ed: {  	[sflag:s17] =	ssyncset.done $0x0  }
0x2ee: {  	[sflag:s17] =	ssyncadd.s32 $0xFFFFFF80  }
0x2ef: {  	_ =	swait.ge [sflag:s17], $0x80  }
0x2f0: {  	[sflag:s17] =	ssyncset.done $0x0  }
0x2f1: {  	[sflag:s17] =	ssyncadd.s32 $0xFFFFFF80  }
0x2f2: {  	_ =	swait.ge [sflag:s17], $0x80  }
0x2f3: {  	[sflag:s17] =	ssyncset.done $0x0  }
0x2f4: {  	[sflag:s17] =	ssyncadd.s32 $0xFFFFFF80  }
0x2f5: {  	_ =	swait.ge [sflag:s17], $0x80  }
0x2f6: {  	[sflag:s17] =	ssyncset.done $0x0  }
0x2f7: {  	[sflag:s17] =	ssyncadd.s32 $0xFFFFFF80  }
0x2f8: {  	_ =	swait.ge [sflag:s17], $0x80  }
0x2f9: {  	[sflag:s17] =	ssyncset.done $0x0  }
0x2fa: {  	[sflag:s17] =	ssyncadd.s32 $0xFFFFFF80  }
0x2fb: {  	_ =	swait.ge [sflag:s17], $0x80  }
0x2fc: {  	[sflag:s17] =	ssyncset.done $0x0  }
0x2fd: {  	[sflag:s17] =	ssyncadd.s32 $0xFFFFFF80  }
0x2fe: {  	_ =	swait.ge [sflag:s17], $0x80  }
0x2ff: {  	[sflag:s17] =	ssyncset.done $0x0  }
0x300: {  	[sflag:s17] =	ssyncadd.s32 $0xFFFFFF80  }
0x301: {  	_ =	swait.ge [sflag:s17], $0x80  }
0x302: {  	[sflag:s17] =	ssyncset.done $0x0  }
0x303: {  	[sflag:s17] =	ssyncadd.s32 $0xFFFFFF80  }
0x304: {  	_ =	swait.ge [sflag:s17], $0x80  }
0x305: {  	[sflag:s17] =	ssyncset.done $0x0  }
0x306: {  	[sflag:s17] =	ssyncadd.s32 $0xFFFFFF80  }
0x307: {  	_ =	swait.ge [sflag:s17], $0x80  }
0x308: {  	[sflag:s17] =	ssyncset.done $0x0  }
0x309: {  	[sflag:s17] =	ssyncadd.s32 $0xFFFFFF80  }
0x30a: {  	_ =	swait.ge [sflag:s17], $0x80  }
0x30b: {  	[sflag:s17] =	ssyncset.done $0x0  }
0x30c: {  	[sflag:s17] =	ssyncadd.s32 $0xFFFFFF80  }
0x30d: {  	_ =	swait.ge [sflag:s17], $0x80  }
0x30e: {  	[sflag:s17] =	ssyncset.done $0x0  }
0x30f: {  	[sflag:s17] =	ssyncadd.s32 $0xFFFFFF80  }
0x310: {  	_ =	swait.ge [sflag:s17], $0x80  }
0x311: {  	[sflag:s17] =	ssyncset.done $0x0  }
0x312: {  	[sflag:s17] =	ssyncadd.s32 $0xFFFFFF80  }
0x313: {  	_ =	swait.ge [sflag:s17], $0x80  }
0x314: {  	[sflag:s17] =	ssyncset.done $0x0  }
0x315: {  	[sflag:s17] =	ssyncadd.s32 $0xFFFFFF80  }
0x316: {  	_ =	swait.ge [sflag:s17], $0x80  }
0x317: {  	[sflag:s17] =	ssyncset.done $0x0  }
0x318: {  	[sflag:s17] =	ssyncadd.s32 $0xFFFFFF80  }
0x319: {  	_ =	swait.ge [sflag:s17], $0x80  }
0x31a: {  	[sflag:s17] =	ssyncset.done $0x0  }
0x31b: {  	[sflag:s17] =	ssyncadd.s32 $0xFFFFFF80  }
0x31c: {  	_ =	swait.ge [sflag:s17], $0x80  }
0x31d: {  	[sflag:s17] =	ssyncset.done $0x0  }
0x31e: {  	[sflag:s17] =	ssyncadd.s32 $0xFFFFFF80  }
0x31f: {  	_ =	swait.ge [sflag:s17], $0x80  }
0x320: {  	[sflag:s17] =	ssyncset.done $0x0  }
0x321: {  	[sflag:s17] =	ssyncadd.s32 $0xFFFFFF80  }
0x322: {  	_ =	swait.ge [sflag:s17], $0x80  }
0x323: {  	[sflag:s17] =	ssyncset.done $0x0  }
0x324: {  	[sflag:s17] =	ssyncadd.s32 $0xFFFFFF80  }
0x325: {  	_ =	swait.ge [sflag:s17], $0x80  }
0x326: {  	[sflag:s17] =	ssyncset.done $0x0  }
0x327: {  	[sflag:s17] =	ssyncadd.s32 $0xFFFFFF80  }
0x328: {  	_ =	swait.ge [sflag:s17], $0x80  }
0x329: {  	[sflag:s17] =	ssyncset.done $0x0  }
0x32a: {  	[sflag:s17] =	ssyncadd.s32 $0xFFFFFF80  }
0x32b: {  	_ =	swait.ge [sflag:s17], $0x80  }
0x32c: {  	[sflag:s17] =	ssyncset.done $0x0  }
0x32d: {  	[sflag:s17] =	ssyncadd.s32 $0xFFFFFF80  }
0x32e: {  	_ =	swait.ge [sflag:s17], $0x80  }
0x32f: {  	[sflag:s17] =	ssyncset.done $0x0  }
0x330: {  	[sflag:s17] =	ssyncadd.s32 $0xFFFFFF80  }
0x331: {  	_ =	swait.ge [sflag:s17], $0x80  }
0x332: {  	[sflag:s17] =	ssyncset.done $0x0  }
0x333: {  	[sflag:s17] =	ssyncadd.s32 $0xFFFFFF80  }
0x334: {  	_ =	swait.ge [sflag:s17], $0x80  }
0x335: {  	[sflag:s17] =	ssyncset.done $0x0  }
0x336: {  	[sflag:s17] =	ssyncadd.s32 $0xFFFFFF80  }
0x337: {  	_ =	swait.ge [sflag:s17], $0x80  }
0x338: {  	[sflag:s17] =	ssyncset.done $0x0  }
0x339: {  	[sflag:s17] =	ssyncadd.s32 $0xFFFFFF80  }
0x33a: {  	_ =	swait.ge [sflag:s17], $0x80  }
0x33b: {  	[sflag:s17] =	ssyncset.done $0x0  }
0x33c: {  	[sflag:s17] =	ssyncadd.s32 $0xFFFFFF80  }
0x33d: {  	_ =	swait.ge [sflag:s17], $0x80  }
0x33e: {  	[sflag:s17] =	ssyncset.done $0x0  }
0x33f: {  	[sflag:s17] =	ssyncadd.s32 $0xFFFFFF80  }
0x340: {  	_ =	swait.ge [sflag:s17], $0x80  }
0x341: {  	[sflag:s17] =	ssyncset.done $0x0  }
0x342: {  	[sflag:s17] =	ssyncadd.s32 $0xFFFFFF80  }
0x343: {  	_ =	swait.ge [sflag:s17], $0x80  }
0x344: {  	[sflag:s17] =	ssyncset.done $0x0  }
0x345: {  	[sflag:s17] =	ssyncadd.s32 $0xFFFFFF80  }
0x346: {  	_ =	swait.ge [sflag:s17], $0x80  }
0x347: {  	[sflag:s17] =	ssyncset.done $0x0  }
0x348: {  	[sflag:s17] =	ssyncadd.s32 $0xFFFFFF80  }
0x349: {  	_ =	swait.ge [sflag:s17], $0x80  }
0x34a: {  	[sflag:s17] =	ssyncset.done $0x0  }
0x34b: {  	[sflag:s17] =	ssyncadd.s32 $0xFFFFFF80  }
0x34c: {  	_ =	swait.ge [sflag:s17], $0x80  }
0x34d: {  	[sflag:s17] =	ssyncset.done $0x0  }
0x34e: {  	[sflag:s17] =	ssyncadd.s32 $0xFFFFFF80  }
0x34f: {  	_ =	swait.ge [sflag:s17], $0x80  }
0x350: {  	[sflag:s17] =	ssyncset.done $0x0  }
0x351: {  	[sflag:s17] =	ssyncadd.s32 $0xFFFFFF80  }
0x352: {  	_ =	swait.ge [sflag:s17], $0x80  }
0x353: {  	[sflag:s17] =	ssyncset.done $0x0  }
0x354: {  	[sflag:s17] =	ssyncadd.s32 $0xFFFFFF80  }
0x355: {  	_ =	swait.ge [sflag:s17], $0x80  }
0x356: {  	[sflag:s17] =	ssyncset.done $0x0  }
0x357: {  	[sflag:s17] =	ssyncadd.s32 $0xFFFFFF80  }
0x358: {  	_ =	swait.ge [sflag:s17], $0x80  }
0x359: {  	[sflag:s17] =	ssyncset.done $0x0  }
0x35a: {  	[sflag:s17] =	ssyncadd.s32 $0xFFFFFF80  }
0x35b: {  	p1 =	sne.s32 s26, $0x6000;
	_ =	swait.ge [sflag:s22], $0x8000  }
.Ltmp0:
0x35c: {  	[sflag:s22] =	ssyncset.done $0x0;
	(pc) =	sbr.rel @p1 .LBB2_2-.Ltmp0, $4  }
0x35d: {  	[sflag:s22] =	ssyncadd.s32 $0xFFFF8000  }
0x35e: {  	_ =	swait.ge [sflag:s23], $0x8000  }
0x35f: {  	[sflag:s23] =	ssyncset.done $0x0  }
0x360: {  	s26 =	sadd.s32 $0x2000, s26;
	s25 =	sadd.s32 $0x40, s25;
	[sflag:s23] =	ssyncadd.s32 $0xFFFF8000  }
0x361: {  	s24 =	sadd.s32 $0x1, s24  }
0x362: {  	p1 =	sne.s32 s24, s11  }
.Ltmp1:
0x363: {  	_ = 	snop;
	(pc) =	sbr.rel @p1 .LBB2_1-.Ltmp1, $1  }
0x364: {  	_ =	sdelay $0x3  }
0x365: {  	_ =	sfence.sel $0x180000  }
0x366: {  	[bflag:$0x0] =	sbarrier.arrive $0xFFFF  }
0x367: {  	p0 =	sne.s32 s2, $0x0;
	_ =	strace $0x90000047  }
0x368: {  	s0 =	sadd.s32 @!p0 $0x100000, s0;
	[bflag:$0x2] =	sbarrier.arrive $0xFFFF  }
0x369: {  	[sflag:s0] =	ssyncadd.tile.s32 @!p0 $0x1;
	_ =	shalt  }
.Lfunc_end2:
_tile_overlayer_lowered:
.L_overlay_start_2:
0x36a: {  	(tag) =	ssettag $0x2  }
0x36b: {  	s0 =	rddreg [dreg:$0x0];
	s2 =	stileid.u32  }
0x36c: {  	s1 =	rddreg [dreg:$0x1];
	p0 =	sne.s32 s2, $0x0  }
0x36d: {  	s3 =	rddreg [dreg:$0x2];
	[bflag:$0x3] =	sbarrier.arrive $0xFFFF;
	s2 =	simm.s32 @!p0 $0x1C06  }
0x36e: {  	[timem:s3], [sflag:s2] =	dma.local @!p0 [hbm:s0], s1  }
0x36f: {  	s0 =	simm.s32 @!p0 $0x6  }
0x370: {  	_ =	swait.ge @!p0 [sflag:s0], s1  }
0x371: {  	s1 =	ssub.s32 @!p0 $0x0, s1;
	[sflag:s0] =	ssyncset.done @!p0 $0x0  }
0x372: {  	[sflag:s0] =	ssyncadd.s32 @!p0 s1  }
0x373: {  	[bflag:$0x3] =	sbarrier.arrive $0xFFFF  }
0x374: {  	_ =	shalt  }

</sc_bundles>
